<compile_context>
chip_gen: v7x
topology: tpu7x:2x2x1
jax: 0.10.2.dev20260603
libtpu: 0.0.44.dev20260713+nightly
codegen_flags: <defaults>
</compile_context>

<pallas_src>
import functools

import jax
import jax.numpy as jnp
from jax import lax
from jax.experimental import pallas as pl
from jax.experimental.pallas import tpu as pltpu
from jax.experimental.pallas import tpu_sc as plsc

H = 2048
E = 64
TOP_K = 2
T = 16384
EPS = 1e-06


_BT = 512


def _tc_logits_body(x_ref, w_ref, sc_ref, out_ref):
    x = x_ref[...]
    x2 = x * x
    acc = x2[:, 0:128]
    for k in range(1, H // 128):
        acc = acc + x2[:, 128 * k:128 * (k + 1)]
    s = acc
    for k in range(1, 16):
        s = s + pltpu.roll(acc, 128 - 8 * k, 1)
    t = s + pltpu.roll(s, 124, 1)
    t = t + pltpu.roll(t, 126, 1)
    t = t + pltpu.roll(t, 127, 1)
    mean = t[:, 0:1] * (1.0 / H)
    r = lax.rsqrt(mean + EPS)
    h = ((x * r) * sc_ref[...]) * (float(H) ** -0.5)
    out_ref[...] = lax.dot_general(
        w_ref[...].astype(jnp.bfloat16), h.astype(jnp.bfloat16),
        (((1,), (1,)), ((), ())),
        preferred_element_type=jnp.float32,
    )


def _tc_logits(x, w, sc2d):
    grid = (T // _BT,)
    return pl.pallas_call(
        _tc_logits_body,
        grid=grid,
        in_specs=[
            pl.BlockSpec((_BT, H), lambda i: (i, 0)),
            pl.BlockSpec((E, H), lambda i: (0, 0)),
            pl.BlockSpec((1, H), lambda i: (0, 0)),
        ],
        out_specs=pl.BlockSpec((E, _BT), lambda i: (0, i)),
        out_shape=jax.ShapeDtypeStruct((E, T), jnp.float32),
        compiler_params=pltpu.CompilerParams(
            dimension_semantics=("arbitrary",),
        ),
    )(x, w, sc2d)



_NC = 2
_NS = 16
_NW = _NC * _NS
_CHUNK = T // _NW
_GROUPS = _CHUNK // 16

@functools.cache
def _make_sc_router():
    mesh = plsc.VectorSubcoreMesh(
        core_axis_name="c", subcore_axis_name="s",
        num_cores=_NC, num_subcores=_NS,
    )
    return pl.kernel(
        _sc_router_body,
        out_type=(
            jax.ShapeDtypeStruct((T, TOP_K), jnp.float32),
            jax.ShapeDtypeStruct((T, TOP_K), jnp.int32),
        ),
        mesh=mesh,
        scratch_types=[
            pltpu.VMEM((E, _CHUNK), jnp.float32),
            pltpu.VMEM((E,), jnp.float32),
            pltpu.VMEM((_CHUNK, TOP_K), jnp.float32),
            pltpu.VMEM((_CHUNK, TOP_K), jnp.int32),
        ],
        compiler_params=pltpu.CompilerParams(
            needs_layout_passes=False, use_tc_tiling_on_sc=False,
        ),
    )


def _sc_router_body(lg_hbm, pes_hbm, out_w_hbm, out_i_hbm, lg_v, pes_v, w_v, i_v):
    wid = lax.axis_index("s") * _NC + lax.axis_index("c")
    base = wid * _CHUNK
    pltpu.sync_copy(lg_hbm.at[:, pl.ds(base, _CHUNK)], lg_v)
    pltpu.sync_copy(pes_hbm, pes_v)

    lanes = lax.iota(jnp.int32, 16)
    zeros16 = jnp.zeros((16,), jnp.int32)
    ones16 = jnp.ones((16,), jnp.int32)
    neg_inf = jnp.full((16,), -jnp.inf, jnp.float32)

    def group_body(g, carry):
        t0 = g * 16
        m1, m2 = neg_inf, neg_inf
        i1, i2 = zeros16, zeros16
        for e in range(E):
            v = lg_v[e, pl.ds(t0, 16)]
            e_vec = jnp.full((16,), e, jnp.int32)
            gt1 = v > m1
            gt2 = v > m2
            i2 = jnp.where(gt1, i1, jnp.where(gt2, e_vec, i2))
            m2 = jnp.where(gt1, m1, jnp.where(gt2, v, m2))
            i1 = jnp.where(gt1, e_vec, i1)
            m1 = jnp.where(gt1, v, m1)
        w1 = 1.0 / (1.0 + jnp.exp(m2 - m1))
        w2 = 1.0 - w1
        w1 = w1 * plsc.load_gather(pes_v, [i1])
        w2 = w2 * plsc.load_gather(pes_v, [i2])
        rows = t0 + lanes
        plsc.store_scatter(w_v, [rows, zeros16], w1)
        plsc.store_scatter(w_v, [rows, ones16], w2)
        plsc.store_scatter(i_v, [rows, zeros16], i1)
        plsc.store_scatter(i_v, [rows, ones16], i2)
        return carry

    lax.fori_loop(0, _GROUPS, group_body, 0)

    pltpu.sync_copy(w_v, out_w_hbm.at[pl.ds(base, _CHUNK), :])
    pltpu.sync_copy(i_v, out_i_hbm.at[pl.ds(base, _CHUNK), :])




def kernel(hidden_states, W, scale, per_expert_scale):
    logits_t = _tc_logits(hidden_states, W, scale.reshape(1, H))
    top_w, top_i = _make_sc_router()(logits_t, per_expert_scale)
    return (top_w, top_i)

# --- scband reference (transcript-rebuilt; emitter-appended) ---
"""Pipeline reference for scband-gemma4-router-386547057126 (READ-ONLY COPY).

The authoritative reference and input builder live on the scoring server;
editing this copy changes nothing except your own understanding.
"""

import jax, jax.numpy as jnp
import numpy as np

H = 2048
E = 64
TOP_K = 2
T = 16384
EPS = 1e-06


def setup_inputs(seed: int = 0) -> dict:
    key = jax.random.key(seed)
    k1, k2, k3, k4 = jax.random.split(key, 4)
    hidden_states = jax.random.normal(k1, (T, H), dtype=jnp.float32)
    # Learned parameters sized per init_kwargs (config)
    W = jax.random.normal(k2, (E, H), dtype=jnp.float32) * 0.02  # nn.Linear(H, E, bias=False).weight
    scale = jax.random.uniform(k3, (H,), dtype=jnp.float32, minval=0.9, maxval=1.1)
    per_expert_scale = jax.random.uniform(k4, (E,), dtype=jnp.float32, minval=0.5, maxval=1.5)
    return {"hidden_states": hidden_states, "W": W, "scale": scale, "per_expert_scale": per_expert_scale}


def reference(hidden_states, W, scale, per_expert_scale):
    # VNorm: RMSNorm without learnable scale, computed in float32
    x = hidden_states.astype(jnp.float32)
    h = x * jax.lax.rsqrt(jnp.mean(x * x, axis=-1, keepdims=True) + EPS)
    h = h.astype(hidden_states.dtype)
    # learnable per-hidden scale times 1/sqrt(H)
    h = h * scale * (float(H) ** -0.5)
    # router projection (torch Linear: logits = h @ W.T)
    logits = h @ W.T
    probs = jax.nn.softmax(logits, axis=-1)
    top_w, top_i = jax.lax.top_k(probs, TOP_K)
    # renormalize THEN apply per-expert scale (load-bearing order)
    top_w = top_w / jnp.sum(top_w, axis=-1, keepdims=True)
    top_w = top_w * per_expert_scale[top_i]
    return (top_w, top_i)

if __name__ == "__main__":
    import jax
    _d = setup_inputs()
    print(jax.jit(kernel)(*tuple(_d.values())))

</pallas_src>

<mosaic_0001>
#map = affine_map<(d0, d1) -> (0, 0)>
#map1 = affine_map<(d0, d1) -> (0)>
module attributes {stable_mosaic.version = 14 : i64} {
  func.func @_sc_router_body(%arg0: i32, %arg1: i32, %arg2: memref<64x16384xf32, #tpu.memory_space<hbm>>, %arg3: memref<64xf32, #tpu.memory_space<hbm>>, %arg4: memref<16384x2xf32, #tpu.memory_space<hbm>>, %arg5: memref<16384x2xi32, #tpu.memory_space<hbm>>, %arg6: memref<64x512xf32, #tpu.memory_space<vmem>>, %arg7: memref<64xf32, #tpu.memory_space<vmem>>, %arg8: memref<512x2xf32, #tpu.memory_space<vmem>>, %arg9: memref<512x2xi32, #tpu.memory_space<vmem>>) attributes {dimension_semantics = [#tpu.dimension_semantics<core_parallel>, #tpu.dimension_semantics<subcore_parallel>], iteration_bounds = array<i64: 2, 16>, scalar_prefetch = 0 : i64, scratch_operands = 4 : i64, tpu.core_type = #tpu.core_type<sc_vector_subcore>, window_params = [{transform_indices = #map}, {transform_indices = #map1}, {transform_indices = #map}, {transform_indices = #map}]} {
    %mul3A = arith.constant 2 : i32
    %mul3A_0 = arith.muli %arg1, %mul3A : i32
    %add3A = arith.addi %mul3A_0, %arg0 : i32
    %mul3A_1 = arith.constant 512 : i32
    %mul3A_2 = arith.muli %add3A, %mul3A_1 : i32
    "tpu.region"() ({
      %run_scoped3A = tpu.sem_alloc : memref<!tpu.dma_semaphore, #tpu.memory_space<semaphore_mem>>
      %dma_start3A = arith.constant 0 : i32
      %dma_start3A_13 = tpu.memref_slice %arg2[%dma_start3A, %mul3A_2] : memref<64x16384xf32, #tpu.memory_space<hbm>> -> memref<64x512xf32, #tpu.memory_space<hbm>>
      %dma_start3A_14 = arith.constant 0 : i32
      %dma_start3A_15 = tpu.memref_slice %arg2[%dma_start3A_14, %mul3A_2] : memref<64x16384xf32, #tpu.memory_space<hbm>> -> memref<64x512xf32, #tpu.memory_space<hbm>>
      tpu.enqueue_dma source(%dma_start3A_15 : memref<64x512xf32, #tpu.memory_space<hbm>>) target(%arg6 : memref<64x512xf32, #tpu.memory_space<vmem>>) target_semaphore(%run_scoped3A : memref<!tpu.dma_semaphore, #tpu.memory_space<semaphore_mem>>)
      %dma_wait3A = arith.constant 0 : i32
      %dma_wait3A_16 = tpu.memref_slice %arg2[%dma_wait3A, %mul3A_2] : memref<64x16384xf32, #tpu.memory_space<hbm>> -> memref<64x512xf32, #tpu.memory_space<hbm>>
      %dma_wait3A_17 = arith.constant 0 : i32
      %dma_wait3A_18 = tpu.memref_slice %arg2[%dma_wait3A_17, %mul3A_2] : memref<64x16384xf32, #tpu.memory_space<hbm>> -> memref<64x512xf32, #tpu.memory_space<hbm>>
      tpu.wait_dma2 semaphore(%run_scoped3A : memref<!tpu.dma_semaphore, #tpu.memory_space<semaphore_mem>>) src(%dma_wait3A_18 : memref<64x512xf32, #tpu.memory_space<hbm>>) dst(%arg6 : memref<64x512xf32, #tpu.memory_space<vmem>>)
      tpu.yield
    }) : () -> ()
    "tpu.region"() ({
      %run_scoped3A = tpu.sem_alloc : memref<!tpu.dma_semaphore, #tpu.memory_space<semaphore_mem>>
      tpu.enqueue_dma source(%arg3 : memref<64xf32, #tpu.memory_space<hbm>>) target(%arg7 : memref<64xf32, #tpu.memory_space<vmem>>) target_semaphore(%run_scoped3A : memref<!tpu.dma_semaphore, #tpu.memory_space<semaphore_mem>>)
      tpu.wait_dma2 semaphore(%run_scoped3A : memref<!tpu.dma_semaphore, #tpu.memory_space<semaphore_mem>>) src(%arg3 : memref<64xf32, #tpu.memory_space<hbm>>) dst(%arg7 : memref<64xf32, #tpu.memory_space<vmem>>)
      tpu.yield
    }) : () -> ()
    %iota3A = tpu.iota {dimensions = array<i32: 0>} : vector<16xi32>
    %broadcast_in_dim3A = arith.constant 0 : i32
    %broadcast_in_dim3A_3 = vector.broadcast %broadcast_in_dim3A : i32 to vector<16xi32>
    %broadcast_in_dim3A_4 = arith.constant 1 : i32
    %broadcast_in_dim3A_5 = vector.broadcast %broadcast_in_dim3A_4 : i32 to vector<16xi32>
    %broadcast_in_dim3A_6 = arith.constant 0xFF800000 : f32
    %broadcast_in_dim3A_7 = vector.broadcast %broadcast_in_dim3A_6 : f32 to vector<16xf32>
    %scan3A = arith.constant 0 : i32
    %scan3A_8 = arith.constant 0 : i32
    %scan3A_9 = arith.constant 32 : i32
    %scan3A_10 = arith.addi %scan3A_8, %scan3A_9 : i32
    %scan3A_11 = arith.constant 1 : i32
    scf.for %scan3A_13 = %scan3A_8 to %scan3A_10 step %scan3A_11  : i32 {
      %mul3A_14 = arith.constant 16 : i32
      %mul3A_15 = arith.muli %scan3A_13, %mul3A_14 : i32
      %get3A = arith.constant 0 : i32
      %get3A_16 = arith.index_cast %get3A : i32 to index
      %get3A_17 = arith.index_cast %mul3A_15 : i32 to index
      %get3A_18 = tpu.vector_load %arg6[%get3A_16, %get3A_17] {strides = array<i32>} : memref<64x512xf32, #tpu.memory_space<vmem>>, vector<16xf32>,
      %broadcast_in_dim3A_19 = arith.constant 0 : i32
      %broadcast_in_dim3A_20 = vector.broadcast %broadcast_in_dim3A_19 : i32 to vector<16xi32>
      %gt3A = arith.cmpf ogt, %get3A_18, %broadcast_in_dim3A_7 : vector<16xf32>
      %gt3A_21 = arith.cmpf ogt, %get3A_18, %broadcast_in_dim3A_7 : vector<16xf32>
      %select_n3A = arith.select %gt3A_21, %broadcast_in_dim3A_20, %broadcast_in_dim3A_3 : vector<16xi1>, vector<16xi32>
      %select_n3A_22 = arith.select %gt3A, %broadcast_in_dim3A_3, %select_n3A : vector<16xi1>, vector<16xi32>
      %select_n3A_23 = arith.select %gt3A_21, %get3A_18, %broadcast_in_dim3A_7 : vector<16xi1>, vector<16xf32>
      %select_n3A_24 = arith.select %gt3A, %broadcast_in_dim3A_7, %select_n3A_23 : vector<16xi1>, vector<16xf32>
      %select_n3A_25 = arith.select %gt3A, %broadcast_in_dim3A_20, %broadcast_in_dim3A_3 : vector<16xi1>, vector<16xi32>
      %select_n3A_26 = arith.select %gt3A, %get3A_18, %broadcast_in_dim3A_7 : vector<16xi1>, vector<16xf32>
      %get3A_27 = arith.constant 1 : i32
      %get3A_28 = arith.index_cast %get3A_27 : i32 to index
      %get3A_29 = arith.index_cast %mul3A_15 : i32 to index
      %get3A_30 = tpu.vector_load %arg6[%get3A_28, %get3A_29] {strides = array<i32>} : memref<64x512xf32, #tpu.memory_space<vmem>>, vector<16xf32>,
      %broadcast_in_dim3A_31 = arith.constant 1 : i32
      %broadcast_in_dim3A_32 = vector.broadcast %broadcast_in_dim3A_31 : i32 to vector<16xi32>
      %gt3A_33 = arith.cmpf ogt, %get3A_30, %select_n3A_26 : vector<16xf32>
      %gt3A_34 = arith.cmpf ogt, %get3A_30, %select_n3A_24 : vector<16xf32>
      %select_n3A_35 = arith.select %gt3A_34, %broadcast_in_dim3A_32, %select_n3A_22 : vector<16xi1>, vector<16xi32>
      %select_n3A_36 = arith.select %gt3A_33, %select_n3A_25, %select_n3A_35 : vector<16xi1>, vector<16xi32>
      %select_n3A_37 = arith.select %gt3A_34, %get3A_30, %select_n3A_24 : vector<16xi1>, vector<16xf32>
      %select_n3A_38 = arith.select %gt3A_33, %select_n3A_26, %select_n3A_37 : vector<16xi1>, vector<16xf32>
      %select_n3A_39 = arith.select %gt3A_33, %broadcast_in_dim3A_32, %select_n3A_25 : vector<16xi1>, vector<16xi32>
      %select_n3A_40 = arith.select %gt3A_33, %get3A_30, %select_n3A_26 : vector<16xi1>, vector<16xf32>
      %get3A_41 = arith.constant 2 : i32
      %get3A_42 = arith.index_cast %get3A_41 : i32 to index
      %get3A_43 = arith.index_cast %mul3A_15 : i32 to index
      %get3A_44 = tpu.vector_load %arg6[%get3A_42, %get3A_43] {strides = array<i32>} : memref<64x512xf32, #tpu.memory_space<vmem>>, vector<16xf32>,
      %broadcast_in_dim3A_45 = arith.constant 2 : i32
      %broadcast_in_dim3A_46 = vector.broadcast %broadcast_in_dim3A_45 : i32 to vector<16xi32>
      %gt3A_47 = arith.cmpf ogt, %get3A_44, %select_n3A_40 : vector<16xf32>
      %gt3A_48 = arith.cmpf ogt, %get3A_44, %select_n3A_38 : vector<16xf32>
      %select_n3A_49 = arith.select %gt3A_48, %broadcast_in_dim3A_46, %select_n3A_36 : vector<16xi1>, vector<16xi32>
      %select_n3A_50 = arith.select %gt3A_47, %select_n3A_39, %select_n3A_49 : vector<16xi1>, vector<16xi32>
      %select_n3A_51 = arith.select %gt3A_48, %get3A_44, %select_n3A_38 : vector<16xi1>, vector<16xf32>
      %select_n3A_52 = arith.select %gt3A_47, %select_n3A_40, %select_n3A_51 : vector<16xi1>, vector<16xf32>
      %select_n3A_53 = arith.select %gt3A_47, %broadcast_in_dim3A_46, %select_n3A_39 : vector<16xi1>, vector<16xi32>
      %select_n3A_54 = arith.select %gt3A_47, %get3A_44, %select_n3A_40 : vector<16xi1>, vector<16xf32>
      %get3A_55 = arith.constant 3 : i32
      %get3A_56 = arith.index_cast %get3A_55 : i32 to index
      %get3A_57 = arith.index_cast %mul3A_15 : i32 to index
      %get3A_58 = tpu.vector_load %arg6[%get3A_56, %get3A_57] {strides = array<i32>} : memref<64x512xf32, #tpu.memory_space<vmem>>, vector<16xf32>,
      %broadcast_in_dim3A_59 = arith.constant 3 : i32
      %broadcast_in_dim3A_60 = vector.broadcast %broadcast_in_dim3A_59 : i32 to vector<16xi32>
      %gt3A_61 = arith.cmpf ogt, %get3A_58, %select_n3A_54 : vector<16xf32>
      %gt3A_62 = arith.cmpf ogt, %get3A_58, %select_n3A_52 : vector<16xf32>
      %select_n3A_63 = arith.select %gt3A_62, %broadcast_in_dim3A_60, %select_n3A_50 : vector<16xi1>, vector<16xi32>
      %select_n3A_64 = arith.select %gt3A_61, %select_n3A_53, %select_n3A_63 : vector<16xi1>, vector<16xi32>
      %select_n3A_65 = arith.select %gt3A_62, %get3A_58, %select_n3A_52 : vector<16xi1>, vector<16xf32>
      %select_n3A_66 = arith.select %gt3A_61, %select_n3A_54, %select_n3A_65 : vector<16xi1>, vector<16xf32>
      %select_n3A_67 = arith.select %gt3A_61, %broadcast_in_dim3A_60, %select_n3A_53 : vector<16xi1>, vector<16xi32>
      %select_n3A_68 = arith.select %gt3A_61, %get3A_58, %select_n3A_54 : vector<16xi1>, vector<16xf32>
      %get3A_69 = arith.constant 4 : i32
      %get3A_70 = arith.index_cast %get3A_69 : i32 to index
      %get3A_71 = arith.index_cast %mul3A_15 : i32 to index
      %get3A_72 = tpu.vector_load %arg6[%get3A_70, %get3A_71] {strides = array<i32>} : memref<64x512xf32, #tpu.memory_space<vmem>>, vector<16xf32>,
      %broadcast_in_dim3A_73 = arith.constant 4 : i32
      %broadcast_in_dim3A_74 = vector.broadcast %broadcast_in_dim3A_73 : i32 to vector<16xi32>
      %gt3A_75 = arith.cmpf ogt, %get3A_72, %select_n3A_68 : vector<16xf32>
      %gt3A_76 = arith.cmpf ogt, %get3A_72, %select_n3A_66 : vector<16xf32>
      %select_n3A_77 = arith.select %gt3A_76, %broadcast_in_dim3A_74, %select_n3A_64 : vector<16xi1>, vector<16xi32>
      %select_n3A_78 = arith.select %gt3A_75, %select_n3A_67, %select_n3A_77 : vector<16xi1>, vector<16xi32>
      %select_n3A_79 = arith.select %gt3A_76, %get3A_72, %select_n3A_66 : vector<16xi1>, vector<16xf32>
      %select_n3A_80 = arith.select %gt3A_75, %select_n3A_68, %select_n3A_79 : vector<16xi1>, vector<16xf32>
      %select_n3A_81 = arith.select %gt3A_75, %broadcast_in_dim3A_74, %select_n3A_67 : vector<16xi1>, vector<16xi32>
      %select_n3A_82 = arith.select %gt3A_75, %get3A_72, %select_n3A_68 : vector<16xi1>, vector<16xf32>
      %get3A_83 = arith.constant 5 : i32
      %get3A_84 = arith.index_cast %get3A_83 : i32 to index
      %get3A_85 = arith.index_cast %mul3A_15 : i32 to index
      %get3A_86 = tpu.vector_load %arg6[%get3A_84, %get3A_85] {strides = array<i32>} : memref<64x512xf32, #tpu.memory_space<vmem>>, vector<16xf32>,
      %broadcast_in_dim3A_87 = arith.constant 5 : i32
      %broadcast_in_dim3A_88 = vector.broadcast %broadcast_in_dim3A_87 : i32 to vector<16xi32>
      %gt3A_89 = arith.cmpf ogt, %get3A_86, %select_n3A_82 : vector<16xf32>
      %gt3A_90 = arith.cmpf ogt, %get3A_86, %select_n3A_80 : vector<16xf32>
      %select_n3A_91 = arith.select %gt3A_90, %broadcast_in_dim3A_88, %select_n3A_78 : vector<16xi1>, vector<16xi32>
      %select_n3A_92 = arith.select %gt3A_89, %select_n3A_81, %select_n3A_91 : vector<16xi1>, vector<16xi32>
      %select_n3A_93 = arith.select %gt3A_90, %get3A_86, %select_n3A_80 : vector<16xi1>, vector<16xf32>
      %select_n3A_94 = arith.select %gt3A_89, %select_n3A_82, %select_n3A_93 : vector<16xi1>, vector<16xf32>
      %select_n3A_95 = arith.select %gt3A_89, %broadcast_in_dim3A_88, %select_n3A_81 : vector<16xi1>, vector<16xi32>
      %select_n3A_96 = arith.select %gt3A_89, %get3A_86, %select_n3A_82 : vector<16xi1>, vector<16xf32>
      %get3A_97 = arith.constant 6 : i32
      %get3A_98 = arith.index_cast %get3A_97 : i32 to index
      %get3A_99 = arith.index_cast %mul3A_15 : i32 to index
      %get3A_100 = tpu.vector_load %arg6[%get3A_98, %get3A_99] {strides = array<i32>} : memref<64x512xf32, #tpu.memory_space<vmem>>, vector<16xf32>,
      %broadcast_in_dim3A_101 = arith.constant 6 : i32
      %broadcast_in_dim3A_102 = vector.broadcast %broadcast_in_dim3A_101 : i32 to vector<16xi32>
      %gt3A_103 = arith.cmpf ogt, %get3A_100, %select_n3A_96 : vector<16xf32>
      %gt3A_104 = arith.cmpf ogt, %get3A_100, %select_n3A_94 : vector<16xf32>
      %select_n3A_105 = arith.select %gt3A_104, %broadcast_in_dim3A_102, %select_n3A_92 : vector<16xi1>, vector<16xi32>
      %select_n3A_106 = arith.select %gt3A_103, %select_n3A_95, %select_n3A_105 : vector<16xi1>, vector<16xi32>
      %select_n3A_107 = arith.select %gt3A_104, %get3A_100, %select_n3A_94 : vector<16xi1>, vector<16xf32>
      %select_n3A_108 = arith.select %gt3A_103, %select_n3A_96, %select_n3A_107 : vector<16xi1>, vector<16xf32>
      %select_n3A_109 = arith.select %gt3A_103, %broadcast_in_dim3A_102, %select_n3A_95 : vector<16xi1>, vector<16xi32>
      %select_n3A_110 = arith.select %gt3A_103, %get3A_100, %select_n3A_96 : vector<16xi1>, vector<16xf32>
      %get3A_111 = arith.constant 7 : i32
      %get3A_112 = arith.index_cast %get3A_111 : i32 to index
      %get3A_113 = arith.index_cast %mul3A_15 : i32 to index
      %get3A_114 = tpu.vector_load %arg6[%get3A_112, %get3A_113] {strides = array<i32>} : memref<64x512xf32, #tpu.memory_space<vmem>>, vector<16xf32>,
      %broadcast_in_dim3A_115 = arith.constant 7 : i32
      %broadcast_in_dim3A_116 = vector.broadcast %broadcast_in_dim3A_115 : i32 to vector<16xi32>
      %gt3A_117 = arith.cmpf ogt, %get3A_114, %select_n3A_110 : vector<16xf32>
      %gt3A_118 = arith.cmpf ogt, %get3A_114, %select_n3A_108 : vector<16xf32>
      %select_n3A_119 = arith.select %gt3A_118, %broadcast_in_dim3A_116, %select_n3A_106 : vector<16xi1>, vector<16xi32>
      %select_n3A_120 = arith.select %gt3A_117, %select_n3A_109, %select_n3A_119 : vector<16xi1>, vector<16xi32>
      %select_n3A_121 = arith.select %gt3A_118, %get3A_114, %select_n3A_108 : vector<16xi1>, vector<16xf32>
      %select_n3A_122 = arith.select %gt3A_117, %select_n3A_110, %select_n3A_121 : vector<16xi1>, vector<16xf32>
      %select_n3A_123 = arith.select %gt3A_117, %broadcast_in_dim3A_116, %select_n3A_109 : vector<16xi1>, vector<16xi32>
      %select_n3A_124 = arith.select %gt3A_117, %get3A_114, %select_n3A_110 : vector<16xi1>, vector<16xf32>
      %get3A_125 = arith.constant 8 : i32
      %get3A_126 = arith.index_cast %get3A_125 : i32 to index
      %get3A_127 = arith.index_cast %mul3A_15 : i32 to index
      %get3A_128 = tpu.vector_load %arg6[%get3A_126, %get3A_127] {strides = array<i32>} : memref<64x512xf32, #tpu.memory_space<vmem>>, vector<16xf32>,
      %broadcast_in_dim3A_129 = arith.constant 8 : i32
      %broadcast_in_dim3A_130 = vector.broadcast %broadcast_in_dim3A_129 : i32 to vector<16xi32>
      %gt3A_131 = arith.cmpf ogt, %get3A_128, %select_n3A_124 : vector<16xf32>
      %gt3A_132 = arith.cmpf ogt, %get3A_128, %select_n3A_122 : vector<16xf32>
      %select_n3A_133 = arith.select %gt3A_132, %broadcast_in_dim3A_130, %select_n3A_120 : vector<16xi1>, vector<16xi32>
      %select_n3A_134 = arith.select %gt3A_131, %select_n3A_123, %select_n3A_133 : vector<16xi1>, vector<16xi32>
      %select_n3A_135 = arith.select %gt3A_132, %get3A_128, %select_n3A_122 : vector<16xi1>, vector<16xf32>
      %select_n3A_136 = arith.select %gt3A_131, %select_n3A_124, %select_n3A_135 : vector<16xi1>, vector<16xf32>
      %select_n3A_137 = arith.select %gt3A_131, %broadcast_in_dim3A_130, %select_n3A_123 : vector<16xi1>, vector<16xi32>
      %select_n3A_138 = arith.select %gt3A_131, %get3A_128, %select_n3A_124 : vector<16xi1>, vector<16xf32>
      %get3A_139 = arith.constant 9 : i32
      %get3A_140 = arith.index_cast %get3A_139 : i32 to index
      %get3A_141 = arith.index_cast %mul3A_15 : i32 to index
      %get3A_142 = tpu.vector_load %arg6[%get3A_140, %get3A_141] {strides = array<i32>} : memref<64x512xf32, #tpu.memory_space<vmem>>, vector<16xf32>,
      %broadcast_in_dim3A_143 = arith.constant 9 : i32
      %broadcast_in_dim3A_144 = vector.broadcast %broadcast_in_dim3A_143 : i32 to vector<16xi32>
      %gt3A_145 = arith.cmpf ogt, %get3A_142, %select_n3A_138 : vector<16xf32>
      %gt3A_146 = arith.cmpf ogt, %get3A_142, %select_n3A_136 : vector<16xf32>
      %select_n3A_147 = arith.select %gt3A_146, %broadcast_in_dim3A_144, %select_n3A_134 : vector<16xi1>, vector<16xi32>
      %select_n3A_148 = arith.select %gt3A_145, %select_n3A_137, %select_n3A_147 : vector<16xi1>, vector<16xi32>
      %select_n3A_149 = arith.select %gt3A_146, %get3A_142, %select_n3A_136 : vector<16xi1>, vector<16xf32>
      %select_n3A_150 = arith.select %gt3A_145, %select_n3A_138, %select_n3A_149 : vector<16xi1>, vector<16xf32>
      %select_n3A_151 = arith.select %gt3A_145, %broadcast_in_dim3A_144, %select_n3A_137 : vector<16xi1>, vector<16xi32>
      %select_n3A_152 = arith.select %gt3A_145, %get3A_142, %select_n3A_138 : vector<16xi1>, vector<16xf32>
      %get3A_153 = arith.constant 10 : i32
      %get3A_154 = arith.index_cast %get3A_153 : i32 to index
      %get3A_155 = arith.index_cast %mul3A_15 : i32 to index
      %get3A_156 = tpu.vector_load %arg6[%get3A_154, %get3A_155] {strides = array<i32>} : memref<64x512xf32, #tpu.memory_space<vmem>>, vector<16xf32>,
      %broadcast_in_dim3A_157 = arith.constant 10 : i32
      %broadcast_in_dim3A_158 = vector.broadcast %broadcast_in_dim3A_157 : i32 to vector<16xi32>
      %gt3A_159 = arith.cmpf ogt, %get3A_156, %select_n3A_152 : vector<16xf32>
      %gt3A_160 = arith.cmpf ogt, %get3A_156, %select_n3A_150 : vector<16xf32>
      %select_n3A_161 = arith.select %gt3A_160, %broadcast_in_dim3A_158, %select_n3A_148 : vector<16xi1>, vector<16xi32>
      %select_n3A_162 = arith.select %gt3A_159, %select_n3A_151, %select_n3A_161 : vector<16xi1>, vector<16xi32>
      %select_n3A_163 = arith.select %gt3A_160, %get3A_156, %select_n3A_150 : vector<16xi1>, vector<16xf32>
      %select_n3A_164 = arith.select %gt3A_159, %select_n3A_152, %select_n3A_163 : vector<16xi1>, vector<16xf32>
      %select_n3A_165 = arith.select %gt3A_159, %broadcast_in_dim3A_158, %select_n3A_151 : vector<16xi1>, vector<16xi32>
      %select_n3A_166 = arith.select %gt3A_159, %get3A_156, %select_n3A_152 : vector<16xi1>, vector<16xf32>
      %get3A_167 = arith.constant 11 : i32
      %get3A_168 = arith.index_cast %get3A_167 : i32 to index
      %get3A_169 = arith.index_cast %mul3A_15 : i32 to index
      %get3A_170 = tpu.vector_load %arg6[%get3A_168, %get3A_169] {strides = array<i32>} : memref<64x512xf32, #tpu.memory_space<vmem>>, vector<16xf32>,
      %broadcast_in_dim3A_171 = arith.constant 11 : i32
      %broadcast_in_dim3A_172 = vector.broadcast %broadcast_in_dim3A_171 : i32 to vector<16xi32>
      %gt3A_173 = arith.cmpf ogt, %get3A_170, %select_n3A_166 : vector<16xf32>
      %gt3A_174 = arith.cmpf ogt, %get3A_170, %select_n3A_164 : vector<16xf32>
      %select_n3A_175 = arith.select %gt3A_174, %broadcast_in_dim3A_172, %select_n3A_162 : vector<16xi1>, vector<16xi32>
      %select_n3A_176 = arith.select %gt3A_173, %select_n3A_165, %select_n3A_175 : vector<16xi1>, vector<16xi32>
      %select_n3A_177 = arith.select %gt3A_174, %get3A_170, %select_n3A_164 : vector<16xi1>, vector<16xf32>
      %select_n3A_178 = arith.select %gt3A_173, %select_n3A_166, %select_n3A_177 : vector<16xi1>, vector<16xf32>
      %select_n3A_179 = arith.select %gt3A_173, %broadcast_in_dim3A_172, %select_n3A_165 : vector<16xi1>, vector<16xi32>
      %select_n3A_180 = arith.select %gt3A_173, %get3A_170, %select_n3A_166 : vector<16xi1>, vector<16xf32>
      %get3A_181 = arith.constant 12 : i32
      %get3A_182 = arith.index_cast %get3A_181 : i32 to index
      %get3A_183 = arith.index_cast %mul3A_15 : i32 to index
      %get3A_184 = tpu.vector_load %arg6[%get3A_182, %get3A_183] {strides = array<i32>} : memref<64x512xf32, #tpu.memory_space<vmem>>, vector<16xf32>,
      %broadcast_in_dim3A_185 = arith.constant 12 : i32
      %broadcast_in_dim3A_186 = vector.broadcast %broadcast_in_dim3A_185 : i32 to vector<16xi32>
      %gt3A_187 = arith.cmpf ogt, %get3A_184, %select_n3A_180 : vector<16xf32>
      %gt3A_188 = arith.cmpf ogt, %get3A_184, %select_n3A_178 : vector<16xf32>
      %select_n3A_189 = arith.select %gt3A_188, %broadcast_in_dim3A_186, %select_n3A_176 : vector<16xi1>, vector<16xi32>
      %select_n3A_190 = arith.select %gt3A_187, %select_n3A_179, %select_n3A_189 : vector<16xi1>, vector<16xi32>
      %select_n3A_191 = arith.select %gt3A_188, %get3A_184, %select_n3A_178 : vector<16xi1>, vector<16xf32>
      %select_n3A_192 = arith.select %gt3A_187, %select_n3A_180, %select_n3A_191 : vector<16xi1>, vector<16xf32>
      %select_n3A_193 = arith.select %gt3A_187, %broadcast_in_dim3A_186, %select_n3A_179 : vector<16xi1>, vector<16xi32>
      %select_n3A_194 = arith.select %gt3A_187, %get3A_184, %select_n3A_180 : vector<16xi1>, vector<16xf32>
      %get3A_195 = arith.constant 13 : i32
      %get3A_196 = arith.index_cast %get3A_195 : i32 to index
      %get3A_197 = arith.index_cast %mul3A_15 : i32 to index
      %get3A_198 = tpu.vector_load %arg6[%get3A_196, %get3A_197] {strides = array<i32>} : memref<64x512xf32, #tpu.memory_space<vmem>>, vector<16xf32>,
      %broadcast_in_dim3A_199 = arith.constant 13 : i32
      %broadcast_in_dim3A_200 = vector.broadcast %broadcast_in_dim3A_199 : i32 to vector<16xi32>
      %gt3A_201 = arith.cmpf ogt, %get3A_198, %select_n3A_194 : vector<16xf32>
      %gt3A_202 = arith.cmpf ogt, %get3A_198, %select_n3A_192 : vector<16xf32>
      %select_n3A_203 = arith.select %gt3A_202, %broadcast_in_dim3A_200, %select_n3A_190 : vector<16xi1>, vector<16xi32>
      %select_n3A_204 = arith.select %gt3A_201, %select_n3A_193, %select_n3A_203 : vector<16xi1>, vector<16xi32>
      %select_n3A_205 = arith.select %gt3A_202, %get3A_198, %select_n3A_192 : vector<16xi1>, vector<16xf32>
      %select_n3A_206 = arith.select %gt3A_201, %select_n3A_194, %select_n3A_205 : vector<16xi1>, vector<16xf32>
      %select_n3A_207 = arith.select %gt3A_201, %broadcast_in_dim3A_200, %select_n3A_193 : vector<16xi1>, vector<16xi32>
      %select_n3A_208 = arith.select %gt3A_201, %get3A_198, %select_n3A_194 : vector<16xi1>, vector<16xf32>
      %get3A_209 = arith.constant 14 : i32
      %get3A_210 = arith.index_cast %get3A_209 : i32 to index
      %get3A_211 = arith.index_cast %mul3A_15 : i32 to index
      %get3A_212 = tpu.vector_load %arg6[%get3A_210, %get3A_211] {strides = array<i32>} : memref<64x512xf32, #tpu.memory_space<vmem>>, vector<16xf32>,
      %broadcast_in_dim3A_213 = arith.constant 14 : i32
      %broadcast_in_dim3A_214 = vector.broadcast %broadcast_in_dim3A_213 : i32 to vector<16xi32>
      %gt3A_215 = arith.cmpf ogt, %get3A_212, %select_n3A_208 : vector<16xf32>
      %gt3A_216 = arith.cmpf ogt, %get3A_212, %select_n3A_206 : vector<16xf32>
      %select_n3A_217 = arith.select %gt3A_216, %broadcast_in_dim3A_214, %select_n3A_204 : vector<16xi1>, vector<16xi32>
      %select_n3A_218 = arith.select %gt3A_215, %select_n3A_207, %select_n3A_217 : vector<16xi1>, vector<16xi32>
      %select_n3A_219 = arith.select %gt3A_216, %get3A_212, %select_n3A_206 : vector<16xi1>, vector<16xf32>
      %select_n3A_220 = arith.select %gt3A_215, %select_n3A_208, %select_n3A_219 : vector<16xi1>, vector<16xf32>
      %select_n3A_221 = arith.select %gt3A_215, %broadcast_in_dim3A_214, %select_n3A_207 : vector<16xi1>, vector<16xi32>
      %select_n3A_222 = arith.select %gt3A_215, %get3A_212, %select_n3A_208 : vector<16xi1>, vector<16xf32>
      %get3A_223 = arith.constant 15 : i32
      %get3A_224 = arith.index_cast %get3A_223 : i32 to index
      %get3A_225 = arith.index_cast %mul3A_15 : i32 to index
      %get3A_226 = tpu.vector_load %arg6[%get3A_224, %get3A_225] {strides = array<i32>} : memref<64x512xf32, #tpu.memory_space<vmem>>, vector<16xf32>,
      %broadcast_in_dim3A_227 = arith.constant 15 : i32
      %broadcast_in_dim3A_228 = vector.broadcast %broadcast_in_dim3A_227 : i32 to vector<16xi32>
      %gt3A_229 = arith.cmpf ogt, %get3A_226, %select_n3A_222 : vector<16xf32>
      %gt3A_230 = arith.cmpf ogt, %get3A_226, %select_n3A_220 : vector<16xf32>
      %select_n3A_231 = arith.select %gt3A_230, %broadcast_in_dim3A_228, %select_n3A_218 : vector<16xi1>, vector<16xi32>
      %select_n3A_232 = arith.select %gt3A_229, %select_n3A_221, %select_n3A_231 : vector<16xi1>, vector<16xi32>
      %select_n3A_233 = arith.select %gt3A_230, %get3A_226, %select_n3A_220 : vector<16xi1>, vector<16xf32>
      %select_n3A_234 = arith.select %gt3A_229, %select_n3A_222, %select_n3A_233 : vector<16xi1>, vector<16xf32>
      %select_n3A_235 = arith.select %gt3A_229, %broadcast_in_dim3A_228, %select_n3A_221 : vector<16xi1>, vector<16xi32>
      %select_n3A_236 = arith.select %gt3A_229, %get3A_226, %select_n3A_222 : vector<16xi1>, vector<16xf32>
      %get3A_237 = arith.constant 16 : i32
      %get3A_238 = arith.index_cast %get3A_237 : i32 to index
      %get3A_239 = arith.index_cast %mul3A_15 : i32 to index
      %get3A_240 = tpu.vector_load %arg6[%get3A_238, %get3A_239] {strides = array<i32>} : memref<64x512xf32, #tpu.memory_space<vmem>>, vector<16xf32>,
      %broadcast_in_dim3A_241 = arith.constant 16 : i32
      %broadcast_in_dim3A_242 = vector.broadcast %broadcast_in_dim3A_241 : i32 to vector<16xi32>
      %gt3A_243 = arith.cmpf ogt, %get3A_240, %select_n3A_236 : vector<16xf32>
      %gt3A_244 = arith.cmpf ogt, %get3A_240, %select_n3A_234 : vector<16xf32>
      %select_n3A_245 = arith.select %gt3A_244, %broadcast_in_dim3A_242, %select_n3A_232 : vector<16xi1>, vector<16xi32>
      %select_n3A_246 = arith.select %gt3A_243, %select_n3A_235, %select_n3A_245 : vector<16xi1>, vector<16xi32>
      %select_n3A_247 = arith.select %gt3A_244, %get3A_240, %select_n3A_234 : vector<16xi1>, vector<16xf32>
      %select_n3A_248 = arith.select %gt3A_243, %select_n3A_236, %select_n3A_247 : vector<16xi1>, vector<16xf32>
      %select_n3A_249 = arith.select %gt3A_243, %broadcast_in_dim3A_242, %select_n3A_235 : vector<16xi1>, vector<16xi32>
      %select_n3A_250 = arith.select %gt3A_243, %get3A_240, %select_n3A_236 : vector<16xi1>, vector<16xf32>
      %get3A_251 = arith.constant 17 : i32
      %get3A_252 = arith.index_cast %get3A_251 : i32 to index
      %get3A_253 = arith.index_cast %mul3A_15 : i32 to index
      %get3A_254 = tpu.vector_load %arg6[%get3A_252, %get3A_253] {strides = array<i32>} : memref<64x512xf32, #tpu.memory_space<vmem>>, vector<16xf32>,
      %broadcast_in_dim3A_255 = arith.constant 17 : i32
      %broadcast_in_dim3A_256 = vector.broadcast %broadcast_in_dim3A_255 : i32 to vector<16xi32>
      %gt3A_257 = arith.cmpf ogt, %get3A_254, %select_n3A_250 : vector<16xf32>
      %gt3A_258 = arith.cmpf ogt, %get3A_254, %select_n3A_248 : vector<16xf32>
      %select_n3A_259 = arith.select %gt3A_258, %broadcast_in_dim3A_256, %select_n3A_246 : vector<16xi1>, vector<16xi32>
      %select_n3A_260 = arith.select %gt3A_257, %select_n3A_249, %select_n3A_259 : vector<16xi1>, vector<16xi32>
      %select_n3A_261 = arith.select %gt3A_258, %get3A_254, %select_n3A_248 : vector<16xi1>, vector<16xf32>
      %select_n3A_262 = arith.select %gt3A_257, %select_n3A_250, %select_n3A_261 : vector<16xi1>, vector<16xf32>
      %select_n3A_263 = arith.select %gt3A_257, %broadcast_in_dim3A_256, %select_n3A_249 : vector<16xi1>, vector<16xi32>
      %select_n3A_264 = arith.select %gt3A_257, %get3A_254, %select_n3A_250 : vector<16xi1>, vector<16xf32>
      %get3A_265 = arith.constant 18 : i32
      %get3A_266 = arith.index_cast %get3A_265 : i32 to index
      %get3A_267 = arith.index_cast %mul3A_15 : i32 to index
      %get3A_268 = tpu.vector_load %arg6[%get3A_266, %get3A_267] {strides = array<i32>} : memref<64x512xf32, #tpu.memory_space<vmem>>, vector<16xf32>,
      %broadcast_in_dim3A_269 = arith.constant 18 : i32
      %broadcast_in_dim3A_270 = vector.broadcast %broadcast_in_dim3A_269 : i32 to vector<16xi32>
      %gt3A_271 = arith.cmpf ogt, %get3A_268, %select_n3A_264 : vector<16xf32>
      %gt3A_272 = arith.cmpf ogt, %get3A_268, %select_n3A_262 : vector<16xf32>
      %select_n3A_273 = arith.select %gt3A_272, %broadcast_in_dim3A_270, %select_n3A_260 : vector<16xi1>, vector<16xi32>
      %select_n3A_274 = arith.select %gt3A_271, %select_n3A_263, %select_n3A_273 : vector<16xi1>, vector<16xi32>
      %select_n3A_275 = arith.select %gt3A_272, %get3A_268, %select_n3A_262 : vector<16xi1>, vector<16xf32>
      %select_n3A_276 = arith.select %gt3A_271, %select_n3A_264, %select_n3A_275 : vector<16xi1>, vector<16xf32>
      %select_n3A_277 = arith.select %gt3A_271, %broadcast_in_dim3A_270, %select_n3A_263 : vector<16xi1>, vector<16xi32>
      %select_n3A_278 = arith.select %gt3A_271, %get3A_268, %select_n3A_264 : vector<16xi1>, vector<16xf32>
      %get3A_279 = arith.constant 19 : i32
      %get3A_280 = arith.index_cast %get3A_279 : i32 to index
      %get3A_281 = arith.index_cast %mul3A_15 : i32 to index
      %get3A_282 = tpu.vector_load %arg6[%get3A_280, %get3A_281] {strides = array<i32>} : memref<64x512xf32, #tpu.memory_space<vmem>>, vector<16xf32>,
      %broadcast_in_dim3A_283 = arith.constant 19 : i32
      %broadcast_in_dim3A_284 = vector.broadcast %broadcast_in_dim3A_283 : i32 to vector<16xi32>
      %gt3A_285 = arith.cmpf ogt, %get3A_282, %select_n3A_278 : vector<16xf32>
      %gt3A_286 = arith.cmpf ogt, %get3A_282, %select_n3A_276 : vector<16xf32>
      %select_n3A_287 = arith.select %gt3A_286, %broadcast_in_dim3A_284, %select_n3A_274 : vector<16xi1>, vector<16xi32>
      %select_n3A_288 = arith.select %gt3A_285, %select_n3A_277, %select_n3A_287 : vector<16xi1>, vector<16xi32>
      %select_n3A_289 = arith.select %gt3A_286, %get3A_282, %select_n3A_276 : vector<16xi1>, vector<16xf32>
      %select_n3A_290 = arith.select %gt3A_285, %select_n3A_278, %select_n3A_289 : vector<16xi1>, vector<16xf32>
      %select_n3A_291 = arith.select %gt3A_285, %broadcast_in_dim3A_284, %select_n3A_277 : vector<16xi1>, vector<16xi32>
      %select_n3A_292 = arith.select %gt3A_285, %get3A_282, %select_n3A_278 : vector<16xi1>, vector<16xf32>
      %get3A_293 = arith.constant 20 : i32
      %get3A_294 = arith.index_cast %get3A_293 : i32 to index
      %get3A_295 = arith.index_cast %mul3A_15 : i32 to index
      %get3A_296 = tpu.vector_load %arg6[%get3A_294, %get3A_295] {strides = array<i32>} : memref<64x512xf32, #tpu.memory_space<vmem>>, vector<16xf32>,
      %broadcast_in_dim3A_297 = arith.constant 20 : i32
      %broadcast_in_dim3A_298 = vector.broadcast %broadcast_in_dim3A_297 : i32 to vector<16xi32>
      %gt3A_299 = arith.cmpf ogt, %get3A_296, %select_n3A_292 : vector<16xf32>
      %gt3A_300 = arith.cmpf ogt, %get3A_296, %select_n3A_290 : vector<16xf32>
      %select_n3A_301 = arith.select %gt3A_300, %broadcast_in_dim3A_298, %select_n3A_288 : vector<16xi1>, vector<16xi32>
      %select_n3A_302 = arith.select %gt3A_299, %select_n3A_291, %select_n3A_301 : vector<16xi1>, vector<16xi32>
      %select_n3A_303 = arith.select %gt3A_300, %get3A_296, %select_n3A_290 : vector<16xi1>, vector<16xf32>
      %select_n3A_304 = arith.select %gt3A_299, %select_n3A_292, %select_n3A_303 : vector<16xi1>, vector<16xf32>
      %select_n3A_305 = arith.select %gt3A_299, %broadcast_in_dim3A_298, %select_n3A_291 : vector<16xi1>, vector<16xi32>
      %select_n3A_306 = arith.select %gt3A_299, %get3A_296, %select_n3A_292 : vector<16xi1>, vector<16xf32>
      %get3A_307 = arith.constant 21 : i32
      %get3A_308 = arith.index_cast %get3A_307 : i32 to index
      %get3A_309 = arith.index_cast %mul3A_15 : i32 to index
      %get3A_310 = tpu.vector_load %arg6[%get3A_308, %get3A_309] {strides = array<i32>} : memref<64x512xf32, #tpu.memory_space<vmem>>, vector<16xf32>,
      %broadcast_in_dim3A_311 = arith.constant 21 : i32
      %broadcast_in_dim3A_312 = vector.broadcast %broadcast_in_dim3A_311 : i32 to vector<16xi32>
      %gt3A_313 = arith.cmpf ogt, %get3A_310, %select_n3A_306 : vector<16xf32>
      %gt3A_314 = arith.cmpf ogt, %get3A_310, %select_n3A_304 : vector<16xf32>
      %select_n3A_315 = arith.select %gt3A_314, %broadcast_in_dim3A_312, %select_n3A_302 : vector<16xi1>, vector<16xi32>
      %select_n3A_316 = arith.select %gt3A_313, %select_n3A_305, %select_n3A_315 : vector<16xi1>, vector<16xi32>
      %select_n3A_317 = arith.select %gt3A_314, %get3A_310, %select_n3A_304 : vector<16xi1>, vector<16xf32>
      %select_n3A_318 = arith.select %gt3A_313, %select_n3A_306, %select_n3A_317 : vector<16xi1>, vector<16xf32>
      %select_n3A_319 = arith.select %gt3A_313, %broadcast_in_dim3A_312, %select_n3A_305 : vector<16xi1>, vector<16xi32>
      %select_n3A_320 = arith.select %gt3A_313, %get3A_310, %select_n3A_306 : vector<16xi1>, vector<16xf32>
      %get3A_321 = arith.constant 22 : i32
      %get3A_322 = arith.index_cast %get3A_321 : i32 to index
      %get3A_323 = arith.index_cast %mul3A_15 : i32 to index
      %get3A_324 = tpu.vector_load %arg6[%get3A_322, %get3A_323] {strides = array<i32>} : memref<64x512xf32, #tpu.memory_space<vmem>>, vector<16xf32>,
      %broadcast_in_dim3A_325 = arith.constant 22 : i32
      %broadcast_in_dim3A_326 = vector.broadcast %broadcast_in_dim3A_325 : i32 to vector<16xi32>
      %gt3A_327 = arith.cmpf ogt, %get3A_324, %select_n3A_320 : vector<16xf32>
      %gt3A_328 = arith.cmpf ogt, %get3A_324, %select_n3A_318 : vector<16xf32>
      %select_n3A_329 = arith.select %gt3A_328, %broadcast_in_dim3A_326, %select_n3A_316 : vector<16xi1>, vector<16xi32>
      %select_n3A_330 = arith.select %gt3A_327, %select_n3A_319, %select_n3A_329 : vector<16xi1>, vector<16xi32>
      %select_n3A_331 = arith.select %gt3A_328, %get3A_324, %select_n3A_318 : vector<16xi1>, vector<16xf32>
      %select_n3A_332 = arith.select %gt3A_327, %select_n3A_320, %select_n3A_331 : vector<16xi1>, vector<16xf32>
      %select_n3A_333 = arith.select %gt3A_327, %broadcast_in_dim3A_326, %select_n3A_319 : vector<16xi1>, vector<16xi32>
      %select_n3A_334 = arith.select %gt3A_327, %get3A_324, %select_n3A_320 : vector<16xi1>, vector<16xf32>
      %get3A_335 = arith.constant 23 : i32
      %get3A_336 = arith.index_cast %get3A_335 : i32 to index
      %get3A_337 = arith.index_cast %mul3A_15 : i32 to index
      %get3A_338 = tpu.vector_load %arg6[%get3A_336, %get3A_337] {strides = array<i32>} : memref<64x512xf32, #tpu.memory_space<vmem>>, vector<16xf32>,
      %broadcast_in_dim3A_339 = arith.constant 23 : i32
      %broadcast_in_dim3A_340 = vector.broadcast %broadcast_in_dim3A_339 : i32 to vector<16xi32>
      %gt3A_341 = arith.cmpf ogt, %get3A_338, %select_n3A_334 : vector<16xf32>
      %gt3A_342 = arith.cmpf ogt, %get3A_338, %select_n3A_332 : vector<16xf32>
      %select_n3A_343 = arith.select %gt3A_342, %broadcast_in_dim3A_340, %select_n3A_330 : vector<16xi1>, vector<16xi32>
      %select_n3A_344 = arith.select %gt3A_341, %select_n3A_333, %select_n3A_343 : vector<16xi1>, vector<16xi32>
      %select_n3A_345 = arith.select %gt3A_342, %get3A_338, %select_n3A_332 : vector<16xi1>, vector<16xf32>
      %select_n3A_346 = arith.select %gt3A_341, %select_n3A_334, %select_n3A_345 : vector<16xi1>, vector<16xf32>
      %select_n3A_347 = arith.select %gt3A_341, %broadcast_in_dim3A_340, %select_n3A_333 : vector<16xi1>, vector<16xi32>
      %select_n3A_348 = arith.select %gt3A_341, %get3A_338, %select_n3A_334 : vector<16xi1>, vector<16xf32>
      %get3A_349 = arith.constant 24 : i32
      %get3A_350 = arith.index_cast %get3A_349 : i32 to index
      %get3A_351 = arith.index_cast %mul3A_15 : i32 to index
      %get3A_352 = tpu.vector_load %arg6[%get3A_350, %get3A_351] {strides = array<i32>} : memref<64x512xf32, #tpu.memory_space<vmem>>, vector<16xf32>,
      %broadcast_in_dim3A_353 = arith.constant 24 : i32
      %broadcast_in_dim3A_354 = vector.broadcast %broadcast_in_dim3A_353 : i32 to vector<16xi32>
      %gt3A_355 = arith.cmpf ogt, %get3A_352, %select_n3A_348 : vector<16xf32>
      %gt3A_356 = arith.cmpf ogt, %get3A_352, %select_n3A_346 : vector<16xf32>
      %select_n3A_357 = arith.select %gt3A_356, %broadcast_in_dim3A_354, %select_n3A_344 : vector<16xi1>, vector<16xi32>
      %select_n3A_358 = arith.select %gt3A_355, %select_n3A_347, %select_n3A_357 : vector<16xi1>, vector<16xi32>
      %select_n3A_359 = arith.select %gt3A_356, %get3A_352, %select_n3A_346 : vector<16xi1>, vector<16xf32>
      %select_n3A_360 = arith.select %gt3A_355, %select_n3A_348, %select_n3A_359 : vector<16xi1>, vector<16xf32>
      %select_n3A_361 = arith.select %gt3A_355, %broadcast_in_dim3A_354, %select_n3A_347 : vector<16xi1>, vector<16xi32>
      %select_n3A_362 = arith.select %gt3A_355, %get3A_352, %select_n3A_348 : vector<16xi1>, vector<16xf32>
      %get3A_363 = arith.constant 25 : i32
      %get3A_364 = arith.index_cast %get3A_363 : i32 to index
      %get3A_365 = arith.index_cast %mul3A_15 : i32 to index
      %get3A_366 = tpu.vector_load %arg6[%get3A_364, %get3A_365] {strides = array<i32>} : memref<64x512xf32, #tpu.memory_space<vmem>>, vector<16xf32>,
      %broadcast_in_dim3A_367 = arith.constant 25 : i32
      %broadcast_in_dim3A_368 = vector.broadcast %broadcast_in_dim3A_367 : i32 to vector<16xi32>
      %gt3A_369 = arith.cmpf ogt, %get3A_366, %select_n3A_362 : vector<16xf32>
      %gt3A_370 = arith.cmpf ogt, %get3A_366, %select_n3A_360 : vector<16xf32>
      %select_n3A_371 = arith.select %gt3A_370, %broadcast_in_dim3A_368, %select_n3A_358 : vector<16xi1>, vector<16xi32>
      %select_n3A_372 = arith.select %gt3A_369, %select_n3A_361, %select_n3A_371 : vector<16xi1>, vector<16xi32>
      %select_n3A_373 = arith.select %gt3A_370, %get3A_366, %select_n3A_360 : vector<16xi1>, vector<16xf32>
      %select_n3A_374 = arith.select %gt3A_369, %select_n3A_362, %select_n3A_373 : vector<16xi1>, vector<16xf32>
      %select_n3A_375 = arith.select %gt3A_369, %broadcast_in_dim3A_368, %select_n3A_361 : vector<16xi1>, vector<16xi32>
      %select_n3A_376 = arith.select %gt3A_369, %get3A_366, %select_n3A_362 : vector<16xi1>, vector<16xf32>
      %get3A_377 = arith.constant 26 : i32
      %get3A_378 = arith.index_cast %get3A_377 : i32 to index
      %get3A_379 = arith.index_cast %mul3A_15 : i32 to index
      %get3A_380 = tpu.vector_load %arg6[%get3A_378, %get3A_379] {strides = array<i32>} : memref<64x512xf32, #tpu.memory_space<vmem>>, vector<16xf32>,
      %broadcast_in_dim3A_381 = arith.constant 26 : i32
      %broadcast_in_dim3A_382 = vector.broadcast %broadcast_in_dim3A_381 : i32 to vector<16xi32>
      %gt3A_383 = arith.cmpf ogt, %get3A_380, %select_n3A_376 : vector<16xf32>
      %gt3A_384 = arith.cmpf ogt, %get3A_380, %select_n3A_374 : vector<16xf32>
      %select_n3A_385 = arith.select %gt3A_384, %broadcast_in_dim3A_382, %select_n3A_372 : vector<16xi1>, vector<16xi32>
      %select_n3A_386 = arith.select %gt3A_383, %select_n3A_375, %select_n3A_385 : vector<16xi1>, vector<16xi32>
      %select_n3A_387 = arith.select %gt3A_384, %get3A_380, %select_n3A_374 : vector<16xi1>, vector<16xf32>
      %select_n3A_388 = arith.select %gt3A_383, %select_n3A_376, %select_n3A_387 : vector<16xi1>, vector<16xf32>
      %select_n3A_389 = arith.select %gt3A_383, %broadcast_in_dim3A_382, %select_n3A_375 : vector<16xi1>, vector<16xi32>
      %select_n3A_390 = arith.select %gt3A_383, %get3A_380, %select_n3A_376 : vector<16xi1>, vector<16xf32>
      %get3A_391 = arith.constant 27 : i32
      %get3A_392 = arith.index_cast %get3A_391 : i32 to index
      %get3A_393 = arith.index_cast %mul3A_15 : i32 to index
      %get3A_394 = tpu.vector_load %arg6[%get3A_392, %get3A_393] {strides = array<i32>} : memref<64x512xf32, #tpu.memory_space<vmem>>, vector<16xf32>,
      %broadcast_in_dim3A_395 = arith.constant 27 : i32
      %broadcast_in_dim3A_396 = vector.broadcast %broadcast_in_dim3A_395 : i32 to vector<16xi32>
      %gt3A_397 = arith.cmpf ogt, %get3A_394, %select_n3A_390 : vector<16xf32>
      %gt3A_398 = arith.cmpf ogt, %get3A_394, %select_n3A_388 : vector<16xf32>
      %select_n3A_399 = arith.select %gt3A_398, %broadcast_in_dim3A_396, %select_n3A_386 : vector<16xi1>, vector<16xi32>
      %select_n3A_400 = arith.select %gt3A_397, %select_n3A_389, %select_n3A_399 : vector<16xi1>, vector<16xi32>
      %select_n3A_401 = arith.select %gt3A_398, %get3A_394, %select_n3A_388 : vector<16xi1>, vector<16xf32>
      %select_n3A_402 = arith.select %gt3A_397, %select_n3A_390, %select_n3A_401 : vector<16xi1>, vector<16xf32>
      %select_n3A_403 = arith.select %gt3A_397, %broadcast_in_dim3A_396, %select_n3A_389 : vector<16xi1>, vector<16xi32>
      %select_n3A_404 = arith.select %gt3A_397, %get3A_394, %select_n3A_390 : vector<16xi1>, vector<16xf32>
      %get3A_405 = arith.constant 28 : i32
      %get3A_406 = arith.index_cast %get3A_405 : i32 to index
      %get3A_407 = arith.index_cast %mul3A_15 : i32 to index
      %get3A_408 = tpu.vector_load %arg6[%get3A_406, %get3A_407] {strides = array<i32>} : memref<64x512xf32, #tpu.memory_space<vmem>>, vector<16xf32>,
      %broadcast_in_dim3A_409 = arith.constant 28 : i32
      %broadcast_in_dim3A_410 = vector.broadcast %broadcast_in_dim3A_409 : i32 to vector<16xi32>
      %gt3A_411 = arith.cmpf ogt, %get3A_408, %select_n3A_404 : vector<16xf32>
      %gt3A_412 = arith.cmpf ogt, %get3A_408, %select_n3A_402 : vector<16xf32>
      %select_n3A_413 = arith.select %gt3A_412, %broadcast_in_dim3A_410, %select_n3A_400 : vector<16xi1>, vector<16xi32>
      %select_n3A_414 = arith.select %gt3A_411, %select_n3A_403, %select_n3A_413 : vector<16xi1>, vector<16xi32>
      %select_n3A_415 = arith.select %gt3A_412, %get3A_408, %select_n3A_402 : vector<16xi1>, vector<16xf32>
      %select_n3A_416 = arith.select %gt3A_411, %select_n3A_404, %select_n3A_415 : vector<16xi1>, vector<16xf32>
      %select_n3A_417 = arith.select %gt3A_411, %broadcast_in_dim3A_410, %select_n3A_403 : vector<16xi1>, vector<16xi32>
      %select_n3A_418 = arith.select %gt3A_411, %get3A_408, %select_n3A_404 : vector<16xi1>, vector<16xf32>
      %get3A_419 = arith.constant 29 : i32
      %get3A_420 = arith.index_cast %get3A_419 : i32 to index
      %get3A_421 = arith.index_cast %mul3A_15 : i32 to index
      %get3A_422 = tpu.vector_load %arg6[%get3A_420, %get3A_421] {strides = array<i32>} : memref<64x512xf32, #tpu.memory_space<vmem>>, vector<16xf32>,
      %broadcast_in_dim3A_423 = arith.constant 29 : i32
      %broadcast_in_dim3A_424 = vector.broadcast %broadcast_in_dim3A_423 : i32 to vector<16xi32>
      %gt3A_425 = arith.cmpf ogt, %get3A_422, %select_n3A_418 : vector<16xf32>
      %gt3A_426 = arith.cmpf ogt, %get3A_422, %select_n3A_416 : vector<16xf32>
      %select_n3A_427 = arith.select %gt3A_426, %broadcast_in_dim3A_424, %select_n3A_414 : vector<16xi1>, vector<16xi32>
      %select_n3A_428 = arith.select %gt3A_425, %select_n3A_417, %select_n3A_427 : vector<16xi1>, vector<16xi32>
      %select_n3A_429 = arith.select %gt3A_426, %get3A_422, %select_n3A_416 : vector<16xi1>, vector<16xf32>
      %select_n3A_430 = arith.select %gt3A_425, %select_n3A_418, %select_n3A_429 : vector<16xi1>, vector<16xf32>
      %select_n3A_431 = arith.select %gt3A_425, %broadcast_in_dim3A_424, %select_n3A_417 : vector<16xi1>, vector<16xi32>
      %select_n3A_432 = arith.select %gt3A_425, %get3A_422, %select_n3A_418 : vector<16xi1>, vector<16xf32>
      %get3A_433 = arith.constant 30 : i32
      %get3A_434 = arith.index_cast %get3A_433 : i32 to index
      %get3A_435 = arith.index_cast %mul3A_15 : i32 to index
      %get3A_436 = tpu.vector_load %arg6[%get3A_434, %get3A_435] {strides = array<i32>} : memref<64x512xf32, #tpu.memory_space<vmem>>, vector<16xf32>,
      %broadcast_in_dim3A_437 = arith.constant 30 : i32
      %broadcast_in_dim3A_438 = vector.broadcast %broadcast_in_dim3A_437 : i32 to vector<16xi32>
      %gt3A_439 = arith.cmpf ogt, %get3A_436, %select_n3A_432 : vector<16xf32>
      %gt3A_440 = arith.cmpf ogt, %get3A_436, %select_n3A_430 : vector<16xf32>
      %select_n3A_441 = arith.select %gt3A_440, %broadcast_in_dim3A_438, %select_n3A_428 : vector<16xi1>, vector<16xi32>
      %select_n3A_442 = arith.select %gt3A_439, %select_n3A_431, %select_n3A_441 : vector<16xi1>, vector<16xi32>
      %select_n3A_443 = arith.select %gt3A_440, %get3A_436, %select_n3A_430 : vector<16xi1>, vector<16xf32>
      %select_n3A_444 = arith.select %gt3A_439, %select_n3A_432, %select_n3A_443 : vector<16xi1>, vector<16xf32>
      %select_n3A_445 = arith.select %gt3A_439, %broadcast_in_dim3A_438, %select_n3A_431 : vector<16xi1>, vector<16xi32>
      %select_n3A_446 = arith.select %gt3A_439, %get3A_436, %select_n3A_432 : vector<16xi1>, vector<16xf32>
      %get3A_447 = arith.constant 31 : i32
      %get3A_448 = arith.index_cast %get3A_447 : i32 to index
      %get3A_449 = arith.index_cast %mul3A_15 : i32 to index
      %get3A_450 = tpu.vector_load %arg6[%get3A_448, %get3A_449] {strides = array<i32>} : memref<64x512xf32, #tpu.memory_space<vmem>>, vector<16xf32>,
      %broadcast_in_dim3A_451 = arith.constant 31 : i32
      %broadcast_in_dim3A_452 = vector.broadcast %broadcast_in_dim3A_451 : i32 to vector<16xi32>
      %gt3A_453 = arith.cmpf ogt, %get3A_450, %select_n3A_446 : vector<16xf32>
      %gt3A_454 = arith.cmpf ogt, %get3A_450, %select_n3A_444 : vector<16xf32>
      %select_n3A_455 = arith.select %gt3A_454, %broadcast_in_dim3A_452, %select_n3A_442 : vector<16xi1>, vector<16xi32>
      %select_n3A_456 = arith.select %gt3A_453, %select_n3A_445, %select_n3A_455 : vector<16xi1>, vector<16xi32>
      %select_n3A_457 = arith.select %gt3A_454, %get3A_450, %select_n3A_444 : vector<16xi1>, vector<16xf32>
      %select_n3A_458 = arith.select %gt3A_453, %select_n3A_446, %select_n3A_457 : vector<16xi1>, vector<16xf32>
      %select_n3A_459 = arith.select %gt3A_453, %broadcast_in_dim3A_452, %select_n3A_445 : vector<16xi1>, vector<16xi32>
      %select_n3A_460 = arith.select %gt3A_453, %get3A_450, %select_n3A_446 : vector<16xi1>, vector<16xf32>
      %get3A_461 = arith.constant 32 : i32
      %get3A_462 = arith.index_cast %get3A_461 : i32 to index
      %get3A_463 = arith.index_cast %mul3A_15 : i32 to index
      %get3A_464 = tpu.vector_load %arg6[%get3A_462, %get3A_463] {strides = array<i32>} : memref<64x512xf32, #tpu.memory_space<vmem>>, vector<16xf32>,
      %broadcast_in_dim3A_465 = arith.constant 32 : i32
      %broadcast_in_dim3A_466 = vector.broadcast %broadcast_in_dim3A_465 : i32 to vector<16xi32>
      %gt3A_467 = arith.cmpf ogt, %get3A_464, %select_n3A_460 : vector<16xf32>
      %gt3A_468 = arith.cmpf ogt, %get3A_464, %select_n3A_458 : vector<16xf32>
      %select_n3A_469 = arith.select %gt3A_468, %broadcast_in_dim3A_466, %select_n3A_456 : vector<16xi1>, vector<16xi32>
      %select_n3A_470 = arith.select %gt3A_467, %select_n3A_459, %select_n3A_469 : vector<16xi1>, vector<16xi32>
      %select_n3A_471 = arith.select %gt3A_468, %get3A_464, %select_n3A_458 : vector<16xi1>, vector<16xf32>
      %select_n3A_472 = arith.select %gt3A_467, %select_n3A_460, %select_n3A_471 : vector<16xi1>, vector<16xf32>
      %select_n3A_473 = arith.select %gt3A_467, %broadcast_in_dim3A_466, %select_n3A_459 : vector<16xi1>, vector<16xi32>
      %select_n3A_474 = arith.select %gt3A_467, %get3A_464, %select_n3A_460 : vector<16xi1>, vector<16xf32>
      %get3A_475 = arith.constant 33 : i32
      %get3A_476 = arith.index_cast %get3A_475 : i32 to index
      %get3A_477 = arith.index_cast %mul3A_15 : i32 to index
      %get3A_478 = tpu.vector_load %arg6[%get3A_476, %get3A_477] {strides = array<i32>} : memref<64x512xf32, #tpu.memory_space<vmem>>, vector<16xf32>,
      %broadcast_in_dim3A_479 = arith.constant 33 : i32
      %broadcast_in_dim3A_480 = vector.broadcast %broadcast_in_dim3A_479 : i32 to vector<16xi32>
      %gt3A_481 = arith.cmpf ogt, %get3A_478, %select_n3A_474 : vector<16xf32>
      %gt3A_482 = arith.cmpf ogt, %get3A_478, %select_n3A_472 : vector<16xf32>
      %select_n3A_483 = arith.select %gt3A_482, %broadcast_in_dim3A_480, %select_n3A_470 : vector<16xi1>, vector<16xi32>
      %select_n3A_484 = arith.select %gt3A_481, %select_n3A_473, %select_n3A_483 : vector<16xi1>, vector<16xi32>
      %select_n3A_485 = arith.select %gt3A_482, %get3A_478, %select_n3A_472 : vector<16xi1>, vector<16xf32>
      %select_n3A_486 = arith.select %gt3A_481, %select_n3A_474, %select_n3A_485 : vector<16xi1>, vector<16xf32>
      %select_n3A_487 = arith.select %gt3A_481, %broadcast_in_dim3A_480, %select_n3A_473 : vector<16xi1>, vector<16xi32>
      %select_n3A_488 = arith.select %gt3A_481, %get3A_478, %select_n3A_474 : vector<16xi1>, vector<16xf32>
      %get3A_489 = arith.constant 34 : i32
      %get3A_490 = arith.index_cast %get3A_489 : i32 to index
      %get3A_491 = arith.index_cast %mul3A_15 : i32 to index
      %get3A_492 = tpu.vector_load %arg6[%get3A_490, %get3A_491] {strides = array<i32>} : memref<64x512xf32, #tpu.memory_space<vmem>>, vector<16xf32>,
      %broadcast_in_dim3A_493 = arith.constant 34 : i32
      %broadcast_in_dim3A_494 = vector.broadcast %broadcast_in_dim3A_493 : i32 to vector<16xi32>
      %gt3A_495 = arith.cmpf ogt, %get3A_492, %select_n3A_488 : vector<16xf32>
      %gt3A_496 = arith.cmpf ogt, %get3A_492, %select_n3A_486 : vector<16xf32>
      %select_n3A_497 = arith.select %gt3A_496, %broadcast_in_dim3A_494, %select_n3A_484 : vector<16xi1>, vector<16xi32>
      %select_n3A_498 = arith.select %gt3A_495, %select_n3A_487, %select_n3A_497 : vector<16xi1>, vector<16xi32>
      %select_n3A_499 = arith.select %gt3A_496, %get3A_492, %select_n3A_486 : vector<16xi1>, vector<16xf32>
      %select_n3A_500 = arith.select %gt3A_495, %select_n3A_488, %select_n3A_499 : vector<16xi1>, vector<16xf32>
      %select_n3A_501 = arith.select %gt3A_495, %broadcast_in_dim3A_494, %select_n3A_487 : vector<16xi1>, vector<16xi32>
      %select_n3A_502 = arith.select %gt3A_495, %get3A_492, %select_n3A_488 : vector<16xi1>, vector<16xf32>
      %get3A_503 = arith.constant 35 : i32
      %get3A_504 = arith.index_cast %get3A_503 : i32 to index
      %get3A_505 = arith.index_cast %mul3A_15 : i32 to index
      %get3A_506 = tpu.vector_load %arg6[%get3A_504, %get3A_505] {strides = array<i32>} : memref<64x512xf32, #tpu.memory_space<vmem>>, vector<16xf32>,
      %broadcast_in_dim3A_507 = arith.constant 35 : i32
      %broadcast_in_dim3A_508 = vector.broadcast %broadcast_in_dim3A_507 : i32 to vector<16xi32>
      %gt3A_509 = arith.cmpf ogt, %get3A_506, %select_n3A_502 : vector<16xf32>
      %gt3A_510 = arith.cmpf ogt, %get3A_506, %select_n3A_500 : vector<16xf32>
      %select_n3A_511 = arith.select %gt3A_510, %broadcast_in_dim3A_508, %select_n3A_498 : vector<16xi1>, vector<16xi32>
      %select_n3A_512 = arith.select %gt3A_509, %select_n3A_501, %select_n3A_511 : vector<16xi1>, vector<16xi32>
      %select_n3A_513 = arith.select %gt3A_510, %get3A_506, %select_n3A_500 : vector<16xi1>, vector<16xf32>
      %select_n3A_514 = arith.select %gt3A_509, %select_n3A_502, %select_n3A_513 : vector<16xi1>, vector<16xf32>
      %select_n3A_515 = arith.select %gt3A_509, %broadcast_in_dim3A_508, %select_n3A_501 : vector<16xi1>, vector<16xi32>
      %select_n3A_516 = arith.select %gt3A_509, %get3A_506, %select_n3A_502 : vector<16xi1>, vector<16xf32>
      %get3A_517 = arith.constant 36 : i32
      %get3A_518 = arith.index_cast %get3A_517 : i32 to index
      %get3A_519 = arith.index_cast %mul3A_15 : i32 to index
      %get3A_520 = tpu.vector_load %arg6[%get3A_518, %get3A_519] {strides = array<i32>} : memref<64x512xf32, #tpu.memory_space<vmem>>, vector<16xf32>,
      %broadcast_in_dim3A_521 = arith.constant 36 : i32
      %broadcast_in_dim3A_522 = vector.broadcast %broadcast_in_dim3A_521 : i32 to vector<16xi32>
      %gt3A_523 = arith.cmpf ogt, %get3A_520, %select_n3A_516 : vector<16xf32>
      %gt3A_524 = arith.cmpf ogt, %get3A_520, %select_n3A_514 : vector<16xf32>
      %select_n3A_525 = arith.select %gt3A_524, %broadcast_in_dim3A_522, %select_n3A_512 : vector<16xi1>, vector<16xi32>
      %select_n3A_526 = arith.select %gt3A_523, %select_n3A_515, %select_n3A_525 : vector<16xi1>, vector<16xi32>
      %select_n3A_527 = arith.select %gt3A_524, %get3A_520, %select_n3A_514 : vector<16xi1>, vector<16xf32>
      %select_n3A_528 = arith.select %gt3A_523, %select_n3A_516, %select_n3A_527 : vector<16xi1>, vector<16xf32>
      %select_n3A_529 = arith.select %gt3A_523, %broadcast_in_dim3A_522, %select_n3A_515 : vector<16xi1>, vector<16xi32>
      %select_n3A_530 = arith.select %gt3A_523, %get3A_520, %select_n3A_516 : vector<16xi1>, vector<16xf32>
      %get3A_531 = arith.constant 37 : i32
      %get3A_532 = arith.index_cast %get3A_531 : i32 to index
      %get3A_533 = arith.index_cast %mul3A_15 : i32 to index
      %get3A_534 = tpu.vector_load %arg6[%get3A_532, %get3A_533] {strides = array<i32>} : memref<64x512xf32, #tpu.memory_space<vmem>>, vector<16xf32>,
      %broadcast_in_dim3A_535 = arith.constant 37 : i32
      %broadcast_in_dim3A_536 = vector.broadcast %broadcast_in_dim3A_535 : i32 to vector<16xi32>
      %gt3A_537 = arith.cmpf ogt, %get3A_534, %select_n3A_530 : vector<16xf32>
      %gt3A_538 = arith.cmpf ogt, %get3A_534, %select_n3A_528 : vector<16xf32>
      %select_n3A_539 = arith.select %gt3A_538, %broadcast_in_dim3A_536, %select_n3A_526 : vector<16xi1>, vector<16xi32>
      %select_n3A_540 = arith.select %gt3A_537, %select_n3A_529, %select_n3A_539 : vector<16xi1>, vector<16xi32>
      %select_n3A_541 = arith.select %gt3A_538, %get3A_534, %select_n3A_528 : vector<16xi1>, vector<16xf32>
      %select_n3A_542 = arith.select %gt3A_537, %select_n3A_530, %select_n3A_541 : vector<16xi1>, vector<16xf32>
      %select_n3A_543 = arith.select %gt3A_537, %broadcast_in_dim3A_536, %select_n3A_529 : vector<16xi1>, vector<16xi32>
      %select_n3A_544 = arith.select %gt3A_537, %get3A_534, %select_n3A_530 : vector<16xi1>, vector<16xf32>
      %get3A_545 = arith.constant 38 : i32
      %get3A_546 = arith.index_cast %get3A_545 : i32 to index
      %get3A_547 = arith.index_cast %mul3A_15 : i32 to index
      %get3A_548 = tpu.vector_load %arg6[%get3A_546, %get3A_547] {strides = array<i32>} : memref<64x512xf32, #tpu.memory_space<vmem>>, vector<16xf32>,
      %broadcast_in_dim3A_549 = arith.constant 38 : i32
      %broadcast_in_dim3A_550 = vector.broadcast %broadcast_in_dim3A_549 : i32 to vector<16xi32>
      %gt3A_551 = arith.cmpf ogt, %get3A_548, %select_n3A_544 : vector<16xf32>
      %gt3A_552 = arith.cmpf ogt, %get3A_548, %select_n3A_542 : vector<16xf32>
      %select_n3A_553 = arith.select %gt3A_552, %broadcast_in_dim3A_550, %select_n3A_540 : vector<16xi1>, vector<16xi32>
      %select_n3A_554 = arith.select %gt3A_551, %select_n3A_543, %select_n3A_553 : vector<16xi1>, vector<16xi32>
      %select_n3A_555 = arith.select %gt3A_552, %get3A_548, %select_n3A_542 : vector<16xi1>, vector<16xf32>
      %select_n3A_556 = arith.select %gt3A_551, %select_n3A_544, %select_n3A_555 : vector<16xi1>, vector<16xf32>
      %select_n3A_557 = arith.select %gt3A_551, %broadcast_in_dim3A_550, %select_n3A_543 : vector<16xi1>, vector<16xi32>
      %select_n3A_558 = arith.select %gt3A_551, %get3A_548, %select_n3A_544 : vector<16xi1>, vector<16xf32>
      %get3A_559 = arith.constant 39 : i32
      %get3A_560 = arith.index_cast %get3A_559 : i32 to index
      %get3A_561 = arith.index_cast %mul3A_15 : i32 to index
      %get3A_562 = tpu.vector_load %arg6[%get3A_560, %get3A_561] {strides = array<i32>} : memref<64x512xf32, #tpu.memory_space<vmem>>, vector<16xf32>,
      %broadcast_in_dim3A_563 = arith.constant 39 : i32
      %broadcast_in_dim3A_564 = vector.broadcast %broadcast_in_dim3A_563 : i32 to vector<16xi32>
      %gt3A_565 = arith.cmpf ogt, %get3A_562, %select_n3A_558 : vector<16xf32>
      %gt3A_566 = arith.cmpf ogt, %get3A_562, %select_n3A_556 : vector<16xf32>
      %select_n3A_567 = arith.select %gt3A_566, %broadcast_in_dim3A_564, %select_n3A_554 : vector<16xi1>, vector<16xi32>
      %select_n3A_568 = arith.select %gt3A_565, %select_n3A_557, %select_n3A_567 : vector<16xi1>, vector<16xi32>
      %select_n3A_569 = arith.select %gt3A_566, %get3A_562, %select_n3A_556 : vector<16xi1>, vector<16xf32>
      %select_n3A_570 = arith.select %gt3A_565, %select_n3A_558, %select_n3A_569 : vector<16xi1>, vector<16xf32>
      %select_n3A_571 = arith.select %gt3A_565, %broadcast_in_dim3A_564, %select_n3A_557 : vector<16xi1>, vector<16xi32>
      %select_n3A_572 = arith.select %gt3A_565, %get3A_562, %select_n3A_558 : vector<16xi1>, vector<16xf32>
      %get3A_573 = arith.constant 40 : i32
      %get3A_574 = arith.index_cast %get3A_573 : i32 to index
      %get3A_575 = arith.index_cast %mul3A_15 : i32 to index
      %get3A_576 = tpu.vector_load %arg6[%get3A_574, %get3A_575] {strides = array<i32>} : memref<64x512xf32, #tpu.memory_space<vmem>>, vector<16xf32>,
      %broadcast_in_dim3A_577 = arith.constant 40 : i32
      %broadcast_in_dim3A_578 = vector.broadcast %broadcast_in_dim3A_577 : i32 to vector<16xi32>
      %gt3A_579 = arith.cmpf ogt, %get3A_576, %select_n3A_572 : vector<16xf32>
      %gt3A_580 = arith.cmpf ogt, %get3A_576, %select_n3A_570 : vector<16xf32>
      %select_n3A_581 = arith.select %gt3A_580, %broadcast_in_dim3A_578, %select_n3A_568 : vector<16xi1>, vector<16xi32>
      %select_n3A_582 = arith.select %gt3A_579, %select_n3A_571, %select_n3A_581 : vector<16xi1>, vector<16xi32>
      %select_n3A_583 = arith.select %gt3A_580, %get3A_576, %select_n3A_570 : vector<16xi1>, vector<16xf32>
      %select_n3A_584 = arith.select %gt3A_579, %select_n3A_572, %select_n3A_583 : vector<16xi1>, vector<16xf32>
      %select_n3A_585 = arith.select %gt3A_579, %broadcast_in_dim3A_578, %select_n3A_571 : vector<16xi1>, vector<16xi32>
      %select_n3A_586 = arith.select %gt3A_579, %get3A_576, %select_n3A_572 : vector<16xi1>, vector<16xf32>
      %get3A_587 = arith.constant 41 : i32
      %get3A_588 = arith.index_cast %get3A_587 : i32 to index
      %get3A_589 = arith.index_cast %mul3A_15 : i32 to index
      %get3A_590 = tpu.vector_load %arg6[%get3A_588, %get3A_589] {strides = array<i32>} : memref<64x512xf32, #tpu.memory_space<vmem>>, vector<16xf32>,
      %broadcast_in_dim3A_591 = arith.constant 41 : i32
      %broadcast_in_dim3A_592 = vector.broadcast %broadcast_in_dim3A_591 : i32 to vector<16xi32>
      %gt3A_593 = arith.cmpf ogt, %get3A_590, %select_n3A_586 : vector<16xf32>
      %gt3A_594 = arith.cmpf ogt, %get3A_590, %select_n3A_584 : vector<16xf32>
      %select_n3A_595 = arith.select %gt3A_594, %broadcast_in_dim3A_592, %select_n3A_582 : vector<16xi1>, vector<16xi32>
      %select_n3A_596 = arith.select %gt3A_593, %select_n3A_585, %select_n3A_595 : vector<16xi1>, vector<16xi32>
      %select_n3A_597 = arith.select %gt3A_594, %get3A_590, %select_n3A_584 : vector<16xi1>, vector<16xf32>
      %select_n3A_598 = arith.select %gt3A_593, %select_n3A_586, %select_n3A_597 : vector<16xi1>, vector<16xf32>
      %select_n3A_599 = arith.select %gt3A_593, %broadcast_in_dim3A_592, %select_n3A_585 : vector<16xi1>, vector<16xi32>
      %select_n3A_600 = arith.select %gt3A_593, %get3A_590, %select_n3A_586 : vector<16xi1>, vector<16xf32>
      %get3A_601 = arith.constant 42 : i32
      %get3A_602 = arith.index_cast %get3A_601 : i32 to index
      %get3A_603 = arith.index_cast %mul3A_15 : i32 to index
      %get3A_604 = tpu.vector_load %arg6[%get3A_602, %get3A_603] {strides = array<i32>} : memref<64x512xf32, #tpu.memory_space<vmem>>, vector<16xf32>,
      %broadcast_in_dim3A_605 = arith.constant 42 : i32
      %broadcast_in_dim3A_606 = vector.broadcast %broadcast_in_dim3A_605 : i32 to vector<16xi32>
      %gt3A_607 = arith.cmpf ogt, %get3A_604, %select_n3A_600 : vector<16xf32>
      %gt3A_608 = arith.cmpf ogt, %get3A_604, %select_n3A_598 : vector<16xf32>
      %select_n3A_609 = arith.select %gt3A_608, %broadcast_in_dim3A_606, %select_n3A_596 : vector<16xi1>, vector<16xi32>
      %select_n3A_610 = arith.select %gt3A_607, %select_n3A_599, %select_n3A_609 : vector<16xi1>, vector<16xi32>
      %select_n3A_611 = arith.select %gt3A_608, %get3A_604, %select_n3A_598 : vector<16xi1>, vector<16xf32>
      %select_n3A_612 = arith.select %gt3A_607, %select_n3A_600, %select_n3A_611 : vector<16xi1>, vector<16xf32>
      %select_n3A_613 = arith.select %gt3A_607, %broadcast_in_dim3A_606, %select_n3A_599 : vector<16xi1>, vector<16xi32>
      %select_n3A_614 = arith.select %gt3A_607, %get3A_604, %select_n3A_600 : vector<16xi1>, vector<16xf32>
      %get3A_615 = arith.constant 43 : i32
      %get3A_616 = arith.index_cast %get3A_615 : i32 to index
      %get3A_617 = arith.index_cast %mul3A_15 : i32 to index
      %get3A_618 = tpu.vector_load %arg6[%get3A_616, %get3A_617] {strides = array<i32>} : memref<64x512xf32, #tpu.memory_space<vmem>>, vector<16xf32>,
      %broadcast_in_dim3A_619 = arith.constant 43 : i32
      %broadcast_in_dim3A_620 = vector.broadcast %broadcast_in_dim3A_619 : i32 to vector<16xi32>
      %gt3A_621 = arith.cmpf ogt, %get3A_618, %select_n3A_614 : vector<16xf32>
      %gt3A_622 = arith.cmpf ogt, %get3A_618, %select_n3A_612 : vector<16xf32>
      %select_n3A_623 = arith.select %gt3A_622, %broadcast_in_dim3A_620, %select_n3A_610 : vector<16xi1>, vector<16xi32>
      %select_n3A_624 = arith.select %gt3A_621, %select_n3A_613, %select_n3A_623 : vector<16xi1>, vector<16xi32>
      %select_n3A_625 = arith.select %gt3A_622, %get3A_618, %select_n3A_612 : vector<16xi1>, vector<16xf32>
      %select_n3A_626 = arith.select %gt3A_621, %select_n3A_614, %select_n3A_625 : vector<16xi1>, vector<16xf32>
      %select_n3A_627 = arith.select %gt3A_621, %broadcast_in_dim3A_620, %select_n3A_613 : vector<16xi1>, vector<16xi32>
      %select_n3A_628 = arith.select %gt3A_621, %get3A_618, %select_n3A_614 : vector<16xi1>, vector<16xf32>
      %get3A_629 = arith.constant 44 : i32
      %get3A_630 = arith.index_cast %get3A_629 : i32 to index
      %get3A_631 = arith.index_cast %mul3A_15 : i32 to index
      %get3A_632 = tpu.vector_load %arg6[%get3A_630, %get3A_631] {strides = array<i32>} : memref<64x512xf32, #tpu.memory_space<vmem>>, vector<16xf32>,
      %broadcast_in_dim3A_633 = arith.constant 44 : i32
      %broadcast_in_dim3A_634 = vector.broadcast %broadcast_in_dim3A_633 : i32 to vector<16xi32>
      %gt3A_635 = arith.cmpf ogt, %get3A_632, %select_n3A_628 : vector<16xf32>
      %gt3A_636 = arith.cmpf ogt, %get3A_632, %select_n3A_626 : vector<16xf32>
      %select_n3A_637 = arith.select %gt3A_636, %broadcast_in_dim3A_634, %select_n3A_624 : vector<16xi1>, vector<16xi32>
      %select_n3A_638 = arith.select %gt3A_635, %select_n3A_627, %select_n3A_637 : vector<16xi1>, vector<16xi32>
      %select_n3A_639 = arith.select %gt3A_636, %get3A_632, %select_n3A_626 : vector<16xi1>, vector<16xf32>
      %select_n3A_640 = arith.select %gt3A_635, %select_n3A_628, %select_n3A_639 : vector<16xi1>, vector<16xf32>
      %select_n3A_641 = arith.select %gt3A_635, %broadcast_in_dim3A_634, %select_n3A_627 : vector<16xi1>, vector<16xi32>
      %select_n3A_642 = arith.select %gt3A_635, %get3A_632, %select_n3A_628 : vector<16xi1>, vector<16xf32>
      %get3A_643 = arith.constant 45 : i32
      %get3A_644 = arith.index_cast %get3A_643 : i32 to index
      %get3A_645 = arith.index_cast %mul3A_15 : i32 to index
      %get3A_646 = tpu.vector_load %arg6[%get3A_644, %get3A_645] {strides = array<i32>} : memref<64x512xf32, #tpu.memory_space<vmem>>, vector<16xf32>,
      %broadcast_in_dim3A_647 = arith.constant 45 : i32
      %broadcast_in_dim3A_648 = vector.broadcast %broadcast_in_dim3A_647 : i32 to vector<16xi32>
      %gt3A_649 = arith.cmpf ogt, %get3A_646, %select_n3A_642 : vector<16xf32>
      %gt3A_650 = arith.cmpf ogt, %get3A_646, %select_n3A_640 : vector<16xf32>
      %select_n3A_651 = arith.select %gt3A_650, %broadcast_in_dim3A_648, %select_n3A_638 : vector<16xi1>, vector<16xi32>
      %select_n3A_652 = arith.select %gt3A_649, %select_n3A_641, %select_n3A_651 : vector<16xi1>, vector<16xi32>
      %select_n3A_653 = arith.select %gt3A_650, %get3A_646, %select_n3A_640 : vector<16xi1>, vector<16xf32>
      %select_n3A_654 = arith.select %gt3A_649, %select_n3A_642, %select_n3A_653 : vector<16xi1>, vector<16xf32>
      %select_n3A_655 = arith.select %gt3A_649, %broadcast_in_dim3A_648, %select_n3A_641 : vector<16xi1>, vector<16xi32>
      %select_n3A_656 = arith.select %gt3A_649, %get3A_646, %select_n3A_642 : vector<16xi1>, vector<16xf32>
      %get3A_657 = arith.constant 46 : i32
      %get3A_658 = arith.index_cast %get3A_657 : i32 to index
      %get3A_659 = arith.index_cast %mul3A_15 : i32 to index
      %get3A_660 = tpu.vector_load %arg6[%get3A_658, %get3A_659] {strides = array<i32>} : memref<64x512xf32, #tpu.memory_space<vmem>>, vector<16xf32>,
      %broadcast_in_dim3A_661 = arith.constant 46 : i32
      %broadcast_in_dim3A_662 = vector.broadcast %broadcast_in_dim3A_661 : i32 to vector<16xi32>
      %gt3A_663 = arith.cmpf ogt, %get3A_660, %select_n3A_656 : vector<16xf32>
      %gt3A_664 = arith.cmpf ogt, %get3A_660, %select_n3A_654 : vector<16xf32>
      %select_n3A_665 = arith.select %gt3A_664, %broadcast_in_dim3A_662, %select_n3A_652 : vector<16xi1>, vector<16xi32>
      %select_n3A_666 = arith.select %gt3A_663, %select_n3A_655, %select_n3A_665 : vector<16xi1>, vector<16xi32>
      %select_n3A_667 = arith.select %gt3A_664, %get3A_660, %select_n3A_654 : vector<16xi1>, vector<16xf32>
      %select_n3A_668 = arith.select %gt3A_663, %select_n3A_656, %select_n3A_667 : vector<16xi1>, vector<16xf32>
      %select_n3A_669 = arith.select %gt3A_663, %broadcast_in_dim3A_662, %select_n3A_655 : vector<16xi1>, vector<16xi32>
      %select_n3A_670 = arith.select %gt3A_663, %get3A_660, %select_n3A_656 : vector<16xi1>, vector<16xf32>
      %get3A_671 = arith.constant 47 : i32
      %get3A_672 = arith.index_cast %get3A_671 : i32 to index
      %get3A_673 = arith.index_cast %mul3A_15 : i32 to index
      %get3A_674 = tpu.vector_load %arg6[%get3A_672, %get3A_673] {strides = array<i32>} : memref<64x512xf32, #tpu.memory_space<vmem>>, vector<16xf32>,
      %broadcast_in_dim3A_675 = arith.constant 47 : i32
      %broadcast_in_dim3A_676 = vector.broadcast %broadcast_in_dim3A_675 : i32 to vector<16xi32>
      %gt3A_677 = arith.cmpf ogt, %get3A_674, %select_n3A_670 : vector<16xf32>
      %gt3A_678 = arith.cmpf ogt, %get3A_674, %select_n3A_668 : vector<16xf32>
      %select_n3A_679 = arith.select %gt3A_678, %broadcast_in_dim3A_676, %select_n3A_666 : vector<16xi1>, vector<16xi32>
      %select_n3A_680 = arith.select %gt3A_677, %select_n3A_669, %select_n3A_679 : vector<16xi1>, vector<16xi32>
      %select_n3A_681 = arith.select %gt3A_678, %get3A_674, %select_n3A_668 : vector<16xi1>, vector<16xf32>
      %select_n3A_682 = arith.select %gt3A_677, %select_n3A_670, %select_n3A_681 : vector<16xi1>, vector<16xf32>
      %select_n3A_683 = arith.select %gt3A_677, %broadcast_in_dim3A_676, %select_n3A_669 : vector<16xi1>, vector<16xi32>
      %select_n3A_684 = arith.select %gt3A_677, %get3A_674, %select_n3A_670 : vector<16xi1>, vector<16xf32>
      %get3A_685 = arith.constant 48 : i32
      %get3A_686 = arith.index_cast %get3A_685 : i32 to index
      %get3A_687 = arith.index_cast %mul3A_15 : i32 to index
      %get3A_688 = tpu.vector_load %arg6[%get3A_686, %get3A_687] {strides = array<i32>} : memref<64x512xf32, #tpu.memory_space<vmem>>, vector<16xf32>,
      %broadcast_in_dim3A_689 = arith.constant 48 : i32
      %broadcast_in_dim3A_690 = vector.broadcast %broadcast_in_dim3A_689 : i32 to vector<16xi32>
      %gt3A_691 = arith.cmpf ogt, %get3A_688, %select_n3A_684 : vector<16xf32>
      %gt3A_692 = arith.cmpf ogt, %get3A_688, %select_n3A_682 : vector<16xf32>
      %select_n3A_693 = arith.select %gt3A_692, %broadcast_in_dim3A_690, %select_n3A_680 : vector<16xi1>, vector<16xi32>
      %select_n3A_694 = arith.select %gt3A_691, %select_n3A_683, %select_n3A_693 : vector<16xi1>, vector<16xi32>
      %select_n3A_695 = arith.select %gt3A_692, %get3A_688, %select_n3A_682 : vector<16xi1>, vector<16xf32>
      %select_n3A_696 = arith.select %gt3A_691, %select_n3A_684, %select_n3A_695 : vector<16xi1>, vector<16xf32>
      %select_n3A_697 = arith.select %gt3A_691, %broadcast_in_dim3A_690, %select_n3A_683 : vector<16xi1>, vector<16xi32>
      %select_n3A_698 = arith.select %gt3A_691, %get3A_688, %select_n3A_684 : vector<16xi1>, vector<16xf32>
      %get3A_699 = arith.constant 49 : i32
      %get3A_700 = arith.index_cast %get3A_699 : i32 to index
      %get3A_701 = arith.index_cast %mul3A_15 : i32 to index
      %get3A_702 = tpu.vector_load %arg6[%get3A_700, %get3A_701] {strides = array<i32>} : memref<64x512xf32, #tpu.memory_space<vmem>>, vector<16xf32>,
      %broadcast_in_dim3A_703 = arith.constant 49 : i32
      %broadcast_in_dim3A_704 = vector.broadcast %broadcast_in_dim3A_703 : i32 to vector<16xi32>
      %gt3A_705 = arith.cmpf ogt, %get3A_702, %select_n3A_698 : vector<16xf32>
      %gt3A_706 = arith.cmpf ogt, %get3A_702, %select_n3A_696 : vector<16xf32>
      %select_n3A_707 = arith.select %gt3A_706, %broadcast_in_dim3A_704, %select_n3A_694 : vector<16xi1>, vector<16xi32>
      %select_n3A_708 = arith.select %gt3A_705, %select_n3A_697, %select_n3A_707 : vector<16xi1>, vector<16xi32>
      %select_n3A_709 = arith.select %gt3A_706, %get3A_702, %select_n3A_696 : vector<16xi1>, vector<16xf32>
      %select_n3A_710 = arith.select %gt3A_705, %select_n3A_698, %select_n3A_709 : vector<16xi1>, vector<16xf32>
      %select_n3A_711 = arith.select %gt3A_705, %broadcast_in_dim3A_704, %select_n3A_697 : vector<16xi1>, vector<16xi32>
      %select_n3A_712 = arith.select %gt3A_705, %get3A_702, %select_n3A_698 : vector<16xi1>, vector<16xf32>
      %get3A_713 = arith.constant 50 : i32
      %get3A_714 = arith.index_cast %get3A_713 : i32 to index
      %get3A_715 = arith.index_cast %mul3A_15 : i32 to index
      %get3A_716 = tpu.vector_load %arg6[%get3A_714, %get3A_715] {strides = array<i32>} : memref<64x512xf32, #tpu.memory_space<vmem>>, vector<16xf32>,
      %broadcast_in_dim3A_717 = arith.constant 50 : i32
      %broadcast_in_dim3A_718 = vector.broadcast %broadcast_in_dim3A_717 : i32 to vector<16xi32>
      %gt3A_719 = arith.cmpf ogt, %get3A_716, %select_n3A_712 : vector<16xf32>
      %gt3A_720 = arith.cmpf ogt, %get3A_716, %select_n3A_710 : vector<16xf32>
      %select_n3A_721 = arith.select %gt3A_720, %broadcast_in_dim3A_718, %select_n3A_708 : vector<16xi1>, vector<16xi32>
      %select_n3A_722 = arith.select %gt3A_719, %select_n3A_711, %select_n3A_721 : vector<16xi1>, vector<16xi32>
      %select_n3A_723 = arith.select %gt3A_720, %get3A_716, %select_n3A_710 : vector<16xi1>, vector<16xf32>
      %select_n3A_724 = arith.select %gt3A_719, %select_n3A_712, %select_n3A_723 : vector<16xi1>, vector<16xf32>
      %select_n3A_725 = arith.select %gt3A_719, %broadcast_in_dim3A_718, %select_n3A_711 : vector<16xi1>, vector<16xi32>
      %select_n3A_726 = arith.select %gt3A_719, %get3A_716, %select_n3A_712 : vector<16xi1>, vector<16xf32>
      %get3A_727 = arith.constant 51 : i32
      %get3A_728 = arith.index_cast %get3A_727 : i32 to index
      %get3A_729 = arith.index_cast %mul3A_15 : i32 to index
      %get3A_730 = tpu.vector_load %arg6[%get3A_728, %get3A_729] {strides = array<i32>} : memref<64x512xf32, #tpu.memory_space<vmem>>, vector<16xf32>,
      %broadcast_in_dim3A_731 = arith.constant 51 : i32
      %broadcast_in_dim3A_732 = vector.broadcast %broadcast_in_dim3A_731 : i32 to vector<16xi32>
      %gt3A_733 = arith.cmpf ogt, %get3A_730, %select_n3A_726 : vector<16xf32>
      %gt3A_734 = arith.cmpf ogt, %get3A_730, %select_n3A_724 : vector<16xf32>
      %select_n3A_735 = arith.select %gt3A_734, %broadcast_in_dim3A_732, %select_n3A_722 : vector<16xi1>, vector<16xi32>
      %select_n3A_736 = arith.select %gt3A_733, %select_n3A_725, %select_n3A_735 : vector<16xi1>, vector<16xi32>
      %select_n3A_737 = arith.select %gt3A_734, %get3A_730, %select_n3A_724 : vector<16xi1>, vector<16xf32>
      %select_n3A_738 = arith.select %gt3A_733, %select_n3A_726, %select_n3A_737 : vector<16xi1>, vector<16xf32>
      %select_n3A_739 = arith.select %gt3A_733, %broadcast_in_dim3A_732, %select_n3A_725 : vector<16xi1>, vector<16xi32>
      %select_n3A_740 = arith.select %gt3A_733, %get3A_730, %select_n3A_726 : vector<16xi1>, vector<16xf32>
      %get3A_741 = arith.constant 52 : i32
      %get3A_742 = arith.index_cast %get3A_741 : i32 to index
      %get3A_743 = arith.index_cast %mul3A_15 : i32 to index
      %get3A_744 = tpu.vector_load %arg6[%get3A_742, %get3A_743] {strides = array<i32>} : memref<64x512xf32, #tpu.memory_space<vmem>>, vector<16xf32>,
      %broadcast_in_dim3A_745 = arith.constant 52 : i32
      %broadcast_in_dim3A_746 = vector.broadcast %broadcast_in_dim3A_745 : i32 to vector<16xi32>
      %gt3A_747 = arith.cmpf ogt, %get3A_744, %select_n3A_740 : vector<16xf32>
      %gt3A_748 = arith.cmpf ogt, %get3A_744, %select_n3A_738 : vector<16xf32>
      %select_n3A_749 = arith.select %gt3A_748, %broadcast_in_dim3A_746, %select_n3A_736 : vector<16xi1>, vector<16xi32>
      %select_n3A_750 = arith.select %gt3A_747, %select_n3A_739, %select_n3A_749 : vector<16xi1>, vector<16xi32>
      %select_n3A_751 = arith.select %gt3A_748, %get3A_744, %select_n3A_738 : vector<16xi1>, vector<16xf32>
      %select_n3A_752 = arith.select %gt3A_747, %select_n3A_740, %select_n3A_751 : vector<16xi1>, vector<16xf32>
      %select_n3A_753 = arith.select %gt3A_747, %broadcast_in_dim3A_746, %select_n3A_739 : vector<16xi1>, vector<16xi32>
      %select_n3A_754 = arith.select %gt3A_747, %get3A_744, %select_n3A_740 : vector<16xi1>, vector<16xf32>
      %get3A_755 = arith.constant 53 : i32
      %get3A_756 = arith.index_cast %get3A_755 : i32 to index
      %get3A_757 = arith.index_cast %mul3A_15 : i32 to index
      %get3A_758 = tpu.vector_load %arg6[%get3A_756, %get3A_757] {strides = array<i32>} : memref<64x512xf32, #tpu.memory_space<vmem>>, vector<16xf32>,
      %broadcast_in_dim3A_759 = arith.constant 53 : i32
      %broadcast_in_dim3A_760 = vector.broadcast %broadcast_in_dim3A_759 : i32 to vector<16xi32>
      %gt3A_761 = arith.cmpf ogt, %get3A_758, %select_n3A_754 : vector<16xf32>
      %gt3A_762 = arith.cmpf ogt, %get3A_758, %select_n3A_752 : vector<16xf32>
      %select_n3A_763 = arith.select %gt3A_762, %broadcast_in_dim3A_760, %select_n3A_750 : vector<16xi1>, vector<16xi32>
      %select_n3A_764 = arith.select %gt3A_761, %select_n3A_753, %select_n3A_763 : vector<16xi1>, vector<16xi32>
      %select_n3A_765 = arith.select %gt3A_762, %get3A_758, %select_n3A_752 : vector<16xi1>, vector<16xf32>
      %select_n3A_766 = arith.select %gt3A_761, %select_n3A_754, %select_n3A_765 : vector<16xi1>, vector<16xf32>
      %select_n3A_767 = arith.select %gt3A_761, %broadcast_in_dim3A_760, %select_n3A_753 : vector<16xi1>, vector<16xi32>
      %select_n3A_768 = arith.select %gt3A_761, %get3A_758, %select_n3A_754 : vector<16xi1>, vector<16xf32>
      %get3A_769 = arith.constant 54 : i32
      %get3A_770 = arith.index_cast %get3A_769 : i32 to index
      %get3A_771 = arith.index_cast %mul3A_15 : i32 to index
      %get3A_772 = tpu.vector_load %arg6[%get3A_770, %get3A_771] {strides = array<i32>} : memref<64x512xf32, #tpu.memory_space<vmem>>, vector<16xf32>,
      %broadcast_in_dim3A_773 = arith.constant 54 : i32
      %broadcast_in_dim3A_774 = vector.broadcast %broadcast_in_dim3A_773 : i32 to vector<16xi32>
      %gt3A_775 = arith.cmpf ogt, %get3A_772, %select_n3A_768 : vector<16xf32>
      %gt3A_776 = arith.cmpf ogt, %get3A_772, %select_n3A_766 : vector<16xf32>
      %select_n3A_777 = arith.select %gt3A_776, %broadcast_in_dim3A_774, %select_n3A_764 : vector<16xi1>, vector<16xi32>
      %select_n3A_778 = arith.select %gt3A_775, %select_n3A_767, %select_n3A_777 : vector<16xi1>, vector<16xi32>
      %select_n3A_779 = arith.select %gt3A_776, %get3A_772, %select_n3A_766 : vector<16xi1>, vector<16xf32>
      %select_n3A_780 = arith.select %gt3A_775, %select_n3A_768, %select_n3A_779 : vector<16xi1>, vector<16xf32>
      %select_n3A_781 = arith.select %gt3A_775, %broadcast_in_dim3A_774, %select_n3A_767 : vector<16xi1>, vector<16xi32>
      %select_n3A_782 = arith.select %gt3A_775, %get3A_772, %select_n3A_768 : vector<16xi1>, vector<16xf32>
      %get3A_783 = arith.constant 55 : i32
      %get3A_784 = arith.index_cast %get3A_783 : i32 to index
      %get3A_785 = arith.index_cast %mul3A_15 : i32 to index
      %get3A_786 = tpu.vector_load %arg6[%get3A_784, %get3A_785] {strides = array<i32>} : memref<64x512xf32, #tpu.memory_space<vmem>>, vector<16xf32>,
      %broadcast_in_dim3A_787 = arith.constant 55 : i32
      %broadcast_in_dim3A_788 = vector.broadcast %broadcast_in_dim3A_787 : i32 to vector<16xi32>
      %gt3A_789 = arith.cmpf ogt, %get3A_786, %select_n3A_782 : vector<16xf32>
      %gt3A_790 = arith.cmpf ogt, %get3A_786, %select_n3A_780 : vector<16xf32>
      %select_n3A_791 = arith.select %gt3A_790, %broadcast_in_dim3A_788, %select_n3A_778 : vector<16xi1>, vector<16xi32>
      %select_n3A_792 = arith.select %gt3A_789, %select_n3A_781, %select_n3A_791 : vector<16xi1>, vector<16xi32>
      %select_n3A_793 = arith.select %gt3A_790, %get3A_786, %select_n3A_780 : vector<16xi1>, vector<16xf32>
      %select_n3A_794 = arith.select %gt3A_789, %select_n3A_782, %select_n3A_793 : vector<16xi1>, vector<16xf32>
      %select_n3A_795 = arith.select %gt3A_789, %broadcast_in_dim3A_788, %select_n3A_781 : vector<16xi1>, vector<16xi32>
      %select_n3A_796 = arith.select %gt3A_789, %get3A_786, %select_n3A_782 : vector<16xi1>, vector<16xf32>
      %get3A_797 = arith.constant 56 : i32
      %get3A_798 = arith.index_cast %get3A_797 : i32 to index
      %get3A_799 = arith.index_cast %mul3A_15 : i32 to index
      %get3A_800 = tpu.vector_load %arg6[%get3A_798, %get3A_799] {strides = array<i32>} : memref<64x512xf32, #tpu.memory_space<vmem>>, vector<16xf32>,
      %broadcast_in_dim3A_801 = arith.constant 56 : i32
      %broadcast_in_dim3A_802 = vector.broadcast %broadcast_in_dim3A_801 : i32 to vector<16xi32>
      %gt3A_803 = arith.cmpf ogt, %get3A_800, %select_n3A_796 : vector<16xf32>
      %gt3A_804 = arith.cmpf ogt, %get3A_800, %select_n3A_794 : vector<16xf32>
      %select_n3A_805 = arith.select %gt3A_804, %broadcast_in_dim3A_802, %select_n3A_792 : vector<16xi1>, vector<16xi32>
      %select_n3A_806 = arith.select %gt3A_803, %select_n3A_795, %select_n3A_805 : vector<16xi1>, vector<16xi32>
      %select_n3A_807 = arith.select %gt3A_804, %get3A_800, %select_n3A_794 : vector<16xi1>, vector<16xf32>
      %select_n3A_808 = arith.select %gt3A_803, %select_n3A_796, %select_n3A_807 : vector<16xi1>, vector<16xf32>
      %select_n3A_809 = arith.select %gt3A_803, %broadcast_in_dim3A_802, %select_n3A_795 : vector<16xi1>, vector<16xi32>
      %select_n3A_810 = arith.select %gt3A_803, %get3A_800, %select_n3A_796 : vector<16xi1>, vector<16xf32>
      %get3A_811 = arith.constant 57 : i32
      %get3A_812 = arith.index_cast %get3A_811 : i32 to index
      %get3A_813 = arith.index_cast %mul3A_15 : i32 to index
      %get3A_814 = tpu.vector_load %arg6[%get3A_812, %get3A_813] {strides = array<i32>} : memref<64x512xf32, #tpu.memory_space<vmem>>, vector<16xf32>,
      %broadcast_in_dim3A_815 = arith.constant 57 : i32
      %broadcast_in_dim3A_816 = vector.broadcast %broadcast_in_dim3A_815 : i32 to vector<16xi32>
      %gt3A_817 = arith.cmpf ogt, %get3A_814, %select_n3A_810 : vector<16xf32>
      %gt3A_818 = arith.cmpf ogt, %get3A_814, %select_n3A_808 : vector<16xf32>
      %select_n3A_819 = arith.select %gt3A_818, %broadcast_in_dim3A_816, %select_n3A_806 : vector<16xi1>, vector<16xi32>
      %select_n3A_820 = arith.select %gt3A_817, %select_n3A_809, %select_n3A_819 : vector<16xi1>, vector<16xi32>
      %select_n3A_821 = arith.select %gt3A_818, %get3A_814, %select_n3A_808 : vector<16xi1>, vector<16xf32>
      %select_n3A_822 = arith.select %gt3A_817, %select_n3A_810, %select_n3A_821 : vector<16xi1>, vector<16xf32>
      %select_n3A_823 = arith.select %gt3A_817, %broadcast_in_dim3A_816, %select_n3A_809 : vector<16xi1>, vector<16xi32>
      %select_n3A_824 = arith.select %gt3A_817, %get3A_814, %select_n3A_810 : vector<16xi1>, vector<16xf32>
      %get3A_825 = arith.constant 58 : i32
      %get3A_826 = arith.index_cast %get3A_825 : i32 to index
      %get3A_827 = arith.index_cast %mul3A_15 : i32 to index
      %get3A_828 = tpu.vector_load %arg6[%get3A_826, %get3A_827] {strides = array<i32>} : memref<64x512xf32, #tpu.memory_space<vmem>>, vector<16xf32>,
      %broadcast_in_dim3A_829 = arith.constant 58 : i32
      %broadcast_in_dim3A_830 = vector.broadcast %broadcast_in_dim3A_829 : i32 to vector<16xi32>
      %gt3A_831 = arith.cmpf ogt, %get3A_828, %select_n3A_824 : vector<16xf32>
      %gt3A_832 = arith.cmpf ogt, %get3A_828, %select_n3A_822 : vector<16xf32>
      %select_n3A_833 = arith.select %gt3A_832, %broadcast_in_dim3A_830, %select_n3A_820 : vector<16xi1>, vector<16xi32>
      %select_n3A_834 = arith.select %gt3A_831, %select_n3A_823, %select_n3A_833 : vector<16xi1>, vector<16xi32>
      %select_n3A_835 = arith.select %gt3A_832, %get3A_828, %select_n3A_822 : vector<16xi1>, vector<16xf32>
      %select_n3A_836 = arith.select %gt3A_831, %select_n3A_824, %select_n3A_835 : vector<16xi1>, vector<16xf32>
      %select_n3A_837 = arith.select %gt3A_831, %broadcast_in_dim3A_830, %select_n3A_823 : vector<16xi1>, vector<16xi32>
      %select_n3A_838 = arith.select %gt3A_831, %get3A_828, %select_n3A_824 : vector<16xi1>, vector<16xf32>
      %get3A_839 = arith.constant 59 : i32
      %get3A_840 = arith.index_cast %get3A_839 : i32 to index
      %get3A_841 = arith.index_cast %mul3A_15 : i32 to index
      %get3A_842 = tpu.vector_load %arg6[%get3A_840, %get3A_841] {strides = array<i32>} : memref<64x512xf32, #tpu.memory_space<vmem>>, vector<16xf32>,
      %broadcast_in_dim3A_843 = arith.constant 59 : i32
      %broadcast_in_dim3A_844 = vector.broadcast %broadcast_in_dim3A_843 : i32 to vector<16xi32>
      %gt3A_845 = arith.cmpf ogt, %get3A_842, %select_n3A_838 : vector<16xf32>
      %gt3A_846 = arith.cmpf ogt, %get3A_842, %select_n3A_836 : vector<16xf32>
      %select_n3A_847 = arith.select %gt3A_846, %broadcast_in_dim3A_844, %select_n3A_834 : vector<16xi1>, vector<16xi32>
      %select_n3A_848 = arith.select %gt3A_845, %select_n3A_837, %select_n3A_847 : vector<16xi1>, vector<16xi32>
      %select_n3A_849 = arith.select %gt3A_846, %get3A_842, %select_n3A_836 : vector<16xi1>, vector<16xf32>
      %select_n3A_850 = arith.select %gt3A_845, %select_n3A_838, %select_n3A_849 : vector<16xi1>, vector<16xf32>
      %select_n3A_851 = arith.select %gt3A_845, %broadcast_in_dim3A_844, %select_n3A_837 : vector<16xi1>, vector<16xi32>
      %select_n3A_852 = arith.select %gt3A_845, %get3A_842, %select_n3A_838 : vector<16xi1>, vector<16xf32>
      %get3A_853 = arith.constant 60 : i32
      %get3A_854 = arith.index_cast %get3A_853 : i32 to index
      %get3A_855 = arith.index_cast %mul3A_15 : i32 to index
      %get3A_856 = tpu.vector_load %arg6[%get3A_854, %get3A_855] {strides = array<i32>} : memref<64x512xf32, #tpu.memory_space<vmem>>, vector<16xf32>,
      %broadcast_in_dim3A_857 = arith.constant 60 : i32
      %broadcast_in_dim3A_858 = vector.broadcast %broadcast_in_dim3A_857 : i32 to vector<16xi32>
      %gt3A_859 = arith.cmpf ogt, %get3A_856, %select_n3A_852 : vector<16xf32>
      %gt3A_860 = arith.cmpf ogt, %get3A_856, %select_n3A_850 : vector<16xf32>
      %select_n3A_861 = arith.select %gt3A_860, %broadcast_in_dim3A_858, %select_n3A_848 : vector<16xi1>, vector<16xi32>
      %select_n3A_862 = arith.select %gt3A_859, %select_n3A_851, %select_n3A_861 : vector<16xi1>, vector<16xi32>
      %select_n3A_863 = arith.select %gt3A_860, %get3A_856, %select_n3A_850 : vector<16xi1>, vector<16xf32>
      %select_n3A_864 = arith.select %gt3A_859, %select_n3A_852, %select_n3A_863 : vector<16xi1>, vector<16xf32>
      %select_n3A_865 = arith.select %gt3A_859, %broadcast_in_dim3A_858, %select_n3A_851 : vector<16xi1>, vector<16xi32>
      %select_n3A_866 = arith.select %gt3A_859, %get3A_856, %select_n3A_852 : vector<16xi1>, vector<16xf32>
      %get3A_867 = arith.constant 61 : i32
      %get3A_868 = arith.index_cast %get3A_867 : i32 to index
      %get3A_869 = arith.index_cast %mul3A_15 : i32 to index
      %get3A_870 = tpu.vector_load %arg6[%get3A_868, %get3A_869] {strides = array<i32>} : memref<64x512xf32, #tpu.memory_space<vmem>>, vector<16xf32>,
      %broadcast_in_dim3A_871 = arith.constant 61 : i32
      %broadcast_in_dim3A_872 = vector.broadcast %broadcast_in_dim3A_871 : i32 to vector<16xi32>
      %gt3A_873 = arith.cmpf ogt, %get3A_870, %select_n3A_866 : vector<16xf32>
      %gt3A_874 = arith.cmpf ogt, %get3A_870, %select_n3A_864 : vector<16xf32>
      %select_n3A_875 = arith.select %gt3A_874, %broadcast_in_dim3A_872, %select_n3A_862 : vector<16xi1>, vector<16xi32>
      %select_n3A_876 = arith.select %gt3A_873, %select_n3A_865, %select_n3A_875 : vector<16xi1>, vector<16xi32>
      %select_n3A_877 = arith.select %gt3A_874, %get3A_870, %select_n3A_864 : vector<16xi1>, vector<16xf32>
      %select_n3A_878 = arith.select %gt3A_873, %select_n3A_866, %select_n3A_877 : vector<16xi1>, vector<16xf32>
      %select_n3A_879 = arith.select %gt3A_873, %broadcast_in_dim3A_872, %select_n3A_865 : vector<16xi1>, vector<16xi32>
      %select_n3A_880 = arith.select %gt3A_873, %get3A_870, %select_n3A_866 : vector<16xi1>, vector<16xf32>
      %get3A_881 = arith.constant 62 : i32
      %get3A_882 = arith.index_cast %get3A_881 : i32 to index
      %get3A_883 = arith.index_cast %mul3A_15 : i32 to index
      %get3A_884 = tpu.vector_load %arg6[%get3A_882, %get3A_883] {strides = array<i32>} : memref<64x512xf32, #tpu.memory_space<vmem>>, vector<16xf32>,
      %broadcast_in_dim3A_885 = arith.constant 62 : i32
      %broadcast_in_dim3A_886 = vector.broadcast %broadcast_in_dim3A_885 : i32 to vector<16xi32>
      %gt3A_887 = arith.cmpf ogt, %get3A_884, %select_n3A_880 : vector<16xf32>
      %gt3A_888 = arith.cmpf ogt, %get3A_884, %select_n3A_878 : vector<16xf32>
      %select_n3A_889 = arith.select %gt3A_888, %broadcast_in_dim3A_886, %select_n3A_876 : vector<16xi1>, vector<16xi32>
      %select_n3A_890 = arith.select %gt3A_887, %select_n3A_879, %select_n3A_889 : vector<16xi1>, vector<16xi32>
      %select_n3A_891 = arith.select %gt3A_888, %get3A_884, %select_n3A_878 : vector<16xi1>, vector<16xf32>
      %select_n3A_892 = arith.select %gt3A_887, %select_n3A_880, %select_n3A_891 : vector<16xi1>, vector<16xf32>
      %select_n3A_893 = arith.select %gt3A_887, %broadcast_in_dim3A_886, %select_n3A_879 : vector<16xi1>, vector<16xi32>
      %select_n3A_894 = arith.select %gt3A_887, %get3A_884, %select_n3A_880 : vector<16xi1>, vector<16xf32>
      %get3A_895 = arith.constant 63 : i32
      %get3A_896 = arith.index_cast %get3A_895 : i32 to index
      %get3A_897 = arith.index_cast %mul3A_15 : i32 to index
      %get3A_898 = tpu.vector_load %arg6[%get3A_896, %get3A_897] {strides = array<i32>} : memref<64x512xf32, #tpu.memory_space<vmem>>, vector<16xf32>,
      %broadcast_in_dim3A_899 = arith.constant 63 : i32
      %broadcast_in_dim3A_900 = vector.broadcast %broadcast_in_dim3A_899 : i32 to vector<16xi32>
      %gt3A_901 = arith.cmpf ogt, %get3A_898, %select_n3A_894 : vector<16xf32>
      %gt3A_902 = arith.cmpf ogt, %get3A_898, %select_n3A_892 : vector<16xf32>
      %select_n3A_903 = arith.select %gt3A_902, %broadcast_in_dim3A_900, %select_n3A_890 : vector<16xi1>, vector<16xi32>
      %select_n3A_904 = arith.select %gt3A_901, %select_n3A_893, %select_n3A_903 : vector<16xi1>, vector<16xi32>
      %select_n3A_905 = arith.select %gt3A_902, %get3A_898, %select_n3A_892 : vector<16xi1>, vector<16xf32>
      %select_n3A_906 = arith.select %gt3A_901, %select_n3A_894, %select_n3A_905 : vector<16xi1>, vector<16xf32>
      %select_n3A_907 = arith.select %gt3A_901, %broadcast_in_dim3A_900, %select_n3A_893 : vector<16xi1>, vector<16xi32>
      %select_n3A_908 = arith.select %gt3A_901, %get3A_898, %select_n3A_894 : vector<16xi1>, vector<16xf32>
      %sub3A = arith.subf %select_n3A_906, %select_n3A_908 : vector<16xf32>
      %exp3A = math.exp %sub3A : vector<16xf32>
      %add3A_909 = arith.constant 1.000000e+00 : f32
      %add3A_910 = vector.broadcast %add3A_909 : f32 to vector<16xf32>
      %add3A_911 = arith.addf %add3A_910, %exp3A : vector<16xf32>
      %div3A = arith.constant 1.000000e+00 : f32
      %div3A_912 = vector.broadcast %div3A : f32 to vector<16xf32>
      %div3A_913 = arith.divf %div3A_912, %add3A_911 : vector<16xf32>
      %sub3A_914 = arith.constant 1.000000e+00 : f32
      %sub3A_915 = vector.broadcast %sub3A_914 : f32 to vector<16xf32>
      %sub3A_916 = arith.subf %sub3A_915, %div3A_913 : vector<16xf32>
      %gather3A = tpu.vector_load_idx %arg7[%select_n3A_907] : memref<64xf32, #tpu.memory_space<vmem>>[vector<16xi32>], vector<16xf32>,
      %mul3A_917 = arith.mulf %div3A_913, %gather3A : vector<16xf32>
      %gather3A_918 = tpu.vector_load_idx %arg7[%select_n3A_904] : memref<64xf32, #tpu.memory_space<vmem>>[vector<16xi32>], vector<16xf32>,
      %mul3A_919 = arith.mulf %sub3A_916, %gather3A_918 : vector<16xf32>
      %add3A_920 = vector.broadcast %mul3A_15 : i32 to vector<16xi32>
      %add3A_921 = arith.addi %add3A_920, %iota3A : vector<16xi32>
      tpu.vector_store_idx %arg8[%add3A_921, %broadcast_in_dim3A_3], %mul3A_917 : memref<512x2xf32, #tpu.memory_space<vmem>>[vector<16xi32>, vector<16xi32>], vector<16xf32>,
      tpu.vector_store_idx %arg8[%add3A_921, %broadcast_in_dim3A_5], %mul3A_919 : memref<512x2xf32, #tpu.memory_space<vmem>>[vector<16xi32>, vector<16xi32>], vector<16xf32>,
      tpu.vector_store_idx %arg9[%add3A_921, %broadcast_in_dim3A_3], %select_n3A_907 : memref<512x2xi32, #tpu.memory_space<vmem>>[vector<16xi32>, vector<16xi32>], vector<16xi32>,
      tpu.vector_store_idx %arg9[%add3A_921, %broadcast_in_dim3A_5], %select_n3A_904 : memref<512x2xi32, #tpu.memory_space<vmem>>[vector<16xi32>, vector<16xi32>], vector<16xi32>,
    }
    %scan3A_12 = arith.constant 32 : i32
    "tpu.region"() ({
      %run_scoped3A = tpu.sem_alloc : memref<!tpu.dma_semaphore, #tpu.memory_space<semaphore_mem>>
      %dma_start3A = arith.constant 0 : i32
      %dma_start3A_13 = tpu.memref_slice %arg4[%mul3A_2, %dma_start3A] : memref<16384x2xf32, #tpu.memory_space<hbm>> -> memref<512x2xf32, #tpu.memory_space<hbm>>
      %dma_start3A_14 = arith.constant 0 : i32
      %dma_start3A_15 = tpu.memref_slice %arg4[%mul3A_2, %dma_start3A_14] : memref<16384x2xf32, #tpu.memory_space<hbm>> -> memref<512x2xf32, #tpu.memory_space<hbm>>
      tpu.enqueue_dma source(%arg8 : memref<512x2xf32, #tpu.memory_space<vmem>>) target(%dma_start3A_15 : memref<512x2xf32, #tpu.memory_space<hbm>>) target_semaphore(%run_scoped3A : memref<!tpu.dma_semaphore, #tpu.memory_space<semaphore_mem>>)
      %dma_wait3A = arith.constant 0 : i32
      %dma_wait3A_16 = tpu.memref_slice %arg4[%mul3A_2, %dma_wait3A] : memref<16384x2xf32, #tpu.memory_space<hbm>> -> memref<512x2xf32, #tpu.memory_space<hbm>>
      %dma_wait3A_17 = arith.constant 0 : i32
      %dma_wait3A_18 = tpu.memref_slice %arg4[%mul3A_2, %dma_wait3A_17] : memref<16384x2xf32, #tpu.memory_space<hbm>> -> memref<512x2xf32, #tpu.memory_space<hbm>>
      tpu.wait_dma2 semaphore(%run_scoped3A : memref<!tpu.dma_semaphore, #tpu.memory_space<semaphore_mem>>) src(%arg8 : memref<512x2xf32, #tpu.memory_space<vmem>>) dst(%dma_wait3A_18 : memref<512x2xf32, #tpu.memory_space<hbm>>)
      tpu.yield
    }) : () -> ()
    "tpu.region"() ({
      %run_scoped3A = tpu.sem_alloc : memref<!tpu.dma_semaphore, #tpu.memory_space<semaphore_mem>>
      %dma_start3A = arith.constant 0 : i32
      %dma_start3A_13 = tpu.memref_slice %arg5[%mul3A_2, %dma_start3A] : memref<16384x2xi32, #tpu.memory_space<hbm>> -> memref<512x2xi32, #tpu.memory_space<hbm>>
      %dma_start3A_14 = arith.constant 0 : i32
      %dma_start3A_15 = tpu.memref_slice %arg5[%mul3A_2, %dma_start3A_14] : memref<16384x2xi32, #tpu.memory_space<hbm>> -> memref<512x2xi32, #tpu.memory_space<hbm>>
      tpu.enqueue_dma source(%arg9 : memref<512x2xi32, #tpu.memory_space<vmem>>) target(%dma_start3A_15 : memref<512x2xi32, #tpu.memory_space<hbm>>) target_semaphore(%run_scoped3A : memref<!tpu.dma_semaphore, #tpu.memory_space<semaphore_mem>>)
      %dma_wait3A = arith.constant 0 : i32
      %dma_wait3A_16 = tpu.memref_slice %arg5[%mul3A_2, %dma_wait3A] : memref<16384x2xi32, #tpu.memory_space<hbm>> -> memref<512x2xi32, #tpu.memory_space<hbm>>
      %dma_wait3A_17 = arith.constant 0 : i32
      %dma_wait3A_18 = tpu.memref_slice %arg5[%mul3A_2, %dma_wait3A_17] : memref<16384x2xi32, #tpu.memory_space<hbm>> -> memref<512x2xi32, #tpu.memory_space<hbm>>
      tpu.wait_dma2 semaphore(%run_scoped3A : memref<!tpu.dma_semaphore, #tpu.memory_space<semaphore_mem>>) src(%arg9 : memref<512x2xi32, #tpu.memory_space<vmem>>) dst(%dma_wait3A_18 : memref<512x2xi32, #tpu.memory_space<hbm>>)
      tpu.yield
    }) : () -> ()
    return
  }
}

module attributes {stable_mosaic.version = 14 : i64} {
  func.func @_tc_logits_body(%arg0: i32, %arg1: memref<512x2048xf32, #tpu.memory_space<vmem>>, %arg2: memref<64x2048xf32, #tpu.memory_space<vmem>>, %arg3: memref<1x2048xf32, #tpu.memory_space<vmem>>, %arg4: memref<64x512xf32, #tpu.memory_space<vmem>>) attributes {dimension_semantics = [#tpu.dimension_semantics<arbitrary>], iteration_bounds = array<i64: 32>, scalar_prefetch = 0 : i64, scratch_operands = 0 : i64, tpu.core_type = #tpu.core_type<tc>, window_params = [{transform_indices = @transform_0, window_bounds = array<i64: 512, 2048>}, {pipeline_mode = #tpu.pipeline_mode<synchronous>, transform_indices = @transform_1, window_bounds = array<i64: 64, 2048>}, {pipeline_mode = #tpu.pipeline_mode<synchronous>, transform_indices = @transform_2, window_bounds = array<i64: 1, 2048>}, {transform_indices = @transform_3, window_bounds = array<i64: 64, 512>}]} {
    %get3A = arith.constant 0 : index
    %get3A_0 = arith.constant 0 : index
    %get3A_1 = vector.load %arg1[%get3A, %get3A_0] : memref<512x2048xf32, #tpu.memory_space<vmem>>, vector<512x2048xf32>
    %mul3A = arith.mulf %get3A_1, %get3A_1 : vector<512x2048xf32>
    %slice3A = vector.extract_strided_slice %mul3A {offsets = [0, 0], sizes = [512, 128], strides = [1, 1]} : vector<512x2048xf32> to vector<512x128xf32>
    %slice3A_2 = vector.extract_strided_slice %mul3A {offsets = [0, 128], sizes = [512, 128], strides = [1, 1]} : vector<512x2048xf32> to vector<512x128xf32>
    %add3A = arith.addf %slice3A, %slice3A_2 : vector<512x128xf32>
    %slice3A_3 = vector.extract_strided_slice %mul3A {offsets = [0, 256], sizes = [512, 128], strides = [1, 1]} : vector<512x2048xf32> to vector<512x128xf32>
    %add3A_4 = arith.addf %add3A, %slice3A_3 : vector<512x128xf32>
    %slice3A_5 = vector.extract_strided_slice %mul3A {offsets = [0, 384], sizes = [512, 128], strides = [1, 1]} : vector<512x2048xf32> to vector<512x128xf32>
    %add3A_6 = arith.addf %add3A_4, %slice3A_5 : vector<512x128xf32>
    %slice3A_7 = vector.extract_strided_slice %mul3A {offsets = [0, 512], sizes = [512, 128], strides = [1, 1]} : vector<512x2048xf32> to vector<512x128xf32>
    %add3A_8 = arith.addf %add3A_6, %slice3A_7 : vector<512x128xf32>
    %slice3A_9 = vector.extract_strided_slice %mul3A {offsets = [0, 640], sizes = [512, 128], strides = [1, 1]} : vector<512x2048xf32> to vector<512x128xf32>
    %add3A_10 = arith.addf %add3A_8, %slice3A_9 : vector<512x128xf32>
    %slice3A_11 = vector.extract_strided_slice %mul3A {offsets = [0, 768], sizes = [512, 128], strides = [1, 1]} : vector<512x2048xf32> to vector<512x128xf32>
    %add3A_12 = arith.addf %add3A_10, %slice3A_11 : vector<512x128xf32>
    %slice3A_13 = vector.extract_strided_slice %mul3A {offsets = [0, 896], sizes = [512, 128], strides = [1, 1]} : vector<512x2048xf32> to vector<512x128xf32>
    %add3A_14 = arith.addf %add3A_12, %slice3A_13 : vector<512x128xf32>
    %slice3A_15 = vector.extract_strided_slice %mul3A {offsets = [0, 1024], sizes = [512, 128], strides = [1, 1]} : vector<512x2048xf32> to vector<512x128xf32>
    %add3A_16 = arith.addf %add3A_14, %slice3A_15 : vector<512x128xf32>
    %slice3A_17 = vector.extract_strided_slice %mul3A {offsets = [0, 1152], sizes = [512, 128], strides = [1, 1]} : vector<512x2048xf32> to vector<512x128xf32>
    %add3A_18 = arith.addf %add3A_16, %slice3A_17 : vector<512x128xf32>
    %slice3A_19 = vector.extract_strided_slice %mul3A {offsets = [0, 1280], sizes = [512, 128], strides = [1, 1]} : vector<512x2048xf32> to vector<512x128xf32>
    %add3A_20 = arith.addf %add3A_18, %slice3A_19 : vector<512x128xf32>
    %slice3A_21 = vector.extract_strided_slice %mul3A {offsets = [0, 1408], sizes = [512, 128], strides = [1, 1]} : vector<512x2048xf32> to vector<512x128xf32>
    %add3A_22 = arith.addf %add3A_20, %slice3A_21 : vector<512x128xf32>
    %slice3A_23 = vector.extract_strided_slice %mul3A {offsets = [0, 1536], sizes = [512, 128], strides = [1, 1]} : vector<512x2048xf32> to vector<512x128xf32>
    %add3A_24 = arith.addf %add3A_22, %slice3A_23 : vector<512x128xf32>
    %slice3A_25 = vector.extract_strided_slice %mul3A {offsets = [0, 1664], sizes = [512, 128], strides = [1, 1]} : vector<512x2048xf32> to vector<512x128xf32>
    %add3A_26 = arith.addf %add3A_24, %slice3A_25 : vector<512x128xf32>
    %slice3A_27 = vector.extract_strided_slice %mul3A {offsets = [0, 1792], sizes = [512, 128], strides = [1, 1]} : vector<512x2048xf32> to vector<512x128xf32>
    %add3A_28 = arith.addf %add3A_26, %slice3A_27 : vector<512x128xf32>
    %slice3A_29 = vector.extract_strided_slice %mul3A {offsets = [0, 1920], sizes = [512, 128], strides = [1, 1]} : vector<512x2048xf32> to vector<512x128xf32>
    %add3A_30 = arith.addf %add3A_28, %slice3A_29 : vector<512x128xf32>
    %roll3A = arith.constant 120 : i32
    %roll3A_31 = tpu.dynamic_rotate %add3A_30 by %roll3A dim 1 : vector<512x128xf32>, i32 -> vector<512x128xf32>
    %add3A_32 = arith.addf %add3A_30, %roll3A_31 : vector<512x128xf32>
    %roll3A_33 = arith.constant 112 : i32
    %roll3A_34 = tpu.dynamic_rotate %add3A_30 by %roll3A_33 dim 1 : vector<512x128xf32>, i32 -> vector<512x128xf32>
    %add3A_35 = arith.addf %add3A_32, %roll3A_34 : vector<512x128xf32>
    %roll3A_36 = arith.constant 104 : i32
    %roll3A_37 = tpu.dynamic_rotate %add3A_30 by %roll3A_36 dim 1 : vector<512x128xf32>, i32 -> vector<512x128xf32>
    %add3A_38 = arith.addf %add3A_35, %roll3A_37 : vector<512x128xf32>
    %roll3A_39 = arith.constant 96 : i32
    %roll3A_40 = tpu.dynamic_rotate %add3A_30 by %roll3A_39 dim 1 : vector<512x128xf32>, i32 -> vector<512x128xf32>
    %add3A_41 = arith.addf %add3A_38, %roll3A_40 : vector<512x128xf32>
    %roll3A_42 = arith.constant 88 : i32
    %roll3A_43 = tpu.dynamic_rotate %add3A_30 by %roll3A_42 dim 1 : vector<512x128xf32>, i32 -> vector<512x128xf32>
    %add3A_44 = arith.addf %add3A_41, %roll3A_43 : vector<512x128xf32>
    %roll3A_45 = arith.constant 80 : i32
    %roll3A_46 = tpu.dynamic_rotate %add3A_30 by %roll3A_45 dim 1 : vector<512x128xf32>, i32 -> vector<512x128xf32>
    %add3A_47 = arith.addf %add3A_44, %roll3A_46 : vector<512x128xf32>
    %roll3A_48 = arith.constant 72 : i32
    %roll3A_49 = tpu.dynamic_rotate %add3A_30 by %roll3A_48 dim 1 : vector<512x128xf32>, i32 -> vector<512x128xf32>
    %add3A_50 = arith.addf %add3A_47, %roll3A_49 : vector<512x128xf32>
    %roll3A_51 = arith.constant 64 : i32
    %roll3A_52 = tpu.dynamic_rotate %add3A_30 by %roll3A_51 dim 1 : vector<512x128xf32>, i32 -> vector<512x128xf32>
    %add3A_53 = arith.addf %add3A_50, %roll3A_52 : vector<512x128xf32>
    %roll3A_54 = arith.constant 56 : i32
    %roll3A_55 = tpu.dynamic_rotate %add3A_30 by %roll3A_54 dim 1 : vector<512x128xf32>, i32 -> vector<512x128xf32>
    %add3A_56 = arith.addf %add3A_53, %roll3A_55 : vector<512x128xf32>
    %roll3A_57 = arith.constant 48 : i32
    %roll3A_58 = tpu.dynamic_rotate %add3A_30 by %roll3A_57 dim 1 : vector<512x128xf32>, i32 -> vector<512x128xf32>
    %add3A_59 = arith.addf %add3A_56, %roll3A_58 : vector<512x128xf32>
    %roll3A_60 = arith.constant 40 : i32
    %roll3A_61 = tpu.dynamic_rotate %add3A_30 by %roll3A_60 dim 1 : vector<512x128xf32>, i32 -> vector<512x128xf32>
    %add3A_62 = arith.addf %add3A_59, %roll3A_61 : vector<512x128xf32>
    %roll3A_63 = arith.constant 32 : i32
    %roll3A_64 = tpu.dynamic_rotate %add3A_30 by %roll3A_63 dim 1 : vector<512x128xf32>, i32 -> vector<512x128xf32>
    %add3A_65 = arith.addf %add3A_62, %roll3A_64 : vector<512x128xf32>
    %roll3A_66 = arith.constant 24 : i32
    %roll3A_67 = tpu.dynamic_rotate %add3A_30 by %roll3A_66 dim 1 : vector<512x128xf32>, i32 -> vector<512x128xf32>
    %add3A_68 = arith.addf %add3A_65, %roll3A_67 : vector<512x128xf32>
    %roll3A_69 = arith.constant 16 : i32
    %roll3A_70 = tpu.dynamic_rotate %add3A_30 by %roll3A_69 dim 1 : vector<512x128xf32>, i32 -> vector<512x128xf32>
    %add3A_71 = arith.addf %add3A_68, %roll3A_70 : vector<512x128xf32>
    %roll3A_72 = arith.constant 8 : i32
    %roll3A_73 = tpu.dynamic_rotate %add3A_30 by %roll3A_72 dim 1 : vector<512x128xf32>, i32 -> vector<512x128xf32>
    %add3A_74 = arith.addf %add3A_71, %roll3A_73 : vector<512x128xf32>
    %roll3A_75 = arith.constant 124 : i32
    %roll3A_76 = tpu.dynamic_rotate %add3A_74 by %roll3A_75 dim 1 : vector<512x128xf32>, i32 -> vector<512x128xf32>
    %add3A_77 = arith.addf %add3A_74, %roll3A_76 : vector<512x128xf32>
    %roll3A_78 = arith.constant 126 : i32
    %roll3A_79 = tpu.dynamic_rotate %add3A_77 by %roll3A_78 dim 1 : vector<512x128xf32>, i32 -> vector<512x128xf32>
    %add3A_80 = arith.addf %add3A_77, %roll3A_79 : vector<512x128xf32>
    %roll3A_81 = arith.constant 127 : i32
    %roll3A_82 = tpu.dynamic_rotate %add3A_80 by %roll3A_81 dim 1 : vector<512x128xf32>, i32 -> vector<512x128xf32>
    %add3A_83 = arith.addf %add3A_80, %roll3A_82 : vector<512x128xf32>
    %slice3A_84 = vector.extract_strided_slice %add3A_83 {offsets = [0, 0], sizes = [512, 1], strides = [1, 1]} : vector<512x128xf32> to vector<512x1xf32>
    %mul3A_85 = arith.constant 4.8828125E-4 : f32
    %mul3A_86 = vector.broadcast %mul3A_85 : f32 to vector<512x1xf32>
    %mul3A_87 = arith.mulf %slice3A_84, %mul3A_86 : vector<512x1xf32>
    %add3A_88 = arith.constant 9.99999997E-7 : f32
    %add3A_89 = vector.broadcast %add3A_88 : f32 to vector<512x1xf32>
    %add3A_90 = arith.addf %mul3A_87, %add3A_89 : vector<512x1xf32>
    %rsqrt3A = math.rsqrt %add3A_90 : vector<512x1xf32>
    %mul3A_91 = vector.broadcast %rsqrt3A : vector<512x1xf32> to vector<512x2048xf32>
    %mul3A_92 = arith.mulf %get3A_1, %mul3A_91 : vector<512x2048xf32>
    %get3A_93 = arith.constant 0 : index
    %get3A_94 = arith.constant 0 : index
    %get3A_95 = vector.load %arg3[%get3A_93, %get3A_94] : memref<1x2048xf32, #tpu.memory_space<vmem>>, vector<1x2048xf32>
    %mul3A_96 = vector.broadcast %get3A_95 : vector<1x2048xf32> to vector<512x2048xf32>
    %mul3A_97 = arith.mulf %mul3A_92, %mul3A_96 : vector<512x2048xf32>
    %mul3A_98 = arith.constant 0.0220970865 : f32
    %mul3A_99 = vector.broadcast %mul3A_98 : f32 to vector<512x2048xf32>
    %mul3A_100 = arith.mulf %mul3A_97, %mul3A_99 : vector<512x2048xf32>
    %get3A_101 = arith.constant 0 : index
    %get3A_102 = arith.constant 0 : index
    %get3A_103 = vector.load %arg2[%get3A_101, %get3A_102] : memref<64x2048xf32, #tpu.memory_space<vmem>>, vector<64x2048xf32>
    %convert_element_type3A = arith.truncf %get3A_103 : vector<64x2048xf32> to vector<64x2048xbf16>
    %convert_element_type3A_104 = arith.truncf %mul3A_100 : vector<512x2048xf32> to vector<512x2048xbf16>
    %dot_general3A = arith.constant dense<0.000000e+00> : vector<64x512xf32>
    %dot_general3A_105 = tpu.matmul %convert_element_type3A, %convert_element_type3A_104, %dot_general3A {dimension_numbers = #tpu.dot_dimension_numbers<[1], [1], [0], [0], [0, 0, 1, 0], [], []>, transpose_lhs_hint = false} : vector<64x2048xbf16>, vector<512x2048xbf16>, vector<64x512xf32> -> vector<64x512xf32>
    %swap3A = arith.constant 0 : index
    %swap3A_106 = arith.constant 0 : index
    %swap3A_107 = vector.load %arg4[%swap3A, %swap3A_106] : memref<64x512xf32, #tpu.memory_space<vmem>>, vector<64x512xf32>
    tpu.vector_store %arg4[%swap3A, %swap3A_106], %dot_general3A_105 {strides = array<i32>} : memref<64x512xf32, #tpu.memory_space<vmem>>, vector<64x512xf32>,
    return
  }
  func.func @transform_0(%arg0: i32) -> (i32, i32) {
    %c0_i32 = arith.constant 0 : i32
    %c0_i32_0 = arith.constant 0 : i32
    return %arg0, %c0_i32 : i32, i32
  }
  func.func @transform_1(%arg0: i32) -> (i32, i32) {
    %c0_i32 = arith.constant 0 : i32
    %c0_i32_0 = arith.constant 0 : i32
    %c0_i32_1 = arith.constant 0 : i32
    return %c0_i32, %c0_i32_0 : i32, i32
  }
  func.func @transform_2(%arg0: i32) -> (i32, i32) {
    %c0_i32 = arith.constant 0 : i32
    %c0_i32_0 = arith.constant 0 : i32
    %c0_i32_1 = arith.constant 0 : i32
    return %c0_i32, %c0_i32_0 : i32, i32
  }
  func.func @transform_3(%arg0: i32) -> (i32, i32) {
    %c0_i32 = arith.constant 0 : i32
    %c0_i32_0 = arith.constant 0 : i32
    return %c0_i32, %arg0 : i32, i32
  }
}

</mosaic_0001>

<sc_bundles>
// kernel: kernel.4.cloned.1.call-start
scs
__scs_entry_jumppad:
0x0: {  	(pc) =	sbr.rel $0x88, $3  }
0x1: {  	(tag) =	ssettag $0x0;
	lr =	simm.s32 $0x1  }
0x2: {  	[smem:$0x3F9D] =	sst lr;
	_ =	strace $0xD0000000  }
0x3: {  	_ = 	snop  }
0x4: {  	_ = 	snop  }
0x5: {  	_ = 	snop  }
0x6: {  	_ = 	snop  }
0x7: {  	_ = 	snop  }
__scs_overlays_trampoline_lowered:
0x8: {  	[smem:$0x3FAC] =	sst s0  }
0x9: {  	[smem:$0x3FAD] =	sst s1  }
0xa: {  	[smem:$0x3FAE] =	sst s2  }
0xb: {  	[smem:$0x3FAF] =	sst s3  }
0xc: {  	[smem:$0x3FB0] =	sst s4  }
0xd: {  	[smem:$0x3FB1] =	sst s5  }
0xe: {  	[smem:$0x3FB2] =	sst s6  }
0xf: {  	[smem:$0x3FB3] =	sst s7  }
0x10: {  	[smem:$0x3FB4] =	sst s8  }
0x11: {  	[smem:$0x3FB5] =	sst s9;
	s0 =	simm.s32 @!p0 $0x0  }
0x12: {  	s1 =	sld [smem:$0x3F9B];
	s0 =	simm.s32 @p0 $0x1  }
0x13: {  	[smem:$0x3FB6] =	sst s0;
	s0 =	simm.s32 @!p1 $0x0  }
0x14: {  	s2 =	sld [smem:$0x3F9A];
	s0 =	simm.s32 @p1 $0x1  }
0x15: {  	[smem:$0x3FB7] =	sst s0;
	s0 =	simm.s32 @!p2 $0x0  }
0x16: {  	s3 =	sld [smem:$0x3FDB];
	s0 =	simm.s32 @p2 $0x1  }
0x17: {  	s4 =	simm.s32 $0x1BF5;
	[smem:$0x3FB9] =	sst s0  }
0x18: {  	s0 =	sld [smem:$0x3F9C];
	_ =	swait.ge [sflag:s4], $0x0  }
0x19: {  	s7 =	sld [smem:$0x3F9D]  }
0x1a: {  	s8 =	sadd.s32 $0xFFFFE003, lr  }
0x1b: {  	s9 =	sadd.s32 $0xFFFFFEF7, lr;
	s5 =	simm.s32 $0xFFFFFFFF;
	p2 =	slt.u32 s8, $0xFFFFF086  }
0x1c: {  	p1 =	slt.u32 s9, $0xF7A;
	s5 =	simm.s32 @!p2 $0x0  }
0x1d: {  	s5 =	simm.s32 @p1 $0x1;
	p0 =	seq.s32 s7, s2  }
0x1e: {  	s7 =	smul.u32 @!p0 $0xF7A, s2;
	p2 =	seq.s32 @!p0 s5, $0x0  }
0x1f: {  	s9 =	smul.u32 $0xF7A, s1;
	s8 =	simm.s32 @!p0 $0x1BF5;
	p2 =	por !p2, p0  }
0x20: {  	[sflag:s8] =	ssyncset.s32 @!p0 $0xFFFFF086;
	s6 =	sadd.s32 @!p0 s3, s7;
	s7 =	simm.s32 @!p0 $0x108  }
0x21: {  	s3 =	sadd.s32 s3, s9;
	s6 =	sadd.s32 @!p0 $0x88, s6;
	s7 =	simm.s32 @p2 $0x1082  }
0x22: {  	[simem:s7], [sflag:s8] =	dma.local @!p0 [hbm:s6], $0xF7A  }
0x23: {  	s9 =	sor.u32 $0xD0000000, s2;
	s6 =	simm.s32 $0x108;
	_ =	swait.ge @!p0 [sflag:s8], $0x0  }
0x24: {  	s3 =	sadd.s32 $0x88, s3;
	s6 =	simm.s32 @!p1 $0x1082;
	[sflag:s4] =	ssyncset.s32 $0xFFFFF086  }
0x25: {  	[simem:s6], [sflag:s4] =	dma.local [hbm:s3], $0xF7A  }
0x26: {  	[smem:$0x3F9D] =	sst s1;
	(tag) =	ssettag s2;
	_ =	strace s9  }
0x27: {  	s1 =	sld [smem:$0x3FAD]  }
0x28: {  	s2 =	sld [smem:$0x3FAE]  }
0x29: {  	s4 =	sld [smem:$0x3FB0]  }
0x2a: {  	p0 =	seq.s32 s5, $0x0;
	s5 =	sld [smem:$0x3FB1]  }
0x2b: {  	s6 =	sld [smem:$0x3FB2]  }
0x2c: {  	s7 =	sld [smem:$0x3FB3]  }
0x2d: {  	s3 =	simm.s32 $0x108;
	s8 =	sld [smem:$0x3FB4]  }
0x2e: {  	s3 =	simm.s32 @!p0 $0x1082;
	s9 =	sld [smem:$0x3FB5]  }
0x2f: {  	lr =	sadd.s32 s0, s3;
	s0 =	sld [smem:$0x3FAC]  }
0x30: {  	s3 =	sld [smem:$0x3FAF]  }
0x31: {  	[smem:$0x3FB8] =	sst s10  }
0x32: {  	s10 =	sld [smem:$0x3FB6];
	_ =	sdelay $0x3  }
0x33: {  	p0 =	seq.s32 s10, $0x1;
	s10 =	sld [smem:$0x3FB8];
	_ =	sdelay $0x3  }
0x34: {  	[smem:$0x3FB8] =	sst s10  }
0x35: {  	s10 =	sld [smem:$0x3FB7];
	_ =	sdelay $0x3  }
0x36: {  	p1 =	seq.s32 s10, $0x1;
	s10 =	sld [smem:$0x3FB8];
	_ =	sdelay $0x3  }
0x37: {  	[smem:$0x3FB8] =	sst s10  }
0x38: {  	s10 =	sld [smem:$0x3FB9]  }
0x39: {  	_ = 	snop;
	(pc) =	sbr.ind lr, $3  }
0x3a: {  	_ = 	snop  }
0x3b: {  	_ = 	snop  }
0x3c: {  	p2 =	seq.s32 s10, $0x1;
	s10 =	sld [smem:$0x3FB8]  }
0x3d: {  	_ =	shalt  }
0x3e: {  	_ =	shalt  }
0x3f: {  	_ =	shalt  }
0x40: {  	_ =	shalt  }
0x41: {  	_ =	shalt  }
0x42: {  	_ =	shalt  }
0x43: {  	_ =	shalt  }
0x44: {  	_ =	shalt  }
0x45: {  	_ =	shalt  }
0x46: {  	_ =	shalt  }
0x47: {  	_ =	shalt  }
0x48: {  	_ =	shalt  }
0x49: {  	_ =	shalt  }
0x4a: {  	_ =	shalt  }
0x4b: {  	_ =	shalt  }
0x4c: {  	_ =	shalt  }
0x4d: {  	_ =	shalt  }
0x4e: {  	_ =	shalt  }
0x4f: {  	_ =	shalt  }
0x50: {  	_ =	shalt  }
0x51: {  	_ =	shalt  }
0x52: {  	_ =	shalt  }
0x53: {  	_ =	shalt  }
0x54: {  	_ =	shalt  }
0x55: {  	_ =	shalt  }
0x56: {  	_ =	shalt  }
0x57: {  	_ =	shalt  }
0x58: {  	_ =	shalt  }
0x59: {  	_ =	shalt  }
0x5a: {  	_ =	shalt  }
0x5b: {  	_ =	shalt  }
0x5c: {  	_ =	shalt  }
0x5d: {  	_ =	shalt  }
0x5e: {  	_ =	shalt  }
0x5f: {  	_ =	shalt  }
0x60: {  	_ =	shalt  }
0x61: {  	_ =	shalt  }
0x62: {  	_ =	shalt  }
0x63: {  	_ =	shalt  }
0x64: {  	_ =	shalt  }
0x65: {  	_ =	shalt  }
0x66: {  	_ =	shalt  }
0x67: {  	_ =	shalt  }
0x68: {  	_ =	shalt  }
0x69: {  	_ =	shalt  }
0x6a: {  	_ =	shalt  }
0x6b: {  	_ =	shalt  }
0x6c: {  	_ =	shalt  }
0x6d: {  	_ =	shalt  }
0x6e: {  	_ =	shalt  }
0x6f: {  	_ =	shalt  }
0x70: {  	_ =	shalt  }
0x71: {  	_ =	shalt  }
0x72: {  	_ =	shalt  }
0x73: {  	_ =	shalt  }
0x74: {  	_ =	shalt  }
0x75: {  	_ =	shalt  }
0x76: {  	_ =	shalt  }
0x77: {  	_ =	shalt  }
0x78: {  	_ =	shalt  }
0x79: {  	_ =	shalt  }
0x7a: {  	_ =	shalt  }
0x7b: {  	_ =	shalt  }
0x7c: {  	_ =	shalt  }
0x7d: {  	_ =	shalt  }
0x7e: {  	_ =	shalt  }
0x7f: {  	_ =	shalt  }
0x80: {  	_ =	shalt  }
0x81: {  	_ =	shalt  }
0x82: {  	_ =	shalt  }
0x83: {  	_ =	shalt  }
0x84: {  	_ =	shalt  }
0x85: {  	_ =	shalt  }
0x86: {  	_ =	shalt  }
0x87: {  	_ =	shalt  }
.Lfunc_end0:
.L_simem_size_0:
called_computation_lowered:
.L_overlay_start_0:
0x88: {  	s2 =	sld [smem:$0x3FD9]  }
0x89: {  	s3 =	sld [smem:$0x3FFE];
	_ =	sdelay $0x1  }
0x8a: {  	s1 =	srdreg.scid  }
0x8b: {  	s0 =	sand.u32 $0x1, s1  }
0x8c: {  	s17 =	sshll.u32 s0, $0xA;
	s2 =	sadd.s32 s3, s2  }
0x8d: {  	s2 =	sadd.s32 s2, s17  }
0x8e: {  	[smem:$0x3FC4] =	sst s2  }
0x8f: {  	_ = 	snop  }
0x90: {  	s2 =	sld [smem:$0x3FC6];
	(tm) =	ssettm $0x1  }
0x91: {  	s18 =	sld [smem:$0x3FFB];
	_ =	sdelay $0x3  }
0x92: {  	_ =	strace s18  }
0x93: {  	s3 =	sld [smem:$0x3FFC];
	_ =	sdelay $0x3  }
0x94: {  	_ =	strace s3  }
0x95: {  	s3 =	sld [smem:$0x3FFD];
	_ =	sdelay $0x3  }
0x96: {  	_ =	strace s3  }
0x97: {  	_ =	strace $0x8FFFFFFF  }
0x98: {  	s19 =	sld [smem:$0x3FDB];
	_ =	sdelay $0x1  }
0x99: {  	s4 =	simm.s32 $_scs_section_size  }
0x9a: {  	s5 =	simm.s32 $_size__tile_overlayer_lowered;
	s6 =	simm.s32 $_tile_overlayer_lowered  }
0x9b: {  	s22 =	simm.s32 $0x1BFF;
	s21 =	sshll.u32 s6, $0x1;
	s3 =	sadd.s32 s4, s19  }
0x9c: {  	s7 =	simm.s32 $0x0;
	s20 =	sshll.u32 s5, $0x1;
	s5 =	sadd.s32 s21, s3  }
0x9d: {  	[timem:s7], [sflag:s22] =	dma.local [hbm:s5], s20  }
0x9e: {  	_ =	swait.ge [sflag:s22], s20  }
0x9f: {  	s4 =	ssub.s32 $0x0, s20;
	[sflag:s22] =	ssyncset.done $0x0  }
0xa0: {  	[sflag:s22] =	ssyncadd.s32 s4;
	_ =	sdelay $0x1  }
0xa1: {  	s23 =	simm.s32 $0x1B8B  }
0xa2: {  	_ =	swait.ge [sflag:s23], $0x1  }
0xa3: {  	[sflag:s23] =	ssyncset.done $0x0  }
0xa4: {  	s25 =	simm.s32 $0x1B8E;
	s24 =	sld [smem:$0x3FFE];
	[sflag:s23] =	ssyncadd.s32 $0xFFFFFFFF  }
0xa5: {  	s26 =	simm.s32 $execute0_lowered;
	[smem:$0x3FD2] =	sst s25  }
0xa6: {  	s5 =	sshll.u32 s26, $0x1;
	_ =	strace $0x80000046;
	[dreg:$0x1] =	wrdreg $0xFFFFFFFF  }
0xa7: {  	s28 =	simm.s32 $_size_execute0_lowered;
	s3 =	sadd.s32 s3, s5;
	[dreg:$0x0] =	wrdreg $0x0  }
0xa8: {  	s5 =	sshll.u32 s28, $0x1;
	[dreg:$0x2] =	wrdreg s3  }
0xa9: {  	[dreg:$0x3] =	wrdreg s5  }
0xaa: {  	[dreg:$0x4] =	wrdreg $0xC0  }
0xab: {  	_ =	task [dreg:s7], $0x5FFFF  }
0xac: {  	[dreg:$0x1] =	wrdreg $0xFFFFFFFF  }
0xad: {  	[dreg:$0x0] =	wrdreg $0x60  }
0xae: {  	[dreg:$0x2] =	wrdreg s24  }
0xaf: {  	[dreg:$0x3] =	wrdreg s2  }
0xb0: {  	[dreg:$0x4] =	wrdreg $0x9  }
0xb1: {  	_ =	task.clear_ibuf [dreg:s7], $0x5FFFF;
	_ =	strace $0x90000046  }
0xb2: {  	s29 =	simm.s32 $0x9;
	_ =	strace $0x80000048  }
0xb3: {  	_ =	swait.ge [sflag:s29], $0x1  }
0xb4: {  	[sflag:s29] =	ssyncadd.s32 $0xFFFFFFFF  }
0xb5: {  	_ =	strace $0x90000048  }
0xb6: {  	_ =	sfence  }
0xb7: {  	s30 =	sld [smem:$0x0];
	_ =	sdelay $0x2  }
0xb8: {  	s31 =	sshll.u32 s1, $0xD;
	s1 =	sshrl.u32 s1, $0x2  }
0xb9: {  	s3 =	sand.u32 $0x4000, s31;
	s1 =	sadd.s32 s1, s30  }
0xba: {  	s0 =	sor.u32 s3, s0;
	s1 =	sshll.u32 s1, $0x11  }
0xbb: {  	s0 =	sor.u32 s1, s0  }
0xbc: {  	s0 =	sadd.s32 $0x8F2B, s0  }
0xbd: {  	[sflag:s0] =	ssyncadd.remote.s32 $0x1  }
0xbe: {  	_ =	sfence.sel $0xFFFF  }
0xbf: {  	[dreg:$0x0] =	wrdreg $0xFFFFFFFF;
	(pc) =	sbr.abs _section_cstart, $3  }
0xc0: {  	[dreg:$0x1] =	wrdreg $0xFFFFFFFF  }
0xc1: {  	_ =	task.clear_ibuf [dreg:s7], $0x2FFFF;
	_ =	strace $0x9FFFFFFF  }
0xc2: {  	(tm) =	ssettm $0x7FFFFFFF  }
0xc3: {  	_ =	shalt  }
tec
execute0_lowered:
.L_overlay_start_1:
0x0: {  	(tag) =	ssettag $0x1  }
0x1: {  	s4 =	rddreg [dreg:$0x0]  }
0x2: {  	s2 =	rddreg [dreg:$0x1];
	s3 =	srdreg.scid  }
0x3: {  	s0 =	rddreg [dreg:$0x2];
	s1 =	stileid.u32  }
0x4: {  	s9 =	simm.s32 $0x4000;
	s10 =	simm.s32 $0x1;
	s11 =	simm.s32 $0x8000  }
0x5: {  	s12 =	simm.s32 $0x8040;
	s13 =	simm.s32 $0x9040;
	s14 =	simm.s32 $0x0  }
0x6: {  	s5 =	sand.u32 $0x1, s3;
	s3 =	simm.s32 $0x0;
	s6 =	sshll.u32 s1, $0xA  }
0x7: {  	s7 =	sshll.u32 s5, $0x9;
	[smem:$0x7FF] =	sst s3;
	s5 =	ssub.s32 $0x2, s5  }
0x8: {  	s6 =	sor.u32 s7, s6;
	_ =	strace $0x80000047;
	s31 =	sshrl.u32 s5, $0x1  }
0x9: {  	s7 =	sshrl.u32 s6, $0x3;
	s6 =	sadd.s32 s6, s4;
	s8 =	ssub.s32 s5, s31  }
0xa: {  	v1 =	vlaneseq.u32;
	s7 =	sadd.s32 s7, s4;
	s5 =	sadd.s32 $0x24E00, s6;
	s6 =	sadd.s32 $0x20E00, s6  }
0xb: {  	v0 =	vimm.s32 $0x0;
	v1 =	vmul.u32 $0x8, v1;
	s4 =	sadd.s32 $0xE00, s7;
	s7 =	smax.u32 s8, $0x1;
	s8 =	simm.s32 $0x200  }
.LBB2_1:
0xc: {  	[tilespmem:s3], [sflag:$0x1] =	stream.strided.gather [hbm4b:s4+s8], $0x8000, s9, s8, $0x38;
	[tilespmem:$0xA040] =	vst v63  }
0xd: {  	_ =	swait.ge [sflag:s10], $0x8000  }
0xe: {  	[sflag:s10] =	ssyncset.done $0x0  }
0xf: {  	[sflag:s10] =	ssyncadd.s32 $0xFFFF8000  }
0x10: {  	[tilespmem:s11], [sflag:$0x1] =	stream.linear.gather [hbm4b:s2+s3], $0x40, $0x38;
	[tilespmem:$0xA040] =	vst v63  }
0x11: {  	_ =	swait.ge [sflag:s10], $0x40  }
0x12: {  	[sflag:s10] =	ssyncset.done $0x0  }
0x13: {  	s15 =	simm.s32 $0x0;
	[sflag:s10] =	ssyncadd.s32 $0xFFFFFFC0  }
0x14: {  	v2 =	vld [tilespmem:s15+$0x0]  }
0x15: {  	v3 =	vld [tilespmem:s15+$0x200];
	_ =	sdelay $0x3  }
0x16: {  	v4 =	vld [tilespmem:s15+$0x400];
	vm0 =	vgt.f32 v2, $-Inf  }
0x17: {  	vm9 =	vlt.f32 v3, $-Inf;
	vm1 =	vgt.f32 v3, $-Inf;
	v2 =	vnsel vm0, $0xFF800000, v2  }
0x18: {  	vm2 =	vmor vm1, vm9;
	vm14 =	vgt.f32 v3, v2  }
0x19: {  	v6 =	vld [tilespmem:s15+$0x600];
	v5 =	vnsel vm2, $0xFF800000, v3;
	vm1 =	vmneg vm14  }
0x1a: {  	v5 =	vsel vm1, v5, v2  }
0x1b: {  	v2 =	vsel vm1, v2, v3;
	vm12 =	vgt.f32 v4, v5  }
0x1c: {  	vm3 =	vgt.f32 v4, v2;
	v3 =	vsel vm12, v4, v5;
	v5 =	vld [tilespmem:s15+$0x800]  }
0x1d: {  	v3 =	vsel vm3, v2, v3  }
0x1e: {  	v2 =	vsel vm3, v4, v2;
	vm13 =	vgt.f32 v6, v3  }
0x1f: {  	v4 =	vld [tilespmem:s15+$0xA00];
	vm4 =	vgt.f32 v6, v2;
	v3 =	vsel vm13, v6, v3  }
0x20: {  	v3 =	vsel vm4, v2, v3  }
0x21: {  	v2 =	vsel vm4, v6, v2;
	vm15 =	vgt.f32 v5, v3  }
0x22: {  	vm5 =	vgt.f32 v5, v2;
	v3 =	vsel vm15, v5, v3  }
0x23: {  	v6 =	vld [tilespmem:s15+$0xC00];
	v3 =	vsel vm5, v2, v3  }
0x24: {  	v2 =	vsel vm5, v5, v2;
	v5 =	vimm.s32 $0x0;
	vm10 =	vgt.f32 v4, v3  }
0x25: {  	v5 =	vsel vm10, $0xFFFFFFFF, v5  }
0x26: {  	vm6 =	vgt.f32 v4, v2;
	v3 =	vsel vm10, v4, v3;
	[tilespmem:$0x1FD50] =	vst v5;
	v5 =	vld [tilespmem:s15+$0xE00]  }
0x27: {  	v3 =	vsel vm6, v2, v3  }
0x28: {  	v2 =	vsel vm6, v4, v2;
	v4 =	vimm.s32 $0x0;
	vm11 =	vgt.f32 v6, v3  }
0x29: {  	vm7 =	vgt.f32 v6, v2;
	v4 =	vsel vm11, $0xFFFFFFFF, v4;
	v3 =	vsel vm11, v6, v3  }
0x2a: {  	[tilespmem:$0x1FD60] =	vst v4;
	v4 =	vld [tilespmem:s15+$0x1000];
	v3 =	vsel vm7, v2, v3  }
0x2b: {  	v2 =	vsel vm7, v6, v2;
	v6 =	vimm.s32 $0x0;
	vm0 =	vgt.f32 v5, v3  }
0x2c: {  	v6 =	vsel vm0, $0xFFFFFFFF, v6  }
0x2d: {  	vm8 =	vgt.f32 v5, v2;
	v3 =	vsel vm0, v5, v3;
	[tilespmem:$0x1FD70] =	vst v6;
	v6 =	vld [tilespmem:s15+$0x1200]  }
0x2e: {  	v3 =	vsel vm8, v2, v3  }
0x2f: {  	v2 =	vsel vm8, v5, v2;
	v5 =	vimm.s32 $0x0;
	vm9 =	vgt.f32 v4, v3  }
0x30: {  	v5 =	vsel vm9, $0xFFFFFFFF, v5;
	v3 =	vsel vm9, v4, v3;
	vm9 =	vgt.f32 v4, v2  }
0x31: {  	[tilespmem:$0x1FD80] =	vst v5;
	v5 =	vld [tilespmem:s15+$0x1400];
	v3 =	vsel vm9, v2, v3  }
0x32: {  	v2 =	vsel vm9, v4, v2;
	v4 =	vimm.s32 $0x0;
	vm10 =	vgt.f32 v6, v3  }
0x33: {  	v4 =	vsel vm10, $0xFFFFFFFF, v4  }
0x34: {  	v3 =	vsel vm10, v6, v3;
	vm10 =	vgt.f32 v6, v2;
	[tilespmem:$0x1FD90] =	vst v4;
	v4 =	vld [tilespmem:s15+$0x1600]  }
0x35: {  	v3 =	vsel vm10, v2, v3  }
0x36: {  	v2 =	vsel vm10, v6, v2;
	v6 =	vimm.s32 $0x0;
	vm11 =	vgt.f32 v5, v3  }
0x37: {  	v6 =	vsel vm11, $0xFFFFFFFF, v6;
	v3 =	vsel vm11, v5, v3;
	vm11 =	vgt.f32 v5, v2  }
0x38: {  	[tilespmem:$0x1FDA0] =	vst v6;
	v6 =	vld [tilespmem:s15+$0x1800];
	v3 =	vsel vm11, v2, v3  }
0x39: {  	v2 =	vsel vm11, v5, v2;
	v5 =	vimm.s32 $0x0;
	vm0 =	vgt.f32 v4, v3  }
0x3a: {  	v5 =	vsel vm0, $0xFFFFFFFF, v5  }
0x3b: {  	v3 =	vsel vm0, v4, v3;
	vm0 =	vgt.f32 v4, v2;
	[tilespmem:$0x1FDB0] =	vst v5;
	v5 =	vld [tilespmem:s15+$0x1A00]  }
0x3c: {  	v8 =	vsel vm14, $0x1, v0;
	vm2 =	vmand vm2, vm1;
	v3 =	vsel vm0, v2, v3  }
0x3d: {  	v7 =	vsel vm2, $0x1, v0;
	v2 =	vsel vm0, v4, v2;
	vm1 =	vgt.f32 v6, v3  }
0x3e: {  	v4 =	vsel vm12, $0x2, v7;
	v7 =	vld [tilespmem:s15+$0x1C00];
	vm2 =	vgt.f32 v6, v2;
	v3 =	vsel vm1, v6, v3  }
0x3f: {  	v4 =	vsel vm3, v8, v4;
	v3 =	vsel vm2, v2, v3  }
0x40: {  	v8 =	vsel vm3, $0x2, v8;
	v2 =	vsel vm2, v6, v2;
	vm14 =	vgt.f32 v5, v3  }
0x41: {  	v4 =	vsel vm13, $0x3, v4;
	v6 =	vld [tilespmem:s15+$0x1E00];
	vm3 =	vgt.f32 v5, v2;
	v3 =	vsel vm14, v5, v3  }
0x42: {  	v4 =	vsel vm4, v8, v4;
	v3 =	vsel vm3, v2, v3  }
0x43: {  	v8 =	vsel vm4, $0x3, v8;
	v2 =	vsel vm3, v5, v2;
	vm12 =	vgt.f32 v7, v3  }
0x44: {  	v4 =	vsel vm15, $0x4, v4;
	vm4 =	vgt.f32 v7, v2;
	v3 =	vsel vm12, v7, v3  }
0x45: {  	v4 =	vsel vm5, v8, v4;
	v8 =	vsel vm5, $0x4, v8;
	v3 =	vsel vm4, v2, v3  }
0x46: {  	v2 =	vsel vm4, v7, v2;
	v7 =	vimm.s32 $0x0;
	vm5 =	vgt.f32 v6, v3  }
0x47: {  	v7 =	vsel vm5, $0xFFFFFFFF, v7  }
0x48: {  	[tilespmem:$0x1FDC0] =	vst v7;
	v7 =	vld [tilespmem:$0x1FD50];
	_ =	sdelay $0x1  }
0x49: {  	v5 =	vld [tilespmem:s15+$0x2000];
	_ =	sdelay $0x1  }
0x4a: {  	v3 =	vsel vm5, v6, v3;
	vm5 =	vgt.f32 v6, v2  }
0x4b: {  	vm15 =	vmmov vm12;
	v3 =	vsel vm5, v2, v3;
	vm12 =	vnez.u8 v7  }
0x4c: {  	v2 =	vsel vm5, v6, v2;
	v6 =	vimm.s32 $0x0;
	v4 =	vsel vm12, $0x5, v4  }
0x4d: {  	v4 =	vsel vm6, v8, v4;
	v8 =	vsel vm6, $0x5, v8;
	vm6 =	vgt.f32 v5, v3  }
0x4e: {  	v6 =	vsel vm6, $0xFFFFFFFF, v6  }
0x4f: {  	[tilespmem:$0x1FDD0] =	vst v6;
	v6 =	vld [tilespmem:$0x1FD60];
	_ =	sdelay $0x1  }
0x50: {  	v7 =	vld [tilespmem:s15+$0x2200];
	_ =	sdelay $0x1  }
0x51: {  	v3 =	vsel vm6, v5, v3;
	vm6 =	vgt.f32 v5, v2  }
0x52: {  	v3 =	vsel vm6, v2, v3;
	vm12 =	vnez.u8 v6  }
0x53: {  	v2 =	vsel vm6, v5, v2;
	v5 =	vimm.s32 $0x0;
	v4 =	vsel vm12, $0x6, v4  }
0x54: {  	v4 =	vsel vm7, v8, v4;
	v8 =	vsel vm7, $0x6, v8;
	vm7 =	vgt.f32 v7, v3  }
0x55: {  	v5 =	vsel vm7, $0xFFFFFFFF, v5  }
0x56: {  	[tilespmem:$0x1FDE0] =	vst v5;
	v5 =	vld [tilespmem:$0x1FD70];
	_ =	sdelay $0x1  }
0x57: {  	v9 =	vld [tilespmem:$0x1FD80]  }
0x58: {  	v6 =	vld [tilespmem:s15+$0x2400];
	_ =	sdelay $0x1  }
0x59: {  	v3 =	vsel vm7, v7, v3;
	vm7 =	vgt.f32 v7, v2;
	vm12 =	vnez.u8 v5  }
0x5a: {  	v3 =	vsel vm7, v2, v3;
	v4 =	vsel vm12, $0x7, v4  }
0x5b: {  	v2 =	vsel vm7, v7, v2;
	v5 =	vld [tilespmem:s15+$0x2600];
	vm12 =	vnez.u8 v9;
	v4 =	vsel vm8, v8, v4  }
0x5c: {  	v7 =	vimm.s32 $0x0;
	v4 =	vsel vm12, $0x8, v4;
	vm12 =	vgt.f32 v6, v3  }
0x5d: {  	v7 =	vsel vm12, $0xFFFFFFFF, v7  }
0x5e: {  	v3 =	vsel vm12, v6, v3;
	[tilespmem:$0x1FDF0] =	vst v7;
	v7 =	vsel vm8, $0x7, v8;
	vm8 =	vgt.f32 v6, v2  }
0x5f: {  	v4 =	vsel vm9, v7, v4;
	v3 =	vsel vm8, v2, v3;
	v7 =	vsel vm9, $0x8, v7  }
0x60: {  	v2 =	vsel vm8, v6, v2;
	v6 =	vimm.s32 $0x0;
	vm9 =	vgt.f32 v5, v3  }
0x61: {  	v6 =	vsel vm9, $0xFFFFFFFF, v6  }
0x62: {  	[tilespmem:$0x1FE00] =	vst v6;
	v6 =	vld [tilespmem:$0x1FD90];
	_ =	sdelay $0x1  }
0x63: {  	v21 =	vld [tilespmem:s15+$0x2800];
	_ =	sdelay $0x1  }
0x64: {  	v3 =	vsel vm9, v5, v3;
	vm9 =	vgt.f32 v5, v2  }
0x65: {  	v3 =	vsel vm9, v2, v3;
	vm12 =	vnez.u8 v6  }
0x66: {  	v2 =	vsel vm9, v5, v2;
	v5 =	vimm.s32 $0x0;
	v4 =	vsel vm12, $0x9, v4  }
0x67: {  	v4 =	vsel vm10, v7, v4;
	v7 =	vsel vm10, $0x9, v7;
	vm10 =	vgt.f32 v21, v3  }
0x68: {  	v5 =	vsel vm10, $0xFFFFFFFF, v5  }
0x69: {  	[tilespmem:$0x1FE10] =	vst v5;
	v5 =	vld [tilespmem:$0x1FDA0]  }
0x6a: {  	v23 =	vld [tilespmem:$0x1FDB0]  }
0x6b: {  	v6 =	vld [tilespmem:s15+$0x2A00];
	_ =	sdelay $0x1  }
0x6c: {  	v3 =	vsel vm10, v21, v3;
	vm10 =	vgt.f32 v21, v2  }
0x6d: {  	v22 =	vimm.s32 $0x0;
	v3 =	vsel vm10, v2, v3;
	vm12 =	vnez.u8 v5;
	v5 =	vld [tilespmem:s15+$0x2C00]  }
0x6e: {  	v2 =	vsel vm10, v21, v2;
	v4 =	vsel vm12, $0xA, v4;
	vm12 =	vnez.u8 v23  }
0x6f: {  	v4 =	vsel vm11, v7, v4;
	v7 =	vsel vm11, $0xA, v7;
	vm11 =	vgt.f32 v6, v3  }
0x70: {  	v24 =	vld [tilespmem:s15+$0x2E00];
	v4 =	vsel vm12, $0xB, v4;
	v3 =	vsel vm11, v6, v3;
	vm12 =	vgt.f32 v6, v2  }
0x71: {  	v8 =	vsel vm11, $0xFFFFFFFF, v22;
	v3 =	vsel vm12, v2, v3  }
0x72: {  	v4 =	vsel vm0, v7, v4;
	v2 =	vsel vm12, v6, v2;
	vm11 =	vgt.f32 v5, v3  }
0x73: {  	v4 =	vsel vm1, $0xC, v4;
	vm1 =	vgt.f32 v5, v2;
	v3 =	vsel vm11, v5, v3  }
0x74: {  	v7 =	vsel vm0, $0xB, v7;
	v6 =	vld [tilespmem:s15+$0x3000];
	v3 =	vsel vm1, v2, v3  }
0x75: {  	v2 =	vsel vm1, v5, v2;
	v5 =	vimm.s32 $0x0;
	vm13 =	vgt.f32 v24, v3  }
0x76: {  	v4 =	vsel vm2, v7, v4;
	v5 =	vsel vm13, $0xFFFFFFFF, v5  }
0x77: {  	v7 =	vsel vm2, $0xC, v7;
	vm2 =	vgt.f32 v24, v2;
	v3 =	vsel vm13, v24, v3;
	[tilespmem:$0x1FE30] =	vst v5;
	v5 =	vld [tilespmem:s15+$0x3200]  }
0x78: {  	v4 =	vsel vm14, $0xD, v4;
	v3 =	vsel vm2, v2, v3  }
0x79: {  	v4 =	vsel vm3, v7, v4;
	v2 =	vsel vm2, v24, v2;
	vm13 =	vgt.f32 v6, v3  }
0x7a: {  	v7 =	vsel vm3, $0xD, v7;
	vm3 =	vgt.f32 v6, v2;
	v3 =	vsel vm13, v6, v3  }
0x7b: {  	v4 =	vsel vm15, $0xE, v4;
	v3 =	vsel vm3, v2, v3;
	v2 =	vsel vm3, v6, v2;
	v6 =	vld [tilespmem:$0x1FDC0]  }
0x7c: {  	v4 =	vsel vm4, v7, v4;
	vm14 =	vgt.f32 v5, v3  }
0x7d: {  	v25 =	vld [tilespmem:s15+$0x3400];
	v7 =	vsel vm4, $0xE, v7;
	vm4 =	vgt.f32 v5, v2;
	v3 =	vsel vm14, v5, v3  }
0x7e: {  	v3 =	vsel vm4, v2, v3;
	v2 =	vsel vm4, v5, v2;
	v5 =	vld [tilespmem:$0x1FDD0];
	_ =	sdelay $0x1  }
0x7f: {  	vm15 =	vnez.u8 v6;
	v6 =	vld [tilespmem:s15+$0x3600]  }
0x80: {  	v27 =	vld [tilespmem:$0x1FDE0];
	v4 =	vsel vm15, $0xF, v4  }
0x81: {  	vm15 =	vgt.f32 v25, v3;
	v4 =	vsel vm5, v7, v4;
	v7 =	vsel vm5, $0xF, v7  }
0x82: {  	v3 =	vsel vm15, v25, v3;
	vm5 =	vgt.f32 v25, v2;
	vm0 =	vnez.u8 v5  }
0x83: {  	v26 =	vimm.s32 $0x0;
	v3 =	vsel vm5, v2, v3;
	v5 =	vld [tilespmem:s15+$0x3800];
	v4 =	vsel vm0, $0x10, v4  }
0x84: {  	v4 =	vsel vm6, v7, v4;
	v7 =	vsel vm6, $0x10, v7;
	vm6 =	vgt.f32 v6, v3  }
0x85: {  	[tilespmem:$0x1FE20] =	vst v8;
	v2 =	vsel vm5, v25, v2;
	vm0 =	vnez.u8 v27;
	v8 =	vsel vm6, $0xFFFFFFFF, v26  }
0x86: {  	v4 =	vsel vm0, $0x11, v4;
	v3 =	vsel vm6, v6, v3;
	vm6 =	vgt.f32 v6, v2  }
0x87: {  	v4 =	vsel vm7, v7, v4;
	v3 =	vsel vm6, v2, v3;
	v7 =	vsel vm7, $0x11, v7  }
0x88: {  	v2 =	vsel vm6, v6, v2;
	v6 =	vimm.s32 $0x0;
	vm7 =	vgt.f32 v5, v3  }
0x89: {  	v6 =	vsel vm7, $0xFFFFFFFF, v6  }
0x8a: {  	[tilespmem:$0x1FE50] =	vst v6;
	v6 =	vld [tilespmem:$0x1FDF0];
	_ =	sdelay $0x1  }
0x8b: {  	v28 =	vld [tilespmem:s15+$0x3A00];
	_ =	sdelay $0x1  }
0x8c: {  	v3 =	vsel vm7, v5, v3;
	vm7 =	vgt.f32 v5, v2  }
0x8d: {  	v3 =	vsel vm7, v2, v3;
	vm0 =	vnez.u8 v6  }
0x8e: {  	v2 =	vsel vm7, v5, v2;
	v5 =	vimm.s32 $0x0;
	v4 =	vsel vm0, $0x12, v4  }
0x8f: {  	v4 =	vsel vm8, v7, v4;
	v7 =	vsel vm8, $0x12, v7;
	vm8 =	vgt.f32 v28, v3  }
0x90: {  	v5 =	vsel vm8, $0xFFFFFFFF, v5  }
0x91: {  	[tilespmem:$0x1FE60] =	vst v5;
	v5 =	vld [tilespmem:$0x1FE00];
	_ =	sdelay $0x1  }
0x92: {  	v6 =	vld [tilespmem:s15+$0x3C00]  }
0x93: {  	v30 =	vld [tilespmem:$0x1FE10];
	_ =	sdelay $0x1  }
0x94: {  	v3 =	vsel vm8, v28, v3;
	vm8 =	vgt.f32 v28, v2;
	vm0 =	vnez.u8 v5  }
0x95: {  	v29 =	vimm.s32 $0x0;
	v3 =	vsel vm8, v2, v3;
	v5 =	vld [tilespmem:s15+$0x3E00];
	v4 =	vsel vm0, $0x13, v4  }
0x96: {  	v4 =	vsel vm9, v7, v4;
	v7 =	vsel vm9, $0x13, v7;
	vm9 =	vgt.f32 v6, v3  }
0x97: {  	[tilespmem:$0x1FE40] =	vst v8;
	v2 =	vsel vm8, v28, v2;
	vm0 =	vnez.u8 v30;
	v8 =	vsel vm9, $0xFFFFFFFF, v29  }
0x98: {  	v4 =	vsel vm0, $0x14, v4;
	v3 =	vsel vm9, v6, v3;
	vm9 =	vgt.f32 v6, v2  }
0x99: {  	v4 =	vsel vm10, v7, v4;
	v3 =	vsel vm9, v2, v3;
	v7 =	vsel vm10, $0x14, v7  }
0x9a: {  	v2 =	vsel vm9, v6, v2;
	v6 =	vimm.s32 $0x0;
	vm10 =	vgt.f32 v5, v3  }
0x9b: {  	v6 =	vsel vm10, $0xFFFFFFFF, v6  }
0x9c: {  	[tilespmem:$0x1FE80] =	vst v6;
	v6 =	vld [tilespmem:$0x1FE20];
	_ =	sdelay $0x2  }
0x9d: {  	v31 =	vld [tilespmem:s15+$0x4000];
	_ =	sdelay $0x1  }
0x9e: {  	vm0 =	vnez.u8 v6  }
0x9f: {  	v33 =	vld [tilespmem:$0x1FE30];
	v3 =	vsel vm10, v5, v3;
	vm10 =	vgt.f32 v5, v2;
	v4 =	vsel vm0, $0x15, v4  }
0xa0: {  	v3 =	vsel vm10, v2, v3;
	v2 =	vsel vm10, v5, v2;
	v6 =	vld [tilespmem:s15+$0x4200];
	v4 =	vsel vm12, v7, v4  }
0xa1: {  	v5 =	vimm.s32 $0x0;
	v4 =	vsel vm11, $0x16, v4;
	vm11 =	vgt.f32 v31, v3  }
0xa2: {  	v5 =	vsel vm11, $0xFFFFFFFF, v5  }
0xa3: {  	v3 =	vsel vm11, v31, v3;
	vm11 =	vgt.f32 v31, v2;
	[tilespmem:$0x1FE90] =	vst v5;
	v5 =	vsel vm12, $0x15, v7;
	v7 =	vld [tilespmem:s15+$0x4400]  }
0xa4: {  	v32 =	vimm.s32 $0x0;
	v3 =	vsel vm11, v2, v3;
	v2 =	vsel vm11, v31, v2  }
0xa5: {  	vm12 =	vnez.u8 v33;
	v4 =	vsel vm1, v5, v4;
	vm0 =	vgt.f32 v6, v3  }
0xa6: {  	v34 =	vld [tilespmem:s15+$0x4600];
	v5 =	vsel vm1, $0x16, v5;
	vm1 =	vgt.f32 v6, v2;
	v3 =	vsel vm0, v6, v3  }
0xa7: {  	[tilespmem:$0x1FE70] =	vst v8;
	v8 =	vsel vm0, $0xFFFFFFFF, v32;
	v4 =	vsel vm12, $0x17, v4;
	v3 =	vsel vm1, v2, v3  }
0xa8: {  	v4 =	vsel vm2, v5, v4;
	v2 =	vsel vm1, v6, v2;
	vm0 =	vgt.f32 v7, v3  }
0xa9: {  	v5 =	vsel vm2, $0x17, v5;
	vm2 =	vgt.f32 v7, v2;
	v3 =	vsel vm0, v7, v3  }
0xaa: {  	v6 =	vld [tilespmem:s15+$0x4800];
	v4 =	vsel vm13, $0x18, v4;
	v3 =	vsel vm2, v2, v3  }
0xab: {  	v2 =	vsel vm2, v7, v2;
	v7 =	vimm.s32 $0x0;
	vm13 =	vgt.f32 v34, v3  }
0xac: {  	v4 =	vsel vm3, v5, v4;
	v7 =	vsel vm13, $0xFFFFFFFF, v7  }
0xad: {  	v5 =	vsel vm3, $0x18, v5;
	vm3 =	vgt.f32 v34, v2;
	v3 =	vsel vm13, v34, v3;
	[tilespmem:$0x1FEB0] =	vst v7;
	v7 =	vld [tilespmem:s15+$0x4A00]  }
0xae: {  	v4 =	vsel vm14, $0x19, v4;
	v3 =	vsel vm3, v2, v3  }
0xaf: {  	v4 =	vsel vm4, v5, v4;
	v2 =	vsel vm3, v34, v2;
	vm12 =	vgt.f32 v6, v3  }
0xb0: {  	v5 =	vsel vm4, $0x19, v5;
	vm4 =	vgt.f32 v6, v2;
	v3 =	vsel vm12, v6, v3  }
0xb1: {  	v4 =	vsel vm15, $0x1A, v4;
	v3 =	vsel vm4, v2, v3;
	v2 =	vsel vm4, v6, v2;
	v6 =	vld [tilespmem:$0x1FE40]  }
0xb2: {  	v4 =	vsel vm5, v5, v4;
	vm13 =	vgt.f32 v7, v3  }
0xb3: {  	v35 =	vld [tilespmem:s15+$0x4C00];
	v5 =	vsel vm5, $0x1A, v5;
	vm5 =	vgt.f32 v7, v2;
	v3 =	vsel vm13, v7, v3  }
0xb4: {  	v3 =	vsel vm5, v2, v3;
	v2 =	vsel vm5, v7, v2;
	v7 =	vld [tilespmem:$0x1FE50];
	_ =	sdelay $0x1  }
0xb5: {  	vm15 =	vnez.u8 v6;
	v6 =	vld [tilespmem:s15+$0x4E00]  }
0xb6: {  	v37 =	vld [tilespmem:$0x1FE60];
	v4 =	vsel vm15, $0x1B, v4  }
0xb7: {  	vm15 =	vgt.f32 v35, v3;
	v4 =	vsel vm6, v5, v4;
	v5 =	vsel vm6, $0x1B, v5  }
0xb8: {  	v3 =	vsel vm15, v35, v3;
	vm6 =	vgt.f32 v35, v2;
	vm14 =	vnez.u8 v7  }
0xb9: {  	v36 =	vimm.s32 $0x0;
	v3 =	vsel vm6, v2, v3;
	v7 =	vld [tilespmem:s15+$0x5000];
	v4 =	vsel vm14, $0x1C, v4  }
0xba: {  	v4 =	vsel vm7, v5, v4;
	v5 =	vsel vm7, $0x1C, v5;
	vm7 =	vgt.f32 v6, v3  }
0xbb: {  	[tilespmem:$0x1FEA0] =	vst v8;
	v2 =	vsel vm6, v35, v2;
	vm14 =	vnez.u8 v37;
	v8 =	vsel vm7, $0xFFFFFFFF, v36  }
0xbc: {  	v4 =	vsel vm14, $0x1D, v4;
	v3 =	vsel vm7, v6, v3;
	vm7 =	vgt.f32 v6, v2  }
0xbd: {  	v4 =	vsel vm8, v5, v4;
	v3 =	vsel vm7, v2, v3;
	v5 =	vsel vm8, $0x1D, v5  }
0xbe: {  	v2 =	vsel vm7, v6, v2;
	v6 =	vimm.s32 $0x0;
	vm8 =	vgt.f32 v7, v3  }
0xbf: {  	v6 =	vsel vm8, $0xFFFFFFFF, v6  }
0xc0: {  	[tilespmem:$0x1FED0] =	vst v6;
	v6 =	vld [tilespmem:$0x1FE70];
	_ =	sdelay $0x1  }
0xc1: {  	v38 =	vld [tilespmem:s15+$0x5200];
	_ =	sdelay $0x1  }
0xc2: {  	v3 =	vsel vm8, v7, v3;
	vm8 =	vgt.f32 v7, v2  }
0xc3: {  	v3 =	vsel vm8, v2, v3;
	vm14 =	vnez.u8 v6  }
0xc4: {  	v2 =	vsel vm8, v7, v2;
	v7 =	vimm.s32 $0x0;
	v4 =	vsel vm14, $0x1E, v4  }
0xc5: {  	v4 =	vsel vm9, v5, v4;
	v5 =	vsel vm9, $0x1E, v5;
	vm9 =	vgt.f32 v38, v3  }
0xc6: {  	v7 =	vsel vm9, $0xFFFFFFFF, v7  }
0xc7: {  	[tilespmem:$0x1FEE0] =	vst v7;
	v7 =	vld [tilespmem:$0x1FE80]  }
0xc8: {  	v40 =	vld [tilespmem:$0x1FE90]  }
0xc9: {  	v6 =	vld [tilespmem:s15+$0x5400];
	_ =	sdelay $0x1  }
0xca: {  	v3 =	vsel vm9, v38, v3;
	vm9 =	vgt.f32 v38, v2  }
0xcb: {  	v3 =	vsel vm9, v2, v3;
	vm14 =	vnez.u8 v7;
	v7 =	vld [tilespmem:s15+$0x5600]  }
0xcc: {  	v2 =	vsel vm9, v38, v2;
	v4 =	vsel vm14, $0x1F, v4;
	vm14 =	vnez.u8 v40  }
0xcd: {  	v4 =	vsel vm10, v5, v4;
	v5 =	vsel vm10, $0x1F, v5;
	vm10 =	vgt.f32 v6, v3  }
0xce: {  	v4 =	vsel vm14, $0x20, v4;
	v3 =	vsel vm10, v6, v3;
	vm14 =	vgt.f32 v6, v2  }
0xcf: {  	v4 =	vsel vm11, v5, v4;
	v3 =	vsel vm14, v2, v3;
	v5 =	vsel vm11, $0x20, v5  }
0xd0: {  	v2 =	vsel vm14, v6, v2;
	v6 =	vimm.s32 $0x0;
	vm11 =	vgt.f32 v7, v3  }
0xd1: {  	v6 =	vsel vm11, $0xFFFFFFFF, v6  }
0xd2: {  	[tilespmem:$0x1FF10] =	vst v6;
	v6 =	vld [tilespmem:$0x1FEA0]  }
0xd3: {  	v41 =	vld [tilespmem:s15+$0x5800]  }
0xd4: {  	v39 =	vimm.s32 $0x0  }
0xd5: {  	v42 =	vimm.s32 $0x0;
	[tilespmem:$0x1FEC0] =	vst v8;
	v8 =	vsel vm10, $0xFFFFFFFF, v39  }
0xd6: {  	v44 =	vld [tilespmem:$0x1FEB0];
	v9 =	vsel vm14, $0xFFFFFFFF, v42;
	vm10 =	vgt.f32 v7, v2;
	v3 =	vsel vm11, v7, v3  }
0xd7: {  	v3 =	vsel vm10, v2, v3;
	v2 =	vsel vm10, v7, v2;
	vm14 =	vnez.u8 v6;
	v6 =	vld [tilespmem:s15+$0x5A00]  }
0xd8: {  	v7 =	vimm.s32 $0x0;
	v4 =	vsel vm14, $0x21, v4;
	vm14 =	vgt.f32 v41, v3  }
0xd9: {  	v43 =	vimm.s32 $0x0;
	v4 =	vsel vm1, v5, v4;
	v7 =	vsel vm14, $0xFFFFFFFF, v7  }
0xda: {  	v5 =	vsel vm1, $0x21, v5;
	v3 =	vsel vm14, v41, v3;
	vm1 =	vgt.f32 v41, v2;
	[tilespmem:$0x1FF20] =	vst v7;
	v7 =	vld [tilespmem:s15+$0x5C00]  }
0xdb: {  	vm14 =	vnez.u8 v44;
	v4 =	vsel vm0, $0x22, v4;
	v3 =	vsel vm1, v2, v3  }
0xdc: {  	v2 =	vsel vm1, v41, v2;
	v4 =	vsel vm2, v5, v4;
	vm11 =	vgt.f32 v6, v3  }
0xdd: {  	v5 =	vsel vm2, $0x22, v5;
	vm2 =	vgt.f32 v6, v2;
	v3 =	vsel vm11, v6, v3  }
0xde: {  	v45 =	vld [tilespmem:s15+$0x5E00];
	[tilespmem:$0x1FEF0] =	vst v8;
	v4 =	vsel vm14, $0x23, v4;
	v8 =	vsel vm11, $0xFFFFFFFF, v43;
	v3 =	vsel vm2, v2, v3  }
0xdf: {  	v2 =	vsel vm2, v6, v2;
	v6 =	vimm.s32 $0x0;
	vm11 =	vgt.f32 v7, v3  }
0xe0: {  	v4 =	vsel vm3, v5, v4;
	v5 =	vsel vm3, $0x23, v5;
	v6 =	vsel vm11, $0xFFFFFFFF, v6  }
0xe1: {  	v4 =	vsel vm12, $0x24, v4;
	vm12 =	vgt.f32 v7, v2;
	v3 =	vsel vm11, v7, v3;
	[tilespmem:$0x1FF40] =	vst v6;
	v6 =	vld [tilespmem:s15+$0x6000]  }
0xe2: {  	v4 =	vsel vm4, v5, v4;
	v3 =	vsel vm12, v2, v3  }
0xe3: {  	v5 =	vsel vm4, $0x24, v5;
	v2 =	vsel vm12, v7, v2;
	vm4 =	vgt.f32 v45, v3  }
0xe4: {  	v4 =	vsel vm13, $0x25, v4;
	v7 =	vld [tilespmem:s15+$0x6200];
	vm13 =	vgt.f32 v45, v2;
	v3 =	vsel vm4, v45, v3  }
0xe5: {  	v46 =	vimm.s32 $0x0;
	v3 =	vsel vm13, v2, v3  }
0xe6: {  	v4 =	vsel vm5, v5, v4;
	v2 =	vsel vm13, v45, v2;
	vm14 =	vgt.f32 v6, v3  }
0xe7: {  	[tilespmem:$0x1FF30] =	vst v8;
	v8 =	vsel vm14, $0xFFFFFFFF, v46;
	v3 =	vsel vm14, v6, v3;
	vm14 =	vgt.f32 v6, v2  }
0xe8: {  	v4 =	vsel vm15, $0x26, v4;
	v3 =	vsel vm14, v2, v3  }
0xe9: {  	v2 =	vsel vm14, v6, v2;
	v6 =	vimm.s32 $0x0;
	vm15 =	vgt.f32 v7, v3  }
0xea: {  	v47 =	vld [tilespmem:s15+$0x6400];
	v6 =	vsel vm15, $0xFFFFFFFF, v6  }
0xeb: {  	[tilespmem:$0x1FF60] =	vst v6;
	v6 =	vld [tilespmem:$0x1FEC0];
	_ =	sdelay $0x1  }
0xec: {  	v5 =	vsel vm5, $0x25, v5;
	v3 =	vsel vm15, v7, v3;
	vm15 =	vgt.f32 v7, v2  }
0xed: {  	v4 =	vsel vm6, v5, v4;
	v3 =	vsel vm15, v2, v3  }
0xee: {  	v2 =	vsel vm15, v7, v2;
	v7 =	vimm.s32 $0x0;
	vm11 =	vgt.f32 v47, v3  }
0xef: {  	v5 =	vsel vm6, $0x26, v5;
	v7 =	vsel vm11, $0xFFFFFFFF, v7;
	vm6 =	vnez.u8 v6;
	v6 =	vld [tilespmem:s15+$0x6600]  }
0xf0: {  	[tilespmem:$0x1FF70] =	vst v7;
	v7 =	vld [tilespmem:$0x1FED0]  }
0xf1: {  	v3 =	vsel vm11, v47, v3;
	v4 =	vsel vm6, $0x27, v4  }
0xf2: {  	v50 =	vld [tilespmem:$0x1FEE0];
	[tilespmem:$0x1FF00] =	vst v9;
	v4 =	vsel vm7, v5, v4;
	v5 =	vsel vm7, $0x27, v5;
	vm7 =	vgt.f32 v47, v2  }
0xf3: {  	v52 =	vld [tilespmem:$0x1FF00];
	v3 =	vsel vm7, v2, v3  }
0xf4: {  	v53 =	vld [tilespmem:$0x1FF10];
	v2 =	vsel vm7, v47, v2;
	vm11 =	vgt.f32 v6, v3  }
0xf5: {  	vm6 =	vnez.u8 v7;
	v7 =	vld [tilespmem:s15+$0x6800];
	vm0 =	vgt.f32 v6, v2;
	v3 =	vsel vm11, v6, v3  }
0xf6: {  	v3 =	vsel vm0, v2, v3;
	v2 =	vsel vm0, v6, v2;
	v6 =	vld [tilespmem:$0x1FEF0]  }
0xf7: {  	v48 =	vimm.s32 $0x0;
	v49 =	vimm.s32 $0x0;
	v4 =	vsel vm6, $0x28, v4  }
0xf8: {  	vm3 =	vnez.u8 v52;
	vm6 =	vnez.u8 v50;
	v4 =	vsel vm8, v5, v4  }
0xf9: {  	v51 =	vld [tilespmem:s15+$0x6A00];
	v9 =	vsel vm7, $0xFFFFFFFF, v48;
	v5 =	vsel vm8, $0x28, v5;
	v4 =	vsel vm6, $0x29, v4  }
0xfa: {  	[tilespmem:$0x1FF50] =	vst v8;
	vm8 =	vnez.u8 v53;
	v8 =	vsel vm11, $0xFFFFFFFF, v49;
	v4 =	vsel vm9, v5, v4  }
0xfb: {  	v5 =	vsel vm9, $0x29, v5;
	vm9 =	vgt.f32 v7, v3;
	vm7 =	vnez.u8 v6  }
0xfc: {  	v55 =	vld [tilespmem:$0x1FF20];
	vm11 =	vgt.f32 v7, v2;
	v3 =	vsel vm9, v7, v3;
	v4 =	vsel vm7, $0x2A, v4  }
0xfd: {  	v3 =	vsel vm11, v2, v3;
	v2 =	vsel vm11, v7, v2;
	v6 =	vld [tilespmem:s15+$0x6C00];
	v4 =	vsel vm3, v5, v4  }
0xfe: {  	v7 =	vimm.s32 $0x0;
	v4 =	vsel vm8, $0x2B, v4;
	vm8 =	vgt.f32 v51, v3  }
0xff: {  	v7 =	vsel vm8, $0xFFFFFFFF, v7  }
0x100: {  	v5 =	vsel vm3, $0x2A, v5;
	v3 =	vsel vm8, v51, v3;
	vm8 =	vgt.f32 v51, v2;
	[tilespmem:$0x1FFA0] =	vst v7;
	v7 =	vld [tilespmem:s15+$0x6E00]  }
0x101: {  	v4 =	vsel vm10, v5, v4;
	v5 =	vsel vm10, $0x2B, v5;
	v3 =	vsel vm8, v2, v3  }
0x102: {  	vm10 =	vnez.u8 v55;
	v2 =	vsel vm8, v51, v2;
	vm5 =	vgt.f32 v6, v3  }
0x103: {  	v4 =	vsel vm10, $0x2C, v4;
	vm10 =	vgt.f32 v6, v2;
	v3 =	vsel vm5, v6, v3  }
0x104: {  	v3 =	vsel vm10, v2, v3  }
0x105: {  	v2 =	vsel vm10, v6, v2;
	v6 =	vimm.s32 $0x0;
	vm6 =	vgt.f32 v7, v3  }
0x106: {  	v6 =	vsel vm6, $0xFFFFFFFF, v6  }
0x107: {  	[tilespmem:$0x1FFC0] =	vst v6;
	v6 =	vld [tilespmem:$0x1FF30];
	_ =	sdelay $0x2  }
0x108: {  	v56 =	vld [tilespmem:s15+$0x7000];
	_ =	sdelay $0x1  }
0x109: {  	v54 =	vimm.s32 $0x0;
	v4 =	vsel vm1, v5, v4;
	vm7 =	vnez.u8 v6  }
0x10a: {  	v3 =	vsel vm6, v7, v3;
	v4 =	vsel vm7, $0x2D, v4;
	vm7 =	vgt.f32 v7, v2  }
0x10b: {  	[tilespmem:$0x1FF90] =	vst v8;
	v8 =	vsel vm5, $0xFFFFFFFF, v54;
	v3 =	vsel vm7, v2, v3  }
0x10c: {  	v2 =	vsel vm7, v7, v2;
	v7 =	vimm.s32 $0x0;
	vm5 =	vgt.f32 v56, v3  }
0x10d: {  	v7 =	vsel vm5, $0xFFFFFFFF, v7  }
0x10e: {  	[tilespmem:$0x1FFD0] =	vst v7;
	v7 =	vld [tilespmem:$0x1FF40];
	_ =	sdelay $0x2  }
0x10f: {  	v6 =	vld [tilespmem:s15+$0x7200]  }
0x110: {  	v5 =	vsel vm1, $0x2C, v5  }
0x111: {  	v4 =	vsel vm2, v5, v4;
	v5 =	vsel vm2, $0x2D, v5;
	vm6 =	vnez.u8 v7  }
0x112: {  	v3 =	vsel vm5, v56, v3;
	v7 =	vld [tilespmem:s15+$0x7400];
	v4 =	vsel vm6, $0x2E, v4;
	vm6 =	vgt.f32 v56, v2  }
0x113: {  	v4 =	vsel vm12, v5, v4;
	v3 =	vsel vm6, v2, v3  }
0x114: {  	v5 =	vsel vm12, $0x2E, v5;
	v2 =	vsel vm6, v56, v2;
	vm12 =	vgt.f32 v6, v3  }
0x115: {  	v4 =	vsel vm4, $0x2F, v4;
	vm5 =	vgt.f32 v6, v2;
	v3 =	vsel vm12, v6, v3  }
0x116: {  	v4 =	vsel vm13, v5, v4;
	v5 =	vsel vm13, $0x2F, v5;
	v3 =	vsel vm5, v2, v3  }
0x117: {  	v2 =	vsel vm5, v6, v2;
	v6 =	vimm.s32 $0x0;
	vm13 =	vgt.f32 v7, v3  }
0x118: {  	v6 =	vsel vm13, $0xFFFFFFFF, v6  }
0x119: {  	[tilespmem:$0x1FFF0] =	vst v6;
	v6 =	vld [tilespmem:$0x1FF50];
	_ =	sdelay $0x4  }
0x11a: {  	v58 =	vld [tilespmem:s15+$0x7600];
	vm4 =	vnez.u8 v6  }
0x11b: {  	v59 =	vld [tilespmem:$0x1FF70];
	v3 =	vsel vm13, v7, v3;
	v4 =	vsel vm4, $0x30, v4;
	vm4 =	vgt.f32 v7, v2  }
0x11c: {  	v3 =	vsel vm4, v2, v3;
	v2 =	vsel vm4, v7, v2;
	v7 =	vld [tilespmem:$0x1FF60]  }
0x11d: {  	v6 =	vld [tilespmem:s15+$0x7800]  }
0x11e: {  	v57 =	vimm.s32 $0x0;
	[tilespmem:$0x1FF80] =	vst v9  }
0x11f: {  	v61 =	vld [tilespmem:$0x1FF80];
	v4 =	vsel vm14, v5, v4;
	v5 =	vsel vm14, $0x30, v5;
	vm14 =	vgt.f32 v58, v3  }
0x120: {  	[tilespmem:$0x1FFB0] =	vst v8;
	v8 =	vsel vm12, $0xFFFFFFFF, v57;
	vm3 =	vgt.f32 v58, v2;
	v3 =	vsel vm14, v58, v3  }
0x121: {  	v3 =	vsel vm3, v2, v3;
	v2 =	vsel vm3, v58, v2;
	vm12 =	vnez.u8 v7;
	v7 =	vld [tilespmem:s15+$0x7A00]  }
0x122: {  	vm13 =	vnez.u8 v59;
	vm2 =	vgt.f32 v6, v2;
	v4 =	vsel vm12, $0x31, v4  }
0x123: {  	v4 =	vsel vm15, v5, v4;
	v5 =	vsel vm15, $0x31, v5;
	vm15 =	vgt.f32 v6, v3  }
0x124: {  	vm12 =	vnez.u8 v61;
	v4 =	vsel vm13, $0x32, v4;
	v3 =	vsel vm15, v6, v3  }
0x125: {  	v4 =	vsel vm12, v5, v4;
	v3 =	vsel vm2, v2, v3  }
0x126: {  	v5 =	vsel vm12, $0x32, v5;
	v2 =	vsel vm2, v6, v2;
	v6 =	vld [tilespmem:$0x1FF90];
	vm12 =	vgt.f32 v7, v3  }
0x127: {  	vm1 =	vgt.f32 v7, v2;
	v3 =	vsel vm12, v7, v3  }
0x128: {  	v3 =	vsel vm1, v2, v3;
	v2 =	vsel vm1, v7, v2;
	v7 =	vld [tilespmem:$0x1FFA0]  }
0x129: {  	v60 =	vld [tilespmem:s15+$0x7C00];
	_ =	sdelay $0x1  }
0x12a: {  	vm13 =	vnez.u8 v6  }
0x12b: {  	v6 =	vld [tilespmem:s15+$0x7E00];
	v4 =	vsel vm13, $0x33, v4  }
0x12c: {  	v4 =	vsel vm0, v5, v4;
	v5 =	vsel vm0, $0x33, v5;
	vm13 =	vnez.u8 v7;
	v7 =	vld [tilespmem:$0x1FFB0]  }
0x12d: {  	vm0 =	vgt.f32 v60, v2;
	v4 =	vsel vm9, $0x34, v4;
	vm9 =	vgt.f32 v60, v3  }
0x12e: {  	v4 =	vsel vm11, v5, v4;
	v3 =	vsel vm9, v60, v3;
	v5 =	vsel vm11, $0x34, v5  }
0x12f: {  	v4 =	vsel vm13, $0x35, v4;
	v3 =	vsel vm0, v2, v3;
	v2 =	vsel vm0, v60, v2  }
0x130: {  	v4 =	vsel vm8, v5, v4;
	vm11 =	vgt.f32 v6, v3;
	v5 =	vsel vm8, $0x35, v5  }
0x131: {  	vm8 =	vgt.f32 v6, v2;
	v3 =	vsel vm11, v6, v3;
	vm13 =	vnez.u8 v7  }
0x132: {  	v3 =	vsel vm8, v2, v3;
	v2 =	vsel vm8, v6, v2;
	v4 =	vsel vm13, $0x36, v4  }
0x133: {  	v2 =	vsub.f32 v3, v2;
	v3 =	vsel vm10, v5, v4;
	v4 =	vsel vm10, $0x36, v5;
	v5 =	vld [tilespmem:$0x1FFC0];
	_ =	sdelay $0x4  }
0x134: {  	vm13 =	vnez.u8 v5;
	v5 =	vld [tilespmem:$0x1FFD0];
	_ =	sdelay $0x3  }
0x135: {  	v3 =	vsel vm13, $0x37, v3  }
0x136: {  	v2 =	vmul.f32 $1.442695020e+00, v2;
	v3 =	vsel vm7, v4, v3;
	vm13 =	vnez.u8 v5  }
0x137: {  	[tilespmem:$0x1FFE0] =	vst v8;
	v4 =	vsel vm7, $0x37, v4;
	v3 =	vsel vm13, $0x38, v3  }
0x138: {  	(erf) = vpow2.f32 v2;
	v2 =	vsel vm6, v4, v3;
	v3 =	vsel vm6, $0x38, v4;
	v4 =	vld [tilespmem:$0x1FFE0];
	_ =	sdelay $0x4  }
0x139: {  	vm10 =	vnez.u8 v4;
	v4 =	vld [tilespmem:$0x1FFF0];
	_ =	sdelay $0x3  }
0x13a: {  	v2 =	vsel vm10, $0x39, v2  }
0x13b: {  	v2 =	vsel vm5, v3, v2;
	vm13 =	vnez.u8 v4  }
0x13c: {  	v3 =	vsel vm5, $0x39, v3;
	v2 =	vsel vm13, $0x3A, v2  }
0x13d: {  	v2 =	vsel vm4, v3, v2  }
0x13e: {  	v3 =	vsel vm4, $0x3A, v3;
	v2 =	vsel vm14, $0x3B, v2  }
0x13f: {  	v2 =	vsel vm3, v3, v2  }
0x140: {  	v3 =	vsel vm3, $0x3B, v3;
	v2 =	vsel vm15, $0x3C, v2  }
0x141: {  	v2 =	vsel vm2, v3, v2  }
0x142: {  	v4 =	vpop (erf);
	v3 =	vsel vm2, $0x3C, v3;
	v2 =	vsel vm12, $0x3D, v2  }
0x143: {  	v4 =	vadd.f32 $1.000000000e+00, v4;
	v2 =	vsel vm1, v3, v2  }
0x144: {  	v3 =	vsel vm1, $0x3D, v3;
	v2 =	vsel vm9, $0x3E, v2  }
0x145: {  	(erf) = vrcp.f32 v4;
	v5 =	vsel vm0, $0x3E, v3;
	v2 =	vsel vm0, v3, v2  }
0x146: {  	v3 =	vsel vm8, $0x3F, v5;
	v2 =	vsel vm11, $0x3F, v2  }
0x147: {  	v2 =	vsel vm8, v5, v2;
	_ =	sdelay $0x3  }
0x148: {  	v4 =	vmov s3;
	v6 =	vld.idx.msk [tilespmem:v3+s11+$0x0], $0xffff  }
0x149: {  	v4 =	vshll.u32 v4, $0x3;
	v7 =	vld.idx.msk [tilespmem:v2+s11+$0x0], $0xffff  }
0x14a: {  	v5 =	vor.u32 v1, v4  }
0x14b: {  	v62 =	vpop (erf);
	v4 =	vor.u32 $0x1, v5  }
0x14c: {  	v63 =	vsub.f32 $1.000000000e+00, v62  }
0x14d: {  	v6 =	vmul.f32 v62, v6  }
0x14e: {  	v7 =	vmul.f32 v63, v7  }
0x14f: {  	[tilespmem:v5+s12+$0x0] =	vst.idx.msk $0xffff, v6  }
0x150: {  	s16 =	simm.s32 $0x40;
	s19 =	simm.s32 $0x80;
	s15 =	simm.s32 $0x0;
	[tilespmem:v4+s12+$0x0] =	vst.idx.msk $0xffff, v7  }
.LBB2_2:
0x151: {  	s18 =	sshra.s32 s16, $0x2  }
0x152: {  	[tilespmem:v5+s13+$0x0] =	vst.idx.msk $0xffff, v3;
	s15 =	sadd.s32 $0x10, s15;
	s16 =	smov.u32 s19;
	s17 =	sadd.s32 $0x40, s19  }
0x153: {  	p0 =	sne.s32 s19, $0x7C0;
	[tilespmem:v4+s13+$0x0] =	vst.idx.msk $0xffff, v2  }
0x154: {  	v2 =	vld [tilespmem:s18+$0x0]  }
0x155: {  	v3 =	vld [tilespmem:s18+$0x200];
	_ =	sdelay $0x3  }
0x156: {  	vm0 =	vgt.f32 v2, $-Inf;
	v4 =	vld [tilespmem:s18+$0x400]  }
0x157: {  	v2 =	vnsel vm0, $0xFF800000, v2;
	vm0 =	vlt.f32 v3, $-Inf;
	vm1 =	vgt.f32 v3, $-Inf  }
0x158: {  	vm2 =	vgt.f32 v3, v2;
	vm0 =	vmor vm1, vm0  }
0x159: {  	vm1 =	vmneg vm2;
	v5 =	vnsel vm0, $0xFF800000, v3;
	v6 =	vld [tilespmem:s18+$0x600]  }
0x15a: {  	vm0 =	vmand vm0, vm1;
	v5 =	vsel vm1, v5, v2;
	v2 =	vsel vm1, v2, v3  }
0x15b: {  	v7 =	vsel vm2, $0x1, v0;
	v3 =	vsel vm0, $0x1, v0;
	vm0 =	vgt.f32 v4, v5  }
0x15c: {  	vm1 =	vgt.f32 v4, v2;
	v3 =	vsel vm0, $0x2, v3;
	v5 =	vsel vm0, v4, v5;
	v8 =	vld [tilespmem:s18+$0x800]  }
0x15d: {  	v9 =	vsel vm1, $0x2, v7;
	v5 =	vsel vm1, v2, v5;
	v2 =	vsel vm1, v4, v2  }
0x15e: {  	v3 =	vsel vm1, v7, v3;
	vm0 =	vgt.f32 v6, v5  }
0x15f: {  	vm1 =	vgt.f32 v6, v2;
	v3 =	vsel vm0, $0x3, v3;
	v4 =	vsel vm0, v6, v5;
	v5 =	vld [tilespmem:s18+$0xA00]  }
0x160: {  	v3 =	vsel vm1, v9, v3;
	v4 =	vsel vm1, v2, v4;
	v2 =	vsel vm1, v6, v2  }
0x161: {  	v6 =	vsel vm1, $0x3, v9;
	vm0 =	vgt.f32 v8, v4  }
0x162: {  	vm1 =	vgt.f32 v8, v2;
	v3 =	vsel vm0, $0x4, v3;
	v4 =	vsel vm0, v8, v4;
	v7 =	vld [tilespmem:s18+$0xC00]  }
0x163: {  	v4 =	vsel vm1, v2, v4;
	v2 =	vsel vm1, v8, v2  }
0x164: {  	v8 =	vsel vm1, $0x4, v6;
	vm0 =	vgt.f32 v5, v4  }
0x165: {  	v3 =	vsel vm1, v6, v3;
	vm1 =	vgt.f32 v5, v2;
	v4 =	vsel vm0, v5, v4;
	v6 =	vld [tilespmem:s18+$0xE00]  }
0x166: {  	v3 =	vsel vm0, $0x5, v3;
	v4 =	vsel vm1, v2, v4;
	v2 =	vsel vm1, v5, v2  }
0x167: {  	v3 =	vsel vm1, v8, v3;
	v5 =	vsel vm1, $0x5, v8;
	vm0 =	vgt.f32 v7, v4  }
0x168: {  	vm1 =	vgt.f32 v7, v2;
	v3 =	vsel vm0, $0x6, v3;
	v4 =	vsel vm0, v7, v4;
	v8 =	vld [tilespmem:s18+$0x1000]  }
0x169: {  	v3 =	vsel vm1, v5, v3;
	v4 =	vsel vm1, v2, v4  }
0x16a: {  	v5 =	vsel vm1, $0x6, v5;
	v2 =	vsel vm1, v7, v2;
	vm0 =	vgt.f32 v6, v4  }
0x16b: {  	vm1 =	vgt.f32 v6, v2;
	v3 =	vsel vm0, $0x7, v3;
	v4 =	vsel vm0, v6, v4;
	v7 =	vld [tilespmem:s18+$0x1200]  }
0x16c: {  	v3 =	vsel vm1, v5, v3;
	v4 =	vsel vm1, v2, v4  }
0x16d: {  	v2 =	vsel vm1, v6, v2;
	vm0 =	vgt.f32 v8, v4  }
0x16e: {  	vm2 =	vgt.f32 v8, v2;
	v3 =	vsel vm0, $0x8, v3;
	v4 =	vsel vm0, v8, v4;
	v6 =	vld [tilespmem:s18+$0x1400]  }
0x16f: {  	v5 =	vsel vm1, $0x7, v5;
	v4 =	vsel vm2, v2, v4;
	v2 =	vsel vm2, v8, v2  }
0x170: {  	v3 =	vsel vm2, v5, v3;
	v5 =	vsel vm2, $0x8, v5;
	vm0 =	vgt.f32 v7, v4  }
0x171: {  	vm1 =	vgt.f32 v7, v2;
	v3 =	vsel vm0, $0x9, v3;
	v4 =	vsel vm0, v7, v4;
	v8 =	vld [tilespmem:s18+$0x1600]  }
0x172: {  	v3 =	vsel vm1, v5, v3;
	v4 =	vsel vm1, v2, v4;
	v2 =	vsel vm1, v7, v2  }
0x173: {  	v5 =	vsel vm1, $0x9, v5;
	vm0 =	vgt.f32 v6, v4  }
0x174: {  	vm1 =	vgt.f32 v6, v2;
	v3 =	vsel vm0, $0xA, v3;
	v4 =	vsel vm0, v6, v4;
	v7 =	vld [tilespmem:s18+$0x1800]  }
0x175: {  	v3 =	vsel vm1, v5, v3;
	v4 =	vsel vm1, v2, v4;
	v2 =	vsel vm1, v6, v2  }
0x176: {  	vm0 =	vgt.f32 v8, v4  }
0x177: {  	v5 =	vsel vm1, $0xA, v5;
	vm1 =	vgt.f32 v8, v2;
	v4 =	vsel vm0, v8, v4;
	v6 =	vld [tilespmem:s18+$0x1A00]  }
0x178: {  	v3 =	vsel vm0, $0xB, v3;
	v9 =	vsel vm1, $0xB, v5;
	v4 =	vsel vm1, v2, v4  }
0x179: {  	v3 =	vsel vm1, v5, v3;
	v2 =	vsel vm1, v8, v2;
	vm0 =	vgt.f32 v7, v4  }
0x17a: {  	vm1 =	vgt.f32 v7, v2;
	v3 =	vsel vm0, $0xC, v3;
	v4 =	vsel vm0, v7, v4;
	v5 =	vld [tilespmem:s18+$0x1C00]  }
0x17b: {  	v3 =	vsel vm1, v9, v3;
	v4 =	vsel vm1, v2, v4;
	v2 =	vsel vm1, v7, v2  }
0x17c: {  	v7 =	vsel vm1, $0xC, v9;
	vm0 =	vgt.f32 v6, v4  }
0x17d: {  	vm1 =	vgt.f32 v6, v2;
	v3 =	vsel vm0, $0xD, v3;
	v4 =	vsel vm0, v6, v4;
	v8 =	vld [tilespmem:s18+$0x1E00]  }
0x17e: {  	v3 =	vsel vm1, v7, v3;
	v4 =	vsel vm1, v2, v4;
	v2 =	vsel vm1, v6, v2  }
0x17f: {  	v6 =	vsel vm1, $0xD, v7;
	vm0 =	vgt.f32 v5, v4  }
0x180: {  	vm1 =	vgt.f32 v5, v2;
	v3 =	vsel vm0, $0xE, v3;
	v4 =	vsel vm0, v5, v4;
	v7 =	vld [tilespmem:s18+$0x2000]  }
0x181: {  	v3 =	vsel vm1, v6, v3;
	v4 =	vsel vm1, v2, v4;
	v2 =	vsel vm1, v5, v2  }
0x182: {  	v5 =	vsel vm1, $0xE, v6;
	vm0 =	vgt.f32 v8, v4  }
0x183: {  	vm1 =	vgt.f32 v8, v2;
	v3 =	vsel vm0, $0xF, v3;
	v4 =	vsel vm0, v8, v4;
	v6 =	vld [tilespmem:s18+$0x2200]  }
0x184: {  	v3 =	vsel vm1, v5, v3;
	v4 =	vsel vm1, v2, v4  }
0x185: {  	v2 =	vsel vm1, v8, v2;
	vm0 =	vgt.f32 v7, v4  }
0x186: {  	v5 =	vsel vm1, $0xF, v5;
	vm1 =	vgt.f32 v7, v2;
	v4 =	vsel vm0, v7, v4;
	v8 =	vld [tilespmem:s18+$0x2400]  }
0x187: {  	v3 =	vsel vm0, $0x10, v3;
	v9 =	vsel vm1, $0x10, v5;
	v4 =	vsel vm1, v2, v4  }
0x188: {  	v3 =	vsel vm1, v5, v3;
	v2 =	vsel vm1, v7, v2;
	vm0 =	vgt.f32 v6, v4  }
0x189: {  	vm1 =	vgt.f32 v6, v2;
	v3 =	vsel vm0, $0x11, v3;
	v4 =	vsel vm0, v6, v4;
	v5 =	vld [tilespmem:s18+$0x2600]  }
0x18a: {  	v3 =	vsel vm1, v9, v3;
	v4 =	vsel vm1, v2, v4;
	v2 =	vsel vm1, v6, v2  }
0x18b: {  	v6 =	vsel vm1, $0x11, v9;
	vm0 =	vgt.f32 v8, v4  }
0x18c: {  	vm1 =	vgt.f32 v8, v2;
	v3 =	vsel vm0, $0x12, v3;
	v4 =	vsel vm0, v8, v4;
	v7 =	vld [tilespmem:s18+$0x2800]  }
0x18d: {  	v3 =	vsel vm1, v6, v3;
	v4 =	vsel vm1, v2, v4;
	v6 =	vsel vm1, $0x12, v6  }
0x18e: {  	v2 =	vsel vm1, v8, v2;
	vm0 =	vgt.f32 v5, v4  }
0x18f: {  	vm1 =	vgt.f32 v5, v2;
	v3 =	vsel vm0, $0x13, v3;
	v4 =	vsel vm0, v5, v4;
	v8 =	vld [tilespmem:s18+$0x2A00]  }
0x190: {  	v3 =	vsel vm1, v6, v3;
	v4 =	vsel vm1, v2, v4  }
0x191: {  	v6 =	vsel vm1, $0x13, v6;
	v2 =	vsel vm1, v5, v2;
	vm0 =	vgt.f32 v7, v4  }
0x192: {  	vm1 =	vgt.f32 v7, v2;
	v3 =	vsel vm0, $0x14, v3;
	v4 =	vsel vm0, v7, v4;
	v5 =	vld [tilespmem:s18+$0x2C00]  }
0x193: {  	v3 =	vsel vm1, v6, v3;
	v4 =	vsel vm1, v2, v4;
	v6 =	vsel vm1, $0x14, v6  }
0x194: {  	v2 =	vsel vm1, v7, v2;
	vm0 =	vgt.f32 v8, v4  }
0x195: {  	vm1 =	vgt.f32 v8, v2;
	v3 =	vsel vm0, $0x15, v3;
	v4 =	vsel vm0, v8, v4;
	v7 =	vld [tilespmem:s18+$0x2E00]  }
0x196: {  	v3 =	vsel vm1, v6, v3;
	v4 =	vsel vm1, v2, v4  }
0x197: {  	v2 =	vsel vm1, v8, v2;
	vm0 =	vgt.f32 v5, v4  }
0x198: {  	vm2 =	vgt.f32 v5, v2;
	v3 =	vsel vm0, $0x16, v3;
	v4 =	vsel vm0, v5, v4;
	v8 =	vld [tilespmem:s18+$0x3000]  }
0x199: {  	v4 =	vsel vm2, v2, v4  }
0x19a: {  	v6 =	vsel vm1, $0x15, v6;
	v2 =	vsel vm2, v5, v2;
	vm0 =	vgt.f32 v7, v4  }
0x19b: {  	v5 =	vsel vm2, $0x16, v6;
	vm1 =	vgt.f32 v7, v2;
	v4 =	vsel vm0, v7, v4;
	v9 =	vld [tilespmem:s18+$0x3200]  }
0x19c: {  	v10 =	vsel vm1, $0x17, v5;
	v4 =	vsel vm1, v2, v4  }
0x19d: {  	v2 =	vsel vm1, v7, v2;
	vm3 =	vgt.f32 v8, v4  }
0x19e: {  	vm4 =	vgt.f32 v8, v2;
	v4 =	vsel vm3, v8, v4;
	v7 =	vld [tilespmem:s18+$0x3400]  }
0x19f: {  	v3 =	vsel vm2, v6, v3;
	v4 =	vsel vm4, v2, v4;
	v2 =	vsel vm4, v8, v2  }
0x1a0: {  	v3 =	vsel vm0, $0x17, v3;
	v6 =	vsel vm4, $0x18, v10;
	vm0 =	vgt.f32 v9, v4  }
0x1a1: {  	v3 =	vsel vm1, v5, v3;
	vm1 =	vgt.f32 v9, v2;
	v4 =	vsel vm0, v9, v4;
	v5 =	vld [tilespmem:s18+$0x3600]  }
0x1a2: {  	v3 =	vsel vm3, $0x18, v3;
	v4 =	vsel vm1, v2, v4;
	v2 =	vsel vm1, v9, v2  }
0x1a3: {  	v3 =	vsel vm4, v10, v3;
	vm2 =	vgt.f32 v7, v4  }
0x1a4: {  	v3 =	vsel vm0, $0x19, v3;
	vm0 =	vgt.f32 v7, v2;
	v4 =	vsel vm2, v7, v4;
	v8 =	vld [tilespmem:s18+$0x3800]  }
0x1a5: {  	v3 =	vsel vm1, v6, v3;
	v6 =	vsel vm1, $0x19, v6;
	v4 =	vsel vm0, v2, v4  }
0x1a6: {  	v3 =	vsel vm2, $0x1A, v3;
	v2 =	vsel vm0, v7, v2;
	vm1 =	vgt.f32 v5, v4  }
0x1a7: {  	v7 =	vsel vm0, $0x1A, v6;
	vm2 =	vgt.f32 v5, v2;
	v4 =	vsel vm1, v5, v4;
	v9 =	vld [tilespmem:s18+$0x3A00]  }
0x1a8: {  	v3 =	vsel vm0, v6, v3;
	v6 =	vsel vm2, $0x1B, v7;
	v4 =	vsel vm2, v2, v4  }
0x1a9: {  	v3 =	vsel vm1, $0x1B, v3;
	v2 =	vsel vm2, v5, v2;
	vm0 =	vgt.f32 v8, v4  }
0x1aa: {  	v3 =	vsel vm2, v7, v3;
	vm1 =	vgt.f32 v8, v2;
	v4 =	vsel vm0, v8, v4;
	v5 =	vld [tilespmem:s18+$0x3C00]  }
0x1ab: {  	v3 =	vsel vm0, $0x1C, v3;
	v4 =	vsel vm1, v2, v4  }
0x1ac: {  	v3 =	vsel vm1, v6, v3;
	v2 =	vsel vm1, v8, v2;
	vm0 =	vgt.f32 v9, v4  }
0x1ad: {  	vm2 =	vgt.f32 v9, v2;
	v4 =	vsel vm0, v9, v4;
	v7 =	vld [tilespmem:s18+$0x3E00]  }
0x1ae: {  	v6 =	vsel vm1, $0x1C, v6;
	v3 =	vsel vm0, $0x1D, v3;
	v4 =	vsel vm2, v2, v4  }
0x1af: {  	v8 =	vsel vm2, $0x1D, v6;
	v2 =	vsel vm2, v9, v2;
	vm0 =	vgt.f32 v5, v4  }
0x1b0: {  	v3 =	vsel vm2, v6, v3;
	vm1 =	vgt.f32 v5, v2;
	v4 =	vsel vm0, v5, v4;
	v6 =	vld [tilespmem:s18+$0x4000]  }
0x1b1: {  	v9 =	vsel vm1, $0x1E, v8;
	v4 =	vsel vm1, v2, v4;
	v2 =	vsel vm1, v5, v2  }
0x1b2: {  	v3 =	vsel vm0, $0x1E, v3;
	vm0 =	vgt.f32 v7, v2;
	vm2 =	vgt.f32 v7, v4  }
0x1b3: {  	v3 =	vsel vm1, v8, v3;
	v4 =	vsel vm2, v7, v4;
	v5 =	vsel vm0, v7, v2;
	v7 =	vld [tilespmem:s18+$0x4200]  }
0x1b4: {  	v3 =	vsel vm2, $0x1F, v3;
	v2 =	vsel vm0, v2, v4;
	v4 =	vsel vm0, $0x1F, v9  }
0x1b5: {  	v3 =	vsel vm0, v9, v3;
	vm0 =	vgt.f32 v6, v2  }
0x1b6: {  	vm1 =	vgt.f32 v6, v5;
	v3 =	vsel vm0, $0x20, v3;
	v2 =	vsel vm0, v6, v2;
	v8 =	vld [tilespmem:s18+$0x4400]  }
0x1b7: {  	v3 =	vsel vm1, v4, v3;
	v2 =	vsel vm1, v5, v2;
	v5 =	vsel vm1, v6, v5  }
0x1b8: {  	v4 =	vsel vm1, $0x20, v4;
	vm0 =	vgt.f32 v7, v2  }
0x1b9: {  	vm1 =	vgt.f32 v7, v5;
	v3 =	vsel vm0, $0x21, v3;
	v2 =	vsel vm0, v7, v2;
	v6 =	vld [tilespmem:s18+$0x4600]  }
0x1ba: {  	v3 =	vsel vm1, v4, v3;
	v2 =	vsel vm1, v5, v2;
	v5 =	vsel vm1, v7, v5  }
0x1bb: {  	v4 =	vsel vm1, $0x21, v4;
	vm0 =	vgt.f32 v8, v2  }
0x1bc: {  	vm1 =	vgt.f32 v8, v5;
	v3 =	vsel vm0, $0x22, v3;
	v2 =	vsel vm0, v8, v2;
	v7 =	vld [tilespmem:s18+$0x4800]  }
0x1bd: {  	v3 =	vsel vm1, v4, v3;
	v2 =	vsel vm1, v5, v2;
	v5 =	vsel vm1, v8, v5  }
0x1be: {  	v4 =	vsel vm1, $0x22, v4;
	vm0 =	vgt.f32 v6, v2  }
0x1bf: {  	vm1 =	vgt.f32 v6, v5;
	v3 =	vsel vm0, $0x23, v3;
	v2 =	vsel vm0, v6, v2;
	v8 =	vld [tilespmem:s18+$0x4A00]  }
0x1c0: {  	v3 =	vsel vm1, v4, v3;
	v2 =	vsel vm1, v5, v2;
	v5 =	vsel vm1, v6, v5  }
0x1c1: {  	v4 =	vsel vm1, $0x23, v4;
	vm0 =	vgt.f32 v7, v2  }
0x1c2: {  	vm1 =	vgt.f32 v7, v5;
	v3 =	vsel vm0, $0x24, v3;
	v2 =	vsel vm0, v7, v2;
	v6 =	vld [tilespmem:s18+$0x4C00]  }
0x1c3: {  	v3 =	vsel vm1, v4, v3;
	v2 =	vsel vm1, v5, v2;
	v5 =	vsel vm1, v7, v5  }
0x1c4: {  	v4 =	vsel vm1, $0x24, v4;
	vm0 =	vgt.f32 v8, v2  }
0x1c5: {  	vm1 =	vgt.f32 v8, v5;
	v3 =	vsel vm0, $0x25, v3;
	v2 =	vsel vm0, v8, v2;
	v7 =	vld [tilespmem:s18+$0x4E00]  }
0x1c6: {  	v9 =	vsel vm1, $0x25, v4;
	v2 =	vsel vm1, v5, v2;
	v5 =	vsel vm1, v8, v5  }
0x1c7: {  	v3 =	vsel vm1, v4, v3;
	vm0 =	vgt.f32 v6, v2  }
0x1c8: {  	vm1 =	vgt.f32 v6, v5;
	v3 =	vsel vm0, $0x26, v3;
	v2 =	vsel vm0, v6, v2;
	v4 =	vld [tilespmem:s18+$0x5000]  }
0x1c9: {  	v3 =	vsel vm1, v9, v3;
	v2 =	vsel vm1, v5, v2;
	v5 =	vsel vm1, v6, v5  }
0x1ca: {  	v6 =	vsel vm1, $0x26, v9;
	vm0 =	vgt.f32 v7, v2  }
0x1cb: {  	vm1 =	vgt.f32 v7, v5;
	v3 =	vsel vm0, $0x27, v3;
	v2 =	vsel vm0, v7, v2;
	v8 =	vld [tilespmem:s18+$0x5200]  }
0x1cc: {  	v3 =	vsel vm1, v6, v3;
	v2 =	vsel vm1, v5, v2;
	v5 =	vsel vm1, v7, v5  }
0x1cd: {  	vm0 =	vgt.f32 v4, v2  }
0x1ce: {  	v6 =	vsel vm1, $0x27, v6;
	vm1 =	vgt.f32 v4, v5;
	v2 =	vsel vm0, v4, v2;
	v7 =	vld [tilespmem:s18+$0x5400]  }
0x1cf: {  	v9 =	vsel vm1, $0x28, v6;
	v4 =	vsel vm1, v4, v5;
	v2 =	vsel vm1, v5, v2  }
0x1d0: {  	v3 =	vsel vm0, $0x28, v3;
	vm0 =	vgt.f32 v8, v2  }
0x1d1: {  	v3 =	vsel vm1, v6, v3;
	vm1 =	vgt.f32 v8, v4;
	v2 =	vsel vm0, v8, v2;
	v5 =	vld [tilespmem:s18+$0x5600]  }
0x1d2: {  	v3 =	vsel vm0, $0x29, v3;
	v2 =	vsel vm1, v4, v2;
	v4 =	vsel vm1, v8, v4  }
0x1d3: {  	v6 =	vsel vm1, $0x29, v9;
	v3 =	vsel vm1, v9, v3;
	vm0 =	vgt.f32 v7, v2  }
0x1d4: {  	vm1 =	vgt.f32 v7, v4;
	v3 =	vsel vm0, $0x2A, v3;
	v2 =	vsel vm0, v7, v2;
	v8 =	vld [tilespmem:s18+$0x5800]  }
0x1d5: {  	v3 =	vsel vm1, v6, v3;
	v2 =	vsel vm1, v4, v2;
	v4 =	vsel vm1, v7, v4  }
0x1d6: {  	vm0 =	vgt.f32 v5, v2  }
0x1d7: {  	vm2 =	vgt.f32 v5, v4;
	v3 =	vsel vm0, $0x2B, v3;
	v2 =	vsel vm0, v5, v2;
	v7 =	vld [tilespmem:s18+$0x5A00]  }
0x1d8: {  	v6 =	vsel vm1, $0x2A, v6;
	v2 =	vsel vm2, v4, v2;
	v4 =	vsel vm2, v5, v4  }
0x1d9: {  	v3 =	vsel vm2, v6, v3;
	v5 =	vsel vm2, $0x2B, v6;
	vm0 =	vgt.f32 v8, v2  }
0x1da: {  	vm1 =	vgt.f32 v8, v4;
	v3 =	vsel vm0, $0x2C, v3;
	v2 =	vsel vm0, v8, v2;
	v6 =	vld [tilespmem:s18+$0x5C00]  }
0x1db: {  	v3 =	vsel vm1, v5, v3;
	v2 =	vsel vm1, v4, v2;
	v4 =	vsel vm1, v8, v4  }
0x1dc: {  	v5 =	vsel vm1, $0x2C, v5;
	vm0 =	vgt.f32 v7, v2  }
0x1dd: {  	vm1 =	vgt.f32 v7, v4;
	v3 =	vsel vm0, $0x2D, v3;
	v2 =	vsel vm0, v7, v2;
	v8 =	vld [tilespmem:s18+$0x5E00]  }
0x1de: {  	v3 =	vsel vm1, v5, v3;
	v2 =	vsel vm1, v4, v2;
	v4 =	vsel vm1, v7, v4  }
0x1df: {  	v5 =	vsel vm1, $0x2D, v5;
	vm0 =	vgt.f32 v6, v2  }
0x1e0: {  	vm1 =	vgt.f32 v6, v4;
	v3 =	vsel vm0, $0x2E, v3;
	v2 =	vsel vm0, v6, v2;
	v7 =	vld [tilespmem:s18+$0x6000]  }
0x1e1: {  	v3 =	vsel vm1, v5, v3;
	v2 =	vsel vm1, v4, v2;
	v4 =	vsel vm1, v6, v4  }
0x1e2: {  	v5 =	vsel vm1, $0x2E, v5;
	vm0 =	vgt.f32 v8, v2  }
0x1e3: {  	vm1 =	vgt.f32 v8, v4;
	v3 =	vsel vm0, $0x2F, v3;
	v2 =	vsel vm0, v8, v2;
	v6 =	vld [tilespmem:s18+$0x6200]  }
0x1e4: {  	v9 =	vsel vm1, $0x2F, v5;
	v2 =	vsel vm1, v4, v2;
	v4 =	vsel vm1, v8, v4  }
0x1e5: {  	v3 =	vsel vm1, v5, v3;
	vm0 =	vgt.f32 v7, v2  }
0x1e6: {  	vm1 =	vgt.f32 v7, v4;
	v3 =	vsel vm0, $0x30, v3;
	v2 =	vsel vm0, v7, v2;
	v5 =	vld [tilespmem:s18+$0x6400]  }
0x1e7: {  	v3 =	vsel vm1, v9, v3;
	v2 =	vsel vm1, v4, v2;
	v4 =	vsel vm1, v7, v4  }
0x1e8: {  	v7 =	vsel vm1, $0x30, v9;
	vm0 =	vgt.f32 v6, v2  }
0x1e9: {  	vm1 =	vgt.f32 v6, v4;
	v3 =	vsel vm0, $0x31, v3;
	v2 =	vsel vm0, v6, v2;
	v8 =	vld [tilespmem:s18+$0x6600]  }
0x1ea: {  	v3 =	vsel vm1, v7, v3;
	v2 =	vsel vm1, v4, v2;
	v4 =	vsel vm1, v6, v4  }
0x1eb: {  	v6 =	vsel vm1, $0x31, v7;
	vm0 =	vgt.f32 v5, v2  }
0x1ec: {  	vm1 =	vgt.f32 v5, v4;
	v3 =	vsel vm0, $0x32, v3;
	v2 =	vsel vm0, v5, v2;
	v7 =	vld [tilespmem:s18+$0x6800]  }
0x1ed: {  	v3 =	vsel vm1, v6, v3;
	v2 =	vsel vm1, v4, v2;
	v4 =	vsel vm1, v5, v4  }
0x1ee: {  	v5 =	vsel vm1, $0x32, v6;
	vm0 =	vgt.f32 v8, v2  }
0x1ef: {  	vm1 =	vgt.f32 v8, v4;
	v3 =	vsel vm0, $0x33, v3;
	v2 =	vsel vm0, v8, v2;
	v6 =	vld [tilespmem:s18+$0x6A00]  }
0x1f0: {  	v3 =	vsel vm1, v5, v3;
	v2 =	vsel vm1, v4, v2;
	v4 =	vsel vm1, v8, v4  }
0x1f1: {  	v5 =	vsel vm1, $0x33, v5;
	vm0 =	vgt.f32 v7, v2  }
0x1f2: {  	vm1 =	vgt.f32 v7, v4;
	v3 =	vsel vm0, $0x34, v3;
	v2 =	vsel vm0, v7, v2;
	v8 =	vld [tilespmem:s18+$0x6C00]  }
0x1f3: {  	v3 =	vsel vm1, v5, v3;
	v2 =	vsel vm1, v4, v2;
	v4 =	vsel vm1, v7, v4  }
0x1f4: {  	v5 =	vsel vm1, $0x34, v5;
	vm0 =	vgt.f32 v6, v2  }
0x1f5: {  	vm1 =	vgt.f32 v6, v4;
	v3 =	vsel vm0, $0x35, v3;
	v2 =	vsel vm0, v6, v2;
	v7 =	vld [tilespmem:s18+$0x6E00]  }
0x1f6: {  	v3 =	vsel vm1, v5, v3;
	v2 =	vsel vm1, v4, v2;
	v4 =	vsel vm1, v6, v4  }
0x1f7: {  	v5 =	vsel vm1, $0x35, v5;
	vm0 =	vgt.f32 v8, v2  }
0x1f8: {  	vm1 =	vgt.f32 v8, v4;
	v3 =	vsel vm0, $0x36, v3;
	v2 =	vsel vm0, v8, v2;
	v6 =	vld [tilespmem:s18+$0x7000]  }
0x1f9: {  	v9 =	vsel vm1, $0x36, v5;
	v2 =	vsel vm1, v4, v2;
	v4 =	vsel vm1, v8, v4  }
0x1fa: {  	v3 =	vsel vm1, v5, v3;
	vm0 =	vgt.f32 v7, v4;
	vm1 =	vgt.f32 v7, v2  }
0x1fb: {  	v3 =	vsel vm1, $0x37, v3;
	v2 =	vsel vm1, v7, v2;
	v5 =	vsel vm0, $0x37, v9;
	v8 =	vld [tilespmem:s18+$0x7200]  }
0x1fc: {  	v3 =	vsel vm0, v9, v3;
	v2 =	vsel vm0, v4, v2  }
0x1fd: {  	v4 =	vsel vm0, v7, v4;
	vm0 =	vgt.f32 v6, v2  }
0x1fe: {  	vm1 =	vgt.f32 v6, v4;
	v3 =	vsel vm0, $0x38, v3;
	v2 =	vsel vm0, v6, v2;
	v7 =	vld [tilespmem:s18+$0x7400]  }
0x1ff: {  	v3 =	vsel vm1, v5, v3;
	v2 =	vsel vm1, v4, v2  }
0x200: {  	v4 =	vsel vm1, v6, v4;
	vm0 =	vgt.f32 v8, v2  }
0x201: {  	v5 =	vsel vm1, $0x38, v5;
	vm1 =	vgt.f32 v8, v4;
	v2 =	vsel vm0, v8, v2;
	v6 =	vld [tilespmem:s18+$0x7600]  }
0x202: {  	v3 =	vsel vm0, $0x39, v3;
	v9 =	vsel vm1, $0x39, v5;
	v2 =	vsel vm1, v4, v2  }
0x203: {  	v3 =	vsel vm1, v5, v3;
	v4 =	vsel vm1, v8, v4;
	vm0 =	vgt.f32 v7, v2  }
0x204: {  	vm1 =	vgt.f32 v7, v4;
	v3 =	vsel vm0, $0x3A, v3;
	v2 =	vsel vm0, v7, v2;
	v5 =	vld [tilespmem:s18+$0x7800]  }
0x205: {  	v3 =	vsel vm1, v9, v3;
	v2 =	vsel vm1, v4, v2;
	v4 =	vsel vm1, v7, v4  }
0x206: {  	v7 =	vsel vm1, $0x3A, v9;
	vm0 =	vgt.f32 v6, v2  }
0x207: {  	vm1 =	vgt.f32 v6, v4;
	v3 =	vsel vm0, $0x3B, v3;
	v2 =	vsel vm0, v6, v2;
	v8 =	vld [tilespmem:s18+$0x7A00]  }
0x208: {  	v3 =	vsel vm1, v7, v3;
	v2 =	vsel vm1, v4, v2;
	v7 =	vsel vm1, $0x3B, v7  }
0x209: {  	v4 =	vsel vm1, v6, v4;
	vm0 =	vgt.f32 v5, v2  }
0x20a: {  	vm1 =	vgt.f32 v5, v4;
	v3 =	vsel vm0, $0x3C, v3;
	v2 =	vsel vm0, v5, v2;
	v6 =	vld [tilespmem:s18+$0x7C00]  }
0x20b: {  	v3 =	vsel vm1, v7, v3;
	v2 =	vsel vm1, v4, v2  }
0x20c: {  	v7 =	vsel vm1, $0x3C, v7;
	v4 =	vsel vm1, v5, v4;
	vm0 =	vgt.f32 v8, v2  }
0x20d: {  	vm1 =	vgt.f32 v8, v4;
	v3 =	vsel vm0, $0x3D, v3;
	v2 =	vsel vm0, v8, v2;
	v5 =	vld [tilespmem:s18+$0x7E00]  }
0x20e: {  	v3 =	vsel vm1, v7, v3;
	v2 =	vsel vm1, v4, v2  }
0x20f: {  	v4 =	vsel vm1, v8, v4;
	vm0 =	vgt.f32 v6, v2  }
0x210: {  	v7 =	vsel vm1, $0x3D, v7;
	vm1 =	vgt.f32 v6, v4;
	v2 =	vsel vm0, v6, v2  }
0x211: {  	v3 =	vsel vm0, $0x3E, v3;
	v8 =	vsel vm1, $0x3E, v7;
	v2 =	vsel vm1, v4, v2  }
0x212: {  	v3 =	vsel vm1, v7, v3;
	v4 =	vsel vm1, v6, v4;
	vm0 =	vgt.f32 v5, v2  }
0x213: {  	vm1 =	vgt.f32 v5, v4;
	v3 =	vsel vm0, $0x3F, v3;
	v6 =	vsel vm0, v5, v2  }
0x214: {  	v2 =	vsel vm1, v8, v3;
	v3 =	vsel vm1, v4, v6;
	v4 =	vsel vm1, v5, v4  }
0x215: {  	v3 =	vsub.f32 v3, v4;
	_ =	sdelay $0x1  }
0x216: {  	v3 =	vmul.f32 $1.442695020e+00, v3;
	_ =	sdelay $0x1  }
0x217: {  	(erf) = vpow2.f32 v3;
	_ =	sdelay $0x8  }
0x218: {  	v3 =	vpop (erf)  }
0x219: {  	v4 =	vadd.f32 $1.000000000e+00, v3  }
0x21a: {  	v3 =	vsel vm1, $0x3F, v8  }
0x21b: {  	(erf) = vrcp.f32 v4;
	_ =	sdelay $0x3  }
0x21c: {  	v6 =	vld.idx.msk [tilespmem:v3+s11+$0x0], $0xffff  }
0x21d: {  	v4 =	vmov s15  }
0x21e: {  	v4 =	vshll.u32 v4, $0x3;
	v7 =	vld.idx.msk [tilespmem:v2+s11+$0x0], $0xffff  }
0x21f: {  	v5 =	vor.u32 v1, v4;
	_ =	sdelay $0x1  }
0x220: {  	v4 =	vor.u32 $0x1, v5;
	v8 =	vpop (erf)  }
.Ltmp0:
0x221: {  	v9 =	vsub.f32 $1.000000000e+00, v8;
	v6 =	vmul.f32 v8, v6;
	(pc) =	sbr.rel @p0 .LBB2_2-.Ltmp0, $3  }
0x222: {  	_ = 	snop  }
0x223: {  	v7 =	vmul.f32 v9, v7;
	[tilespmem:v5+s12+$0x0] =	vst.idx.msk $0xffff, v6;
	_ =	sdelay $0x1  }
0x224: {  	s19 =	smov.u32 s17;
	[tilespmem:v4+s12+$0x0] =	vst.idx.msk $0xffff, v7  }
0x225: {  	_ =	sdelay $0x3  }
0x226: {  	[tilespmem:v5+s13+$0x0] =	vst.idx.msk $0xffff, v3  }
0x227: {  	s16 =	sshra.s32 s16, $0x2;
	[tilespmem:v4+s13+$0x0] =	vst.idx.msk $0xffff, v2  }
0x228: {  	v2 =	vld [tilespmem:s16+$0x0]  }
0x229: {  	v3 =	vld [tilespmem:s16+$0x200];
	_ =	sdelay $0x3  }
0x22a: {  	v4 =	vld [tilespmem:s16+$0x400];
	vm0 =	vgt.f32 v2, $-Inf  }
0x22b: {  	vm9 =	vlt.f32 v3, $-Inf;
	vm1 =	vgt.f32 v3, $-Inf;
	v2 =	vnsel vm0, $0xFF800000, v2  }
0x22c: {  	vm2 =	vmor vm1, vm9;
	vm14 =	vgt.f32 v3, v2  }
0x22d: {  	v6 =	vld [tilespmem:s16+$0x600];
	v10 =	vnsel vm2, $0xFF800000, v3;
	vm1 =	vmneg vm14  }
0x22e: {  	v5 =	vsel vm1, v10, v2  }
0x22f: {  	v2 =	vsel vm1, v2, v3;
	vm12 =	vgt.f32 v4, v5  }
0x230: {  	v11 =	vld [tilespmem:s16+$0x800];
	vm3 =	vgt.f32 v4, v2;
	v3 =	vsel vm12, v4, v5  }
0x231: {  	v3 =	vsel vm3, v2, v3  }
0x232: {  	v2 =	vsel vm3, v4, v2;
	vm13 =	vgt.f32 v6, v3  }
0x233: {  	v12 =	vld [tilespmem:s16+$0xA00];
	vm4 =	vgt.f32 v6, v2;
	v3 =	vsel vm13, v6, v3  }
0x234: {  	v3 =	vsel vm4, v2, v3  }
0x235: {  	v2 =	vsel vm4, v6, v2;
	vm15 =	vgt.f32 v11, v3  }
0x236: {  	v14 =	vimm.s32 $0x0;
	v13 =	vld [tilespmem:s16+$0xC00];
	vm5 =	vgt.f32 v11, v2;
	v3 =	vsel vm15, v11, v3  }
0x237: {  	v16 =	vimm.s32 $0x0;
	v18 =	vimm.s32 $0x0;
	v3 =	vsel vm5, v2, v3  }
0x238: {  	v20 =	vimm.s32 $0x0;
	v2 =	vsel vm5, v11, v2;
	vm10 =	vgt.f32 v12, v3  }
0x239: {  	v22 =	vimm.s32 $0x0;
	v15 =	vld [tilespmem:s16+$0xE00];
	vm6 =	vgt.f32 v12, v2;
	v3 =	vsel vm10, v12, v3  }
0x23a: {  	v24 =	vimm.s32 $0x0;
	v26 =	vimm.s32 $0x0;
	v3 =	vsel vm6, v2, v3  }
0x23b: {  	v32 =	vimm.s32 $0x0;
	v2 =	vsel vm6, v12, v2;
	vm11 =	vgt.f32 v13, v3  }
0x23c: {  	v35 =	vimm.s32 $0x0;
	v17 =	vld [tilespmem:s16+$0x1000];
	vm7 =	vgt.f32 v13, v2;
	v3 =	vsel vm11, v13, v3  }
0x23d: {  	v38 =	vimm.s32 $0x0;
	v41 =	vimm.s32 $0x0;
	v3 =	vsel vm7, v2, v3  }
0x23e: {  	v44 =	vimm.s32 $0x0;
	v2 =	vsel vm7, v13, v2;
	vm0 =	vgt.f32 v15, v3  }
0x23f: {  	v47 =	vimm.s32 $0x0;
	v19 =	vld [tilespmem:s16+$0x1200];
	vm8 =	vgt.f32 v15, v2;
	v3 =	vsel vm0, v15, v3  }
0x240: {  	v50 =	vimm.s32 $0x0;
	v54 =	vimm.s32 $0x0;
	v3 =	vsel vm8, v2, v3  }
0x241: {  	v5 =	vsel vm10, $0xFFFFFFFF, v14;
	v2 =	vsel vm8, v15, v2;
	vm9 =	vgt.f32 v17, v3  }
0x242: {  	v21 =	vld [tilespmem:s16+$0x1400];
	[tilespmem:$0x1FAA0] =	vst v5;
	v5 =	vsel vm9, $0xFFFFFFFF, v20;
	v3 =	vsel vm9, v17, v3;
	vm9 =	vgt.f32 v17, v2  }
0x243: {  	v61 =	vimm.s32 $0x0;
	vm2 =	vmand vm2, vm1;
	v3 =	vsel vm9, v2, v3  }
0x244: {  	v4 =	vsel vm11, $0xFFFFFFFF, v16;
	v2 =	vsel vm9, v17, v2;
	vm10 =	vgt.f32 v19, v3  }
0x245: {  	v23 =	vld [tilespmem:s16+$0x1600];
	[tilespmem:$0x1FAB0] =	vst v4;
	v4 =	vsel vm10, $0xFFFFFFFF, v22;
	v3 =	vsel vm10, v19, v3;
	vm10 =	vgt.f32 v19, v2  }
0x246: {  	v8 =	vsel vm14, $0x1, v0;
	v7 =	vsel vm2, $0x1, v0;
	v3 =	vsel vm10, v2, v3  }
0x247: {  	v6 =	vsel vm0, $0xFFFFFFFF, v18;
	v2 =	vsel vm10, v19, v2;
	vm11 =	vgt.f32 v21, v3  }
0x248: {  	v25 =	vld [tilespmem:s16+$0x1800];
	[tilespmem:$0x1FAC0] =	vst v6;
	v6 =	vsel vm11, $0xFFFFFFFF, v24;
	v3 =	vsel vm11, v21, v3;
	vm11 =	vgt.f32 v21, v2  }
0x249: {  	v28 =	vsel vm12, $0x2, v7;
	v12 =	vimm.s32 $0x0;
	v3 =	vsel vm11, v2, v3  }
0x24a: {  	v18 =	vimm.s32 $0x0;
	v2 =	vsel vm11, v21, v2;
	vm0 =	vgt.f32 v23, v3  }
0x24b: {  	v27 =	vld [tilespmem:s16+$0x1A00];
	[tilespmem:$0x1FAD0] =	vst v5;
	v5 =	vsel vm0, $0xFFFFFFFF, v26;
	v3 =	vsel vm0, v23, v3;
	vm0 =	vgt.f32 v23, v2  }
0x24c: {  	v15 =	vimm.s32 $0x0;
	[tilespmem:$0x1FAE0] =	vst v4;
	v4 =	vsel vm3, v8, v28;
	v3 =	vsel vm0, v2, v3  }
0x24d: {  	v8 =	vsel vm3, $0x2, v8;
	v2 =	vsel vm0, v23, v2;
	vm1 =	vgt.f32 v25, v3  }
0x24e: {  	v29 =	vld [tilespmem:s16+$0x1C00];
	v4 =	vsel vm13, $0x3, v4;
	vm2 =	vgt.f32 v25, v2;
	v3 =	vsel vm1, v25, v3  }
0x24f: {  	v4 =	vsel vm4, v8, v4;
	v8 =	vsel vm4, $0x3, v8;
	v3 =	vsel vm2, v2, v3  }
0x250: {  	v33 =	vld [tilespmem:$0x1FAA0];
	v24 =	vimm.s32 $0x0;
	v2 =	vsel vm2, v25, v2;
	vm14 =	vgt.f32 v27, v3  }
0x251: {  	v36 =	vld [tilespmem:$0x1FAB0];
	v4 =	vsel vm15, $0x4, v4;
	vm3 =	vgt.f32 v27, v2;
	v3 =	vsel vm14, v27, v3  }
0x252: {  	v30 =	vld [tilespmem:s16+$0x1E00];
	v21 =	vimm.s32 $0x0;
	v4 =	vsel vm5, v8, v4;
	v3 =	vsel vm3, v2, v3  }
0x253: {  	v8 =	vsel vm5, $0x4, v8;
	v2 =	vsel vm3, v27, v2;
	vm12 =	vgt.f32 v29, v3  }
0x254: {  	v39 =	vld [tilespmem:$0x1FAC0];
	v27 =	vimm.s32 $0x0;
	vm4 =	vgt.f32 v29, v2;
	v3 =	vsel vm12, v29, v3  }
0x255: {  	v31 =	vld [tilespmem:s16+$0x2000];
	vm15 =	vmmov vm12;
	vm12 =	vnez.u8 v33;
	v3 =	vsel vm4, v2, v3  }
0x256: {  	v9 =	vld [tilespmem:$0x1FAD0];
	v2 =	vsel vm4, v29, v2;
	v4 =	vsel vm12, $0x5, v4;
	vm12 =	vnez.u8 v36  }
0x257: {  	vm5 =	vgt.f32 v30, v3;
	v4 =	vsel vm6, v8, v4;
	v8 =	vsel vm6, $0x5, v8  }
0x258: {  	v7 =	vsel vm5, $0xFFFFFFFF, v32;
	v3 =	vsel vm5, v30, v3;
	vm5 =	vgt.f32 v30, v2  }
0x259: {  	v34 =	vld [tilespmem:s16+$0x2200];
	v4 =	vsel vm12, $0x6, v4;
	vm12 =	vnez.u8 v39;
	v3 =	vsel vm5, v2, v3  }
0x25a: {  	v2 =	vsel vm5, v30, v2;
	v4 =	vsel vm7, v8, v4;
	v8 =	vsel vm7, $0x6, v8  }
0x25b: {  	vm6 =	vgt.f32 v31, v3;
	v4 =	vsel vm12, $0x7, v4;
	vm12 =	vnez.u8 v9  }
0x25c: {  	v37 =	vld [tilespmem:s16+$0x2400];
	[tilespmem:$0x1FAF0] =	vst v6;
	v6 =	vsel vm6, $0xFFFFFFFF, v35;
	v3 =	vsel vm6, v31, v3;
	vm6 =	vgt.f32 v31, v2  }
0x25d: {  	v42 =	vsel vm8, $0x7, v8;
	v4 =	vsel vm8, v8, v4;
	v3 =	vsel vm6, v2, v3  }
0x25e: {  	v45 =	vld [tilespmem:$0x1FAE0];
	v2 =	vsel vm6, v31, v2;
	v4 =	vsel vm12, $0x8, v4;
	vm7 =	vgt.f32 v34, v3  }
0x25f: {  	v40 =	vld [tilespmem:s16+$0x2600];
	[tilespmem:$0x1FB00] =	vst v5;
	v5 =	vsel vm7, $0xFFFFFFFF, v38;
	v3 =	vsel vm7, v34, v3;
	vm7 =	vgt.f32 v34, v2  }
0x260: {  	v48 =	vld [tilespmem:$0x1FAF0];
	v31 =	vimm.s32 $0x0;
	v4 =	vsel vm9, v42, v4;
	v3 =	vsel vm7, v2, v3  }
0x261: {  	v38 =	vimm.s32 $0x0;
	v2 =	vsel vm7, v34, v2;
	vm12 =	vgt.f32 v37, v3  }
0x262: {  	v51 =	vld [tilespmem:$0x1FB00];
	[tilespmem:$0x1FB10] =	vst v7;
	vm8 =	vgt.f32 v37, v2;
	v7 =	vsel vm12, $0xFFFFFFFF, v41;
	v3 =	vsel vm12, v37, v3  }
0x263: {  	vm12 =	vnez.u8 v45;
	v41 =	vimm.s32 $0x0;
	v3 =	vsel vm8, v2, v3  }
0x264: {  	v43 =	vld [tilespmem:s16+$0x2800];
	[tilespmem:$0x1FB40] =	vst v7;
	v7 =	vsel vm9, $0x8, v42;
	v2 =	vsel vm8, v37, v2;
	v4 =	vsel vm12, $0x9, v4  }
0x265: {  	vm12 =	vnez.u8 v48;
	vm9 =	vgt.f32 v40, v3;
	v4 =	vsel vm10, v7, v4  }
0x266: {  	[tilespmem:$0x1FB20] =	vst v6;
	v7 =	vsel vm10, $0x9, v7;
	v6 =	vsel vm9, $0xFFFFFFFF, v44;
	v3 =	vsel vm9, v40, v3  }
0x267: {  	v59 =	vld [tilespmem:$0x1FB20];
	vm9 =	vgt.f32 v40, v2;
	v4 =	vsel vm12, $0xA, v4;
	vm12 =	vnez.u8 v51  }
0x268: {  	v44 =	vimm.s32 $0x0;
	v51 =	vimm.s32 $0x0;
	v3 =	vsel vm9, v2, v3  }
0x269: {  	v46 =	vld [tilespmem:s16+$0x2A00];
	v2 =	vsel vm9, v40, v2;
	v4 =	vsel vm11, v7, v4;
	vm10 =	vgt.f32 v43, v3  }
0x26a: {  	[tilespmem:$0x1FB30] =	vst v5;
	v7 =	vsel vm11, $0xA, v7;
	v4 =	vsel vm12, $0xB, v4;
	v5 =	vsel vm10, $0xFFFFFFFF, v47  }
0x26b: {  	v3 =	vsel vm10, v43, v3;
	vm10 =	vgt.f32 v43, v2;
	v4 =	vsel vm0, v7, v4  }
0x26c: {  	v7 =	vsel vm0, $0xB, v7;
	vm0 =	vnez.u8 v59;
	v47 =	vimm.s32 $0x0  }
0x26d: {  	v49 =	vld [tilespmem:s16+$0x2C00];
	v59 =	vimm.s32 $0x0;
	v3 =	vsel vm10, v2, v3;
	v2 =	vsel vm10, v43, v2  }
0x26e: {  	v57 =	vld [tilespmem:$0x1FB10];
	v4 =	vsel vm1, $0xC, v4;
	vm11 =	vgt.f32 v46, v3;
	vm12 =	vgt.f32 v46, v2  }
0x26f: {  	v4 =	vsel vm2, v7, v4;
	v7 =	vsel vm2, $0xC, v7;
	v8 =	vsel vm11, $0xFFFFFFFF, v50  }
0x270: {  	v52 =	vld [tilespmem:s16+$0x2E00];
	v3 =	vsel vm11, v46, v3;
	v4 =	vsel vm14, $0xD, v4;
	v50 =	vimm.s32 $0x0  }
0x271: {  	v3 =	vsel vm12, v2, v3;
	v2 =	vsel vm12, v46, v2;
	v4 =	vsel vm3, v7, v4  }
0x272: {  	v7 =	vsel vm3, $0xD, v7;
	vm11 =	vgt.f32 v49, v3;
	vm1 =	vgt.f32 v49, v2  }
0x273: {  	v62 =	vld [tilespmem:$0x1FB30];
	v4 =	vsel vm15, $0xE, v4;
	vm15 =	vnez.u8 v57;
	v3 =	vsel vm11, v49, v3  }
0x274: {  	v4 =	vsel vm4, v7, v4;
	v7 =	vsel vm4, $0xE, v7;
	v3 =	vsel vm1, v2, v3  }
0x275: {  	v53 =	vld [tilespmem:s16+$0x3000];
	v2 =	vsel vm1, v49, v2;
	v4 =	vsel vm15, $0xF, v4;
	vm13 =	vgt.f32 v52, v3  }
0x276: {  	v13 =	vld [tilespmem:$0x1FB40];
	vm2 =	vgt.f32 v52, v2;
	v4 =	vsel vm5, v7, v4;
	v7 =	vsel vm5, $0xF, v7  }
0x277: {  	[tilespmem:$0x1FB60] =	vst v5;
	v5 =	vsel vm13, $0xFFFFFFFF, v54;
	v3 =	vsel vm13, v52, v3;
	v4 =	vsel vm0, $0x10, v4  }
0x278: {  	v55 =	vld [tilespmem:s16+$0x3200];
	[tilespmem:$0x1FB50] =	vst v6;
	vm0 =	vnez.u8 v62;
	v54 =	vimm.s32 $0x0;
	v62 =	vimm.s32 $0x0  }
0x279: {  	v16 =	vld [tilespmem:$0x1FB50];
	v3 =	vsel vm2, v2, v3;
	v2 =	vsel vm2, v52, v2;
	v4 =	vsel vm6, v7, v4  }
0x27a: {  	v7 =	vsel vm6, $0x10, v7;
	vm13 =	vgt.f32 v53, v3;
	vm3 =	vgt.f32 v53, v2  }
0x27b: {  	v56 =	vld [tilespmem:s16+$0x3400];
	v4 =	vsel vm0, $0x11, v4;
	vm0 =	vnez.u8 v13;
	v3 =	vsel vm13, v53, v3  }
0x27c: {  	v19 =	vld [tilespmem:$0x1FB60];
	v4 =	vsel vm7, v7, v4;
	v7 =	vsel vm7, $0x11, v7;
	v3 =	vsel vm3, v2, v3  }
0x27d: {  	v2 =	vsel vm3, v53, v2;
	v4 =	vsel vm0, $0x12, v4;
	vm14 =	vgt.f32 v55, v3  }
0x27e: {  	v58 =	vld [tilespmem:s16+$0x3600];
	vm0 =	vnez.u8 v16;
	vm4 =	vgt.f32 v55, v2;
	v3 =	vsel vm14, v55, v3  }
0x27f: {  	[tilespmem:$0x1FB70] =	vst v8;
	v4 =	vsel vm8, v7, v4;
	v7 =	vsel vm8, $0x12, v7;
	v3 =	vsel vm4, v2, v3  }
0x280: {  	v22 =	vld [tilespmem:$0x1FB70];
	v4 =	vsel vm0, $0x13, v4;
	v2 =	vsel vm4, v55, v2;
	vm15 =	vgt.f32 v56, v3  }
0x281: {  	v60 =	vld [tilespmem:s16+$0x3800];
	vm0 =	vnez.u8 v19;
	vm5 =	vgt.f32 v56, v2;
	v3 =	vsel vm15, v56, v3  }
0x282: {  	v19 =	vimm.s32 $0x0;
	v4 =	vsel vm9, v7, v4;
	v3 =	vsel vm5, v2, v3  }
0x283: {  	v7 =	vsel vm9, $0x13, v7;
	v2 =	vsel vm5, v56, v2;
	vm6 =	vgt.f32 v58, v3  }
0x284: {  	v63 =	vld [tilespmem:s16+$0x3A00];
	v8 =	vsel vm6, $0xFFFFFFFF, v61;
	v3 =	vsel vm6, v58, v3;
	vm6 =	vgt.f32 v58, v2  }
0x285: {  	v4 =	vsel vm0, $0x14, v4;
	vm0 =	vnez.u8 v22;
	v3 =	vsel vm6, v2, v3  }
0x286: {  	v14 =	vld [tilespmem:s16+$0x3C00];
	[tilespmem:$0x1FB80] =	vst v5;
	v4 =	vsel vm10, v7, v4;
	v2 =	vsel vm6, v58, v2;
	vm7 =	vgt.f32 v60, v3  }
0x287: {  	v28 =	vld [tilespmem:$0x1FB80];
	v6 =	vsel vm7, $0xFFFFFFFF, v12;
	v3 =	vsel vm7, v60, v3;
	vm7 =	vgt.f32 v60, v2  }
0x288: {  	v7 =	vsel vm10, $0x14, v7;
	v4 =	vsel vm0, $0x15, v4;
	v3 =	vsel vm7, v2, v3  }
0x289: {  	v25 =	vsel vm12, $0x15, v7;
	v2 =	vsel vm7, v60, v2;
	vm8 =	vgt.f32 v63, v3  }
0x28a: {  	v17 =	vld [tilespmem:s16+$0x3E00];
	v5 =	vsel vm8, $0xFFFFFFFF, v15;
	v3 =	vsel vm8, v63, v3;
	vm8 =	vgt.f32 v63, v2  }
0x28b: {  	v56 =	vimm.s32 $0x0;
	v4 =	vsel vm12, v7, v4;
	v3 =	vsel vm8, v2, v3  }
0x28c: {  	vm12 =	vnez.u8 v28;
	v2 =	vsel vm8, v63, v2;
	vm9 =	vgt.f32 v14, v3  }
0x28d: {  	v20 =	vld [tilespmem:s16+$0x4000];
	[tilespmem:$0x1FB90] =	vst v8;
	v8 =	vsel vm9, $0xFFFFFFFF, v18;
	v3 =	vsel vm9, v14, v3;
	vm9 =	vgt.f32 v14, v2  }
0x28e: {  	v28 =	vimm.s32 $0x0;
	v4 =	vsel vm11, $0x16, v4;
	v3 =	vsel vm9, v2, v3  }
0x28f: {  	v4 =	vsel vm1, v25, v4;
	v2 =	vsel vm9, v14, v2;
	vm10 =	vgt.f32 v17, v3  }
0x290: {  	v23 =	vld [tilespmem:s16+$0x4200];
	[tilespmem:$0x1FBA0] =	vst v6;
	v6 =	vsel vm10, $0xFFFFFFFF, v21;
	v3 =	vsel vm10, v17, v3;
	vm10 =	vgt.f32 v17, v2  }
0x291: {  	v4 =	vsel vm12, $0x17, v4;
	v12 =	vimm.s32 $0x0;
	v3 =	vsel vm10, v2, v3  }
0x292: {  	v15 =	vimm.s32 $0x0;
	v2 =	vsel vm10, v17, v2;
	vm11 =	vgt.f32 v20, v3  }
0x293: {  	[tilespmem:$0x1FBB0] =	vst v5;
	v5 =	vsel vm11, $0xFFFFFFFF, v24;
	v3 =	vsel vm11, v20, v3;
	vm11 =	vgt.f32 v20, v2  }
0x294: {  	v26 =	vld [tilespmem:s16+$0x4400];
	v18 =	vimm.s32 $0x0;
	v3 =	vsel vm11, v2, v3;
	v2 =	vsel vm11, v20, v2  }
0x295: {  	v36 =	vld [tilespmem:$0x1FBA0];
	[tilespmem:$0x1FBE0] =	vst v5;
	v5 =	vsel vm1, $0x16, v25;
	vm0 =	vgt.f32 v23, v3;
	vm1 =	vgt.f32 v23, v2  }
0x296: {  	v4 =	vsel vm2, v5, v4;
	v5 =	vsel vm2, $0x17, v5;
	v3 =	vsel vm0, v23, v3  }
0x297: {  	v34 =	vld [tilespmem:$0x1FB90];
	[tilespmem:$0x1FBC0] =	vst v8;
	v8 =	vsel vm0, $0xFFFFFFFF, v27;
	v4 =	vsel vm13, $0x18, v4;
	v3 =	vsel vm1, v2, v3  }
0x298: {  	v29 =	vld [tilespmem:s16+$0x4600];
	v2 =	vsel vm1, v23, v2;
	v4 =	vsel vm3, v5, v4;
	v5 =	vsel vm3, $0x18, v5  }
0x299: {  	vm0 =	vgt.f32 v26, v3;
	vm2 =	vgt.f32 v26, v2;
	v4 =	vsel vm14, $0x19, v4  }
0x29a: {  	vm14 =	vnez.u8 v36;
	v3 =	vsel vm0, v26, v3;
	v4 =	vsel vm4, v5, v4  }
0x29b: {  	v5 =	vsel vm4, $0x19, v5;
	v3 =	vsel vm2, v2, v3;
	v2 =	vsel vm2, v26, v2  }
0x29c: {  	v30 =	vld [tilespmem:s16+$0x4800];
	v4 =	vsel vm15, $0x1A, v4;
	vm15 =	vnez.u8 v34;
	v26 =	vimm.s32 $0x0  }
0x29d: {  	v39 =	vld [tilespmem:$0x1FBB0];
	v34 =	vimm.s32 $0x0;
	vm13 =	vgt.f32 v29, v3;
	vm3 =	vgt.f32 v29, v2  }
0x29e: {  	v4 =	vsel vm5, v5, v4;
	v5 =	vsel vm5, $0x1A, v5;
	v7 =	vsel vm13, $0xFFFFFFFF, v31  }
0x29f: {  	v32 =	vld [tilespmem:s16+$0x4A00];
	v3 =	vsel vm13, v29, v3;
	v4 =	vsel vm15, $0x1B, v4;
	v31 =	vimm.s32 $0x0  }
0x2a0: {  	v3 =	vsel vm3, v2, v3;
	v2 =	vsel vm3, v29, v2;
	v4 =	vsel vm6, v5, v4  }
0x2a1: {  	v42 =	vld [tilespmem:$0x1FBC0];
	v5 =	vsel vm6, $0x1B, v5;
	vm12 =	vgt.f32 v30, v3;
	vm4 =	vgt.f32 v30, v2  }
0x2a2: {  	v33 =	vld [tilespmem:s16+$0x4C00];
	v4 =	vsel vm14, $0x1C, v4;
	vm14 =	vnez.u8 v39;
	v3 =	vsel vm12, v30, v3  }
0x2a3: {  	[tilespmem:$0x1FBD0] =	vst v6;
	v39 =	vimm.s32 $0x0;
	v4 =	vsel vm7, v5, v4;
	v3 =	vsel vm4, v2, v3  }
0x2a4: {  	v45 =	vld [tilespmem:$0x1FBD0];
	v5 =	vsel vm7, $0x1C, v5;
	v2 =	vsel vm4, v30, v2;
	vm13 =	vgt.f32 v32, v3  }
0x2a5: {  	v35 =	vld [tilespmem:s16+$0x4E00];
	v4 =	vsel vm14, $0x1D, v4;
	vm5 =	vgt.f32 v32, v2;
	v3 =	vsel vm13, v32, v3  }
0x2a6: {  	vm14 =	vnez.u8 v42;
	v4 =	vsel vm8, v5, v4;
	v3 =	vsel vm5, v2, v3  }
0x2a7: {  	v48 =	vld [tilespmem:$0x1FBE0];
	v5 =	vsel vm8, $0x1D, v5;
	v2 =	vsel vm5, v32, v2;
	vm15 =	vgt.f32 v33, v3  }
0x2a8: {  	v37 =	vld [tilespmem:s16+$0x5000];
	v4 =	vsel vm14, $0x1E, v4;
	vm6 =	vgt.f32 v33, v2;
	v3 =	vsel vm15, v33, v3  }
0x2a9: {  	vm14 =	vnez.u8 v45;
	v4 =	vsel vm9, v5, v4;
	v3 =	vsel vm6, v2, v3  }
0x2aa: {  	v5 =	vsel vm9, $0x1E, v5;
	v2 =	vsel vm6, v33, v2;
	vm7 =	vgt.f32 v35, v3  }
0x2ab: {  	v40 =	vld [tilespmem:s16+$0x5200];
	[tilespmem:$0x1FBF0] =	vst v8;
	v8 =	vsel vm7, $0xFFFFFFFF, v38;
	v3 =	vsel vm7, v35, v3;
	vm7 =	vgt.f32 v35, v2  }
0x2ac: {  	v4 =	vsel vm14, $0x1F, v4;
	vm14 =	vnez.u8 v48;
	v3 =	vsel vm7, v2, v3  }
0x2ad: {  	v4 =	vsel vm10, v5, v4;
	v2 =	vsel vm7, v35, v2;
	vm8 =	vgt.f32 v37, v3  }
0x2ae: {  	v43 =	vld [tilespmem:s16+$0x5400];
	v6 =	vsel vm8, $0xFFFFFFFF, v41;
	v3 =	vsel vm8, v37, v3;
	vm8 =	vgt.f32 v37, v2  }
0x2af: {  	v5 =	vsel vm10, $0x1F, v5;
	v4 =	vsel vm14, $0x20, v4;
	v3 =	vsel vm8, v2, v3  }
0x2b0: {  	v52 =	vld [tilespmem:$0x1FBF0];
	v4 =	vsel vm11, v5, v4;
	v2 =	vsel vm8, v37, v2;
	vm9 =	vgt.f32 v40, v3  }
0x2b1: {  	v46 =	vld [tilespmem:s16+$0x5600];
	[tilespmem:$0x1FC00] =	vst v7;
	v7 =	vsel vm9, $0xFFFFFFFF, v44;
	v3 =	vsel vm9, v40, v3;
	vm9 =	vgt.f32 v40, v2  }
0x2b2: {  	v5 =	vsel vm11, $0x20, v5;
	v3 =	vsel vm9, v2, v3;
	v2 =	vsel vm9, v40, v2  }
0x2b3: {  	v37 =	vimm.s32 $0x0;
	vm10 =	vgt.f32 v43, v3;
	vm14 =	vgt.f32 v43, v2  }
0x2b4: {  	v49 =	vld [tilespmem:s16+$0x5800];
	[tilespmem:$0x1FC10] =	vst v8;
	v8 =	vsel vm10, $0xFFFFFFFF, v47;
	v3 =	vsel vm10, v43, v3;
	v9 =	vsel vm14, $0xFFFFFFFF, v50  }
0x2b5: {  	v3 =	vsel vm14, v2, v3;
	v2 =	vsel vm14, v43, v2;
	vm14 =	vnez.u8 v52  }
0x2b6: {  	v57 =	vld [tilespmem:$0x1FC00];
	vm11 =	vgt.f32 v46, v3;
	v4 =	vsel vm14, $0x21, v4;
	vm10 =	vgt.f32 v46, v2  }
0x2b7: {  	v53 =	vld [tilespmem:s16+$0x5A00];
	[tilespmem:$0x1FC20] =	vst v6;
	v6 =	vsel vm11, $0xFFFFFFFF, v51;
	v3 =	vsel vm11, v46, v3;
	v4 =	vsel vm1, v5, v4  }
0x2b8: {  	[tilespmem:$0x1FC50] =	vst v9;
	v5 =	vsel vm1, $0x21, v5;
	v3 =	vsel vm10, v2, v3;
	v2 =	vsel vm10, v46, v2  }
0x2b9: {  	v24 =	vld [tilespmem:$0x1FC50];
	v4 =	vsel vm0, $0x22, v4;
	vm14 =	vgt.f32 v49, v3;
	vm1 =	vgt.f32 v49, v2  }
0x2ba: {  	v4 =	vsel vm2, v5, v4;
	v5 =	vsel vm2, $0x22, v5;
	v3 =	vsel vm14, v49, v3  }
0x2bb: {  	v55 =	vld [tilespmem:s16+$0x5C00];
	[tilespmem:$0x1FC30] =	vst v7;
	v7 =	vsel vm14, $0xFFFFFFFF, v54;
	vm14 =	vnez.u8 v57;
	v3 =	vsel vm1, v2, v3  }
0x2bc: {  	v2 =	vsel vm1, v49, v2;
	v4 =	vsel vm14, $0x23, v4;
	vm11 =	vgt.f32 v53, v3  }
0x2bd: {  	vm2 =	vgt.f32 v53, v2;
	v4 =	vsel vm3, v5, v4;
	v5 =	vsel vm3, $0x23, v5  }
0x2be: {  	[tilespmem:$0x1FC40] =	vst v8;
	vm3 =	vnez.u8 v24;
	v8 =	vsel vm11, $0xFFFFFFFF, v56;
	v3 =	vsel vm11, v53, v3  }
0x2bf: {  	v58 =	vld [tilespmem:s16+$0x5E00];
	v4 =	vsel vm12, $0x24, v4;
	v3 =	vsel vm2, v2, v3;
	v2 =	vsel vm2, v53, v2  }
0x2c0: {  	v13 =	vld [tilespmem:$0x1FC10];
	v4 =	vsel vm4, v5, v4;
	v5 =	vsel vm4, $0x24, v5;
	vm11 =	vgt.f32 v55, v3  }
0x2c1: {  	v16 =	vld [tilespmem:$0x1FC20];
	[tilespmem:$0x1FC60] =	vst v6;
	vm12 =	vgt.f32 v55, v2;
	v4 =	vsel vm13, $0x25, v4;
	v6 =	vsel vm11, $0xFFFFFFFF, v59  }
0x2c2: {  	v60 =	vld [tilespmem:s16+$0x6000];
	v3 =	vsel vm11, v55, v3;
	v4 =	vsel vm5, v5, v4;
	v5 =	vsel vm5, $0x25, v5  }
0x2c3: {  	v20 =	vld [tilespmem:$0x1FC30];
	v3 =	vsel vm12, v2, v3;
	v2 =	vsel vm12, v55, v2;
	v4 =	vsel vm15, $0x26, v4  }
0x2c4: {  	vm4 =	vgt.f32 v58, v3;
	vm13 =	vgt.f32 v58, v2;
	v4 =	vsel vm6, v5, v4  }
0x2c5: {  	v5 =	vsel vm6, $0x26, v5;
	vm6 =	vnez.u8 v13;
	v3 =	vsel vm4, v58, v3  }
0x2c6: {  	v61 =	vld [tilespmem:s16+$0x6200];
	v4 =	vsel vm6, $0x27, v4;
	vm6 =	vnez.u8 v16;
	v3 =	vsel vm13, v2, v3  }
0x2c7: {  	v2 =	vsel vm13, v58, v2;
	v4 =	vsel vm7, v5, v4;
	v5 =	vsel vm7, $0x27, v5  }
0x2c8: {  	v25 =	vld [tilespmem:$0x1FC60];
	vm14 =	vgt.f32 v60, v3;
	v4 =	vsel vm6, $0x28, v4;
	vm6 =	vnez.u8 v20  }
0x2c9: {  	v63 =	vld [tilespmem:s16+$0x6400];
	[tilespmem:$0x1FC80] =	vst v8;
	v8 =	vsel vm14, $0xFFFFFFFF, v62;
	v3 =	vsel vm14, v60, v3;
	vm14 =	vgt.f32 v60, v2  }
0x2ca: {  	v4 =	vsel vm8, v5, v4;
	v5 =	vsel vm8, $0x28, v5;
	v3 =	vsel vm14, v2, v3  }
0x2cb: {  	v14 =	vld [tilespmem:s16+$0x6600];
	v2 =	vsel vm14, v60, v2;
	v4 =	vsel vm6, $0x29, v4;
	vm15 =	vgt.f32 v61, v3  }
0x2cc: {  	v22 =	vld [tilespmem:$0x1FC40];
	[tilespmem:$0x1FC90] =	vst v6;
	v6 =	vsel vm15, $0xFFFFFFFF, v12;
	v3 =	vsel vm15, v61, v3;
	vm15 =	vgt.f32 v61, v2  }
0x2cd: {  	vm8 =	vnez.u8 v25;
	v4 =	vsel vm9, v5, v4;
	v3 =	vsel vm15, v2, v3  }
0x2ce: {  	v5 =	vsel vm9, $0x29, v5;
	v2 =	vsel vm15, v61, v2;
	vm11 =	vgt.f32 v63, v3  }
0x2cf: {  	v17 =	vld [tilespmem:s16+$0x6800];
	[tilespmem:$0x1FC70] =	vst v7;
	vm7 =	vgt.f32 v63, v2;
	v7 =	vsel vm11, $0xFFFFFFFF, v15;
	v3 =	vsel vm11, v63, v3  }
0x2d0: {  	v9 =	vsel vm7, $0xFFFFFFFF, v18;
	v3 =	vsel vm7, v2, v3;
	v2 =	vsel vm7, v63, v2  }
0x2d1: {  	v29 =	vld [tilespmem:$0x1FC70];
	vm7 =	vnez.u8 v22;
	vm11 =	vgt.f32 v14, v3;
	vm0 =	vgt.f32 v14, v2  }
0x2d2: {  	v21 =	vld [tilespmem:s16+$0x6A00];
	[tilespmem:$0x1FCA0] =	vst v8;
	v4 =	vsel vm7, $0x2A, v4;
	v8 =	vsel vm11, $0xFFFFFFFF, v19;
	v3 =	vsel vm11, v14, v3  }
0x2d3: {  	v4 =	vsel vm3, v5, v4;
	v5 =	vsel vm3, $0x2A, v5;
	v3 =	vsel vm0, v2, v3  }
0x2d4: {  	v32 =	vld [tilespmem:$0x1FC80];
	v2 =	vsel vm0, v14, v2;
	v4 =	vsel vm8, $0x2B, v4;
	vm9 =	vgt.f32 v17, v3  }
0x2d5: {  	v23 =	vld [tilespmem:s16+$0x6C00];
	vm11 =	vgt.f32 v17, v2;
	v4 =	vsel vm10, v5, v4;
	v3 =	vsel vm9, v17, v3  }
0x2d6: {  	v5 =	vsel vm10, $0x2B, v5;
	vm10 =	vnez.u8 v29;
	v3 =	vsel vm11, v2, v3  }
0x2d7: {  	v4 =	vsel vm10, $0x2C, v4;
	v2 =	vsel vm11, v17, v2;
	vm8 =	vgt.f32 v21, v3  }
0x2d8: {  	v27 =	vld [tilespmem:s16+$0x6E00];
	[tilespmem:$0x1FCC0] =	vst v7;
	v7 =	vsel vm8, $0xFFFFFFFF, v26;
	v3 =	vsel vm8, v21, v3;
	vm8 =	vgt.f32 v21, v2  }
0x2d9: {  	vm7 =	vnez.u8 v32;
	v4 =	vsel vm1, v5, v4;
	v3 =	vsel vm8, v2, v3  }
0x2da: {  	v35 =	vld [tilespmem:$0x1FC90];
	v5 =	vsel vm1, $0x2C, v5;
	v2 =	vsel vm8, v21, v2;
	vm5 =	vgt.f32 v23, v3  }
0x2db: {  	v30 =	vld [tilespmem:s16+$0x7000];
	v4 =	vsel vm7, $0x2D, v4;
	vm10 =	vgt.f32 v23, v2;
	v3 =	vsel vm5, v23, v3  }
0x2dc: {  	v4 =	vsel vm2, v5, v4;
	v5 =	vsel vm2, $0x2D, v5;
	v3 =	vsel vm10, v2, v3  }
0x2dd: {  	v40 =	vld [tilespmem:$0x1FCA0];
	[tilespmem:$0x1FCE0] =	vst v8;
	v8 =	vsel vm5, $0xFFFFFFFF, v28;
	v2 =	vsel vm10, v23, v2;
	vm6 =	vgt.f32 v27, v3  }
0x2de: {  	[tilespmem:$0x1FCB0] =	vst v6;
	vm7 =	vgt.f32 v27, v2;
	v6 =	vsel vm6, $0xFFFFFFFF, v31;
	v3 =	vsel vm6, v27, v3  }
0x2df: {  	v33 =	vld [tilespmem:s16+$0x7200];
	vm6 =	vnez.u8 v35;
	v3 =	vsel vm7, v2, v3;
	v2 =	vsel vm7, v27, v2  }
0x2e0: {  	v4 =	vsel vm6, $0x2E, v4;
	vm5 =	vgt.f32 v30, v3;
	vm6 =	vgt.f32 v30, v2  }
0x2e1: {  	v36 =	vld [tilespmem:s16+$0x7400];
	[tilespmem:$0x1FCF0] =	vst v7;
	v4 =	vsel vm12, v5, v4;
	v5 =	vsel vm12, $0x2E, v5;
	v7 =	vsel vm5, $0xFFFFFFFF, v34  }
0x2e2: {  	v42 =	vld [tilespmem:$0x1FCB0];
	v3 =	vsel vm5, v30, v3;
	v4 =	vsel vm4, $0x2F, v4;
	vm4 =	vnez.u8 v40  }
0x2e3: {  	[tilespmem:$0x1FCD0] =	vst v9;
	v3 =	vsel vm6, v2, v3;
	v2 =	vsel vm6, v30, v2;
	v4 =	vsel vm13, v5, v4  }
0x2e4: {  	v46 =	vld [tilespmem:$0x1FCD0];
	v5 =	vsel vm13, $0x2F, v5;
	vm12 =	vgt.f32 v33, v3;
	vm5 =	vgt.f32 v33, v2  }
0x2e5: {  	v38 =	vld [tilespmem:s16+$0x7600];
	[tilespmem:$0x1FD00] =	vst v8;
	v4 =	vsel vm4, $0x30, v4;
	v8 =	vsel vm12, $0xFFFFFFFF, v37;
	v3 =	vsel vm12, v33, v3  }
0x2e6: {  	v44 =	vld [tilespmem:$0x1FCC0];
	v4 =	vsel vm14, v5, v4;
	v5 =	vsel vm14, $0x30, v5;
	v3 =	vsel vm5, v2, v3  }
0x2e7: {  	v41 =	vld [tilespmem:s16+$0x7800];
	vm12 =	vnez.u8 v42;
	v2 =	vsel vm5, v33, v2;
	vm13 =	vgt.f32 v36, v3  }
0x2e8: {  	v47 =	vld [tilespmem:$0x1FCE0];
	v4 =	vsel vm12, $0x31, v4;
	vm4 =	vgt.f32 v36, v2;
	v3 =	vsel vm13, v36, v3  }
0x2e9: {  	vm12 =	vnez.u8 v46;
	v4 =	vsel vm15, v5, v4;
	v3 =	vsel vm4, v2, v3  }
0x2ea: {  	v43 =	vld [tilespmem:s16+$0x7A00];
	[tilespmem:$0x1FD10] =	vst v6;
	v6 =	vsel vm13, $0xFFFFFFFF, v39;
	v2 =	vsel vm4, v36, v2;
	vm14 =	vgt.f32 v38, v3  }
0x2eb: {  	v49 =	vld [tilespmem:$0x1FCF0];
	vm13 =	vnez.u8 v44;
	vm3 =	vgt.f32 v38, v2;
	v3 =	vsel vm14, v38, v3  }
0x2ec: {  	v5 =	vsel vm15, $0x31, v5;
	v4 =	vsel vm13, $0x32, v4;
	v3 =	vsel vm3, v2, v3  }
0x2ed: {  	vm13 =	vnez.u8 v47;
	v2 =	vsel vm3, v38, v2;
	vm15 =	vgt.f32 v41, v3  }
0x2ee: {  	v45 =	vld [tilespmem:s16+$0x7C00];
	v4 =	vsel vm12, v5, v4;
	vm2 =	vgt.f32 v41, v2;
	v3 =	vsel vm15, v41, v3  }
0x2ef: {  	v5 =	vsel vm12, $0x32, v5;
	v4 =	vsel vm13, $0x33, v4;
	v3 =	vsel vm2, v2, v3  }
0x2f0: {  	v50 =	vld [tilespmem:$0x1FD00];
	vm13 =	vnez.u8 v49;
	v2 =	vsel vm2, v41, v2;
	vm12 =	vgt.f32 v43, v3  }
0x2f1: {  	v48 =	vld [tilespmem:s16+$0x7E00];
	v4 =	vsel vm0, v5, v4;
	vm1 =	vgt.f32 v43, v2;
	v3 =	vsel vm12, v43, v3  }
0x2f2: {  	v5 =	vsel vm0, $0x33, v5;
	v4 =	vsel vm9, $0x34, v4;
	v3 =	vsel vm1, v2, v3  }
0x2f3: {  	v4 =	vsel vm11, v5, v4;
	v2 =	vsel vm1, v43, v2;
	vm9 =	vgt.f32 v45, v3  }
0x2f4: {  	v52 =	vld [tilespmem:$0x1FD10];
	v5 =	vsel vm11, $0x34, v5;
	vm0 =	vgt.f32 v45, v2;
	v3 =	vsel vm9, v45, v3  }
0x2f5: {  	[tilespmem:$0x1FD20] =	vst v7;
	v4 =	vsel vm13, $0x35, v4;
	vm13 =	vnez.u8 v50;
	v3 =	vsel vm0, v2, v3  }
0x2f6: {  	v53 =	vld [tilespmem:$0x1FD20];
	v4 =	vsel vm8, v5, v4;
	v2 =	vsel vm0, v45, v2;
	vm11 =	vgt.f32 v48, v3  }
0x2f7: {  	[tilespmem:$0x1FD30] =	vst v8;
	v5 =	vsel vm8, $0x35, v5;
	vm8 =	vgt.f32 v48, v2;
	v3 =	vsel vm11, v48, v3  }
0x2f8: {  	v54 =	vld [tilespmem:$0x1FD30];
	v4 =	vsel vm13, $0x36, v4;
	v3 =	vsel vm8, v2, v3;
	v2 =	vsel vm8, v48, v2  }
0x2f9: {  	[tilespmem:$0x1FD40] =	vst v6;
	vm13 =	vnez.u8 v52;
	v2 =	vsub.f32 v3, v2;
	v3 =	vsel vm10, v5, v4  }
0x2fa: {  	v55 =	vld [tilespmem:$0x1FD40];
	v51 =	vsel vm10, $0x36, v5;
	v3 =	vsel vm13, $0x37, v3  }
0x2fb: {  	vm13 =	vnez.u8 v53;
	v3 =	vsel vm7, v51, v3;
	v2 =	vmul.f32 $1.442695020e+00, v2  }
0x2fc: {  	v4 =	vsel vm7, $0x37, v51;
	v3 =	vsel vm13, $0x38, v3  }
0x2fd: {  	vm10 =	vnez.u8 v54;
	(erf) = vpow2.f32 v2;
	v2 =	vsel vm6, v4, v3  }
0x2fe: {  	v3 =	vsel vm6, $0x38, v4;
	v2 =	vsel vm10, $0x39, v2  }
0x2ff: {  	vm13 =	vnez.u8 v55;
	v2 =	vsel vm5, v3, v2  }
0x300: {  	v3 =	vsel vm5, $0x39, v3;
	v2 =	vsel vm13, $0x3A, v2  }
0x301: {  	v2 =	vsel vm4, v3, v2  }
0x302: {  	v3 =	vsel vm4, $0x3A, v3;
	v2 =	vsel vm14, $0x3B, v2  }
0x303: {  	v2 =	vsel vm3, v3, v2  }
0x304: {  	v3 =	vsel vm3, $0x3B, v3;
	v2 =	vsel vm15, $0x3C, v2  }
0x305: {  	v2 =	vsel vm2, v3, v2  }
0x306: {  	v3 =	vsel vm2, $0x3C, v3;
	v2 =	vsel vm12, $0x3D, v2;
	v56 =	vpop (erf)  }
0x307: {  	v2 =	vsel vm1, v3, v2;
	v4 =	vadd.f32 $1.000000000e+00, v56  }
0x308: {  	v3 =	vsel vm1, $0x3D, v3;
	v2 =	vsel vm9, $0x3E, v2  }
0x309: {  	v57 =	vsel vm0, $0x3E, v3;
	v2 =	vsel vm0, v3, v2;
	(erf) = vrcp.f32 v4  }
0x30a: {  	v3 =	vsel vm8, $0x3F, v57;
	v2 =	vsel vm11, $0x3F, v2  }
0x30b: {  	v2 =	vsel vm8, v57, v2;
	_ =	sdelay $0x2  }
0x30c: {  	s15 =	sadd.s32 $0x10, s15  }
0x30d: {  	v59 =	vmov s15;
	v58 =	vld.idx.msk [tilespmem:v3+s11+$0x0], $0xffff  }
0x30e: {  	v5 =	vshll.u32 v59, $0x3;
	v60 =	vld.idx.msk [tilespmem:v2+s11+$0x0], $0xffff  }
0x30f: {  	v5 =	vor.u32 v1, v5  }
0x310: {  	v61 =	vor.u32 $0x1, v5;
	v62 =	vpop (erf)  }
0x311: {  	v63 =	vsub.f32 $1.000000000e+00, v62  }
0x312: {  	v4 =	vmul.f32 v62, v58  }
0x313: {  	v6 =	vmul.f32 v63, v60  }
0x314: {  	[tilespmem:v5+s12+$0x0] =	vst.idx.msk $0xffff, v4  }
0x315: {  	[tilespmem:v61+s12+$0x0] =	vst.idx.msk $0xffff, v6  }
0x316: {  	[tilespmem:v5+s13+$0x0] =	vst.idx.msk $0xffff, v3  }
0x317: {  	[tilespmem:v61+s13+$0x0] =	vst.idx.msk $0xffff, v2  }
0x318: {  	[hbm4b:s5+s3] =	stream.linear.scatter [tilespmem:s12], [sflag:$0x1], $0x1000, $0x38;
	[tilespmem:$0xA040] =	vst v63  }
0x319: {  	s14 =	sadd.s32 $0x1, s14;
	_ =	swait.ge [sflag:s10], $0x1000  }
0x31a: {  	p0 =	sne.s32 s14, s7;
	[sflag:s10] =	ssyncset.done $0x0  }
.Ltmp1:
0x31b: {  	[sflag:s10] =	ssyncadd.s32 $0xFFFFF000;
	(pc) =	sbr.rel @p0 .LBB2_1-.Ltmp1, $4  }
0x31c: {  	[hbm4b:s6+s3] =	stream.linear.scatter [tilespmem:s13], [sflag:$0x1], $0x1000, $0x38;
	[tilespmem:$0xA040] =	vst v63  }
0x31d: {  	_ =	swait.ge [sflag:s10], $0x1000  }
0x31e: {  	[sflag:s10] =	ssyncset.done $0x0  }
0x31f: {  	[sflag:s10] =	ssyncadd.s32 $0xFFFFF000  }
0x320: {  	_ =	sfence.sel $0x180000  }
0x321: {  	[bflag:$0x0] =	sbarrier.arrive $0xFFFF  }
0x322: {  	p0 =	sne.s32 s1, $0x0;
	_ =	strace $0x90000047  }
0x323: {  	s0 =	sadd.s32 @!p0 $0x100000, s0;
	[bflag:$0x2] =	sbarrier.arrive $0xFFFF  }
0x324: {  	[sflag:s0] =	ssyncadd.tile.s32 @!p0 $0x1;
	_ =	shalt  }
.Lfunc_end2:
_tile_overlayer_lowered:
.L_overlay_start_2:
0x325: {  	(tag) =	ssettag $0x2  }
0x326: {  	s0 =	rddreg [dreg:$0x0];
	s2 =	stileid.u32  }
0x327: {  	s1 =	rddreg [dreg:$0x1];
	p0 =	sne.s32 s2, $0x0  }
0x328: {  	s3 =	rddreg [dreg:$0x2];
	[bflag:$0x3] =	sbarrier.arrive $0xFFFF;
	s2 =	simm.s32 @!p0 $0x1C01  }
0x329: {  	[timem:s3], [sflag:s2] =	dma.local @!p0 [hbm:s0], s1  }
0x32a: {  	s0 =	simm.s32 @!p0 $0x1  }
0x32b: {  	_ =	swait.ge @!p0 [sflag:s0], s1  }
0x32c: {  	s1 =	ssub.s32 @!p0 $0x0, s1;
	[sflag:s0] =	ssyncset.done @!p0 $0x0  }
0x32d: {  	[sflag:s0] =	ssyncadd.s32 @!p0 s1  }
0x32e: {  	[bflag:$0x3] =	sbarrier.arrive $0xFFFF  }
0x32f: {  	_ =	shalt  }

</sc_bundles>
